<compile_context>
chip_gen: v7x
topology: tpu7x:2x2x1
jax: 0.10.2.dev20260603
libtpu: 0.0.44.dev20260713+nightly
codegen_flags: <defaults>
</compile_context>

<pallas_src>
import jax
import jax.numpy as jnp
from jax import lax
from jax.experimental import pallas as pl
from jax.experimental.pallas import tpu as pltpu
from jax.experimental.pallas import tpu_sc as plsc

B, N, K = 4, 2048, 20
C = 128
G = 256
NGROUPS = 4
CPG = G // NGROUPS

ROWS = 512
TN = 512
NT = N // TN

NCORES, NSUB = 2, 16
NW = NCORES * NSUB
TOT = B * N * K
IPW = TOT // NW
CHUNK = 128
NCHUNK = IPW // CHUNK


def _knn_body(ptst_ref, ptile_ref, idx_ref, tab_ref):
    b = pl.program_id(0)
    pcol = ptst_ref[0]
    prow = jnp.transpose(ptile_ref[0])
    tab_ref[0] = jnp.concatenate(
        [prow, jnp.zeros((ROWS, 8), jnp.float32)], axis=1)
    sqr = jnp.sum(prow * prow, axis=1, keepdims=True)
    sqc = jnp.sum(pcol * pcol, axis=0, keepdims=True)
    inner = jnp.dot(prow, pcol, preferred_element_type=jnp.float32)
    d = (sqr + sqc) - 2.0 * inner
    lane = lax.broadcasted_iota(jnp.int32, (ROWS, N), 1)
    ams = []
    for k in range(K):
        am = jnp.argmin(d, axis=1).astype(jnp.int32)[:, None]
        ams.append(am)
        d = jnp.where(lane == am, jnp.float32("inf"), d)
    allk = jnp.concatenate(ams, axis=1)
    idx_ref[0] = jnp.transpose(allk) + b * N


def _sc_gather_body(idx_hbm, tab_hbm, out_hbm, idx_v, rows_v, sem):
    wid = lax.axis_index("s") * NCORES + lax.axis_index("c")
    pltpu.sync_copy(idx_hbm.at[pl.ds(wid * NCHUNK, NCHUNK)], idx_v)
    for j in range(NCHUNK):
        pltpu.async_copy(tab_hbm.at[idx_v.at[j]],
                         rows_v.at[pl.ds(j * CHUNK, CHUNK)], sem)
    for j in range(NCHUNK):
        pltpu.make_async_copy(tab_hbm.at[idx_v.at[j]],
                              rows_v.at[pl.ds(j * CHUNK, CHUNK)], sem).wait()
    pltpu.sync_copy(rows_v, out_hbm.at[pl.ds(wid * IPW, IPW)])


def _pool_body(g_ref, ptile_ref, anbT_ref, aselfT_ref, cnb_ref, cself_ref,
               u_ref, st_ref):
    anbT = anbT_ref[...]
    p0 = jnp.dot(g_ref[0, 0], anbT, preferred_element_type=jnp.float32)
    mx, s1, q1 = p0, p0, p0 * p0
    for k in range(1, K):
        pk = jnp.dot(g_ref[0, k], anbT, preferred_element_type=jnp.float32)
        mx = jnp.maximum(mx, pk)
        s1 = s1 + pk
        q1 = q1 + pk * pk
    cnb = cnb_ref[...]
    kf = jnp.float32(K)
    mxc = mx + cnb
    s1c = s1 + kf * cnb
    q1c = q1 + 2.0 * cnb * s1 + kf * cnb * cnb
    a_self = lax.dot_general(ptile_ref[0], aselfT_ref[...],
                             (((0,), (0,)), ((), ())),
                             preferred_element_type=jnp.float32)
    a_self = a_self + cself_ref[...]
    u_ref[0] = mxc + a_self
    zs = s1c + kf * a_self
    qs = q1c + 2.0 * s1c * a_self + kf * a_self * a_self
    st_ref[0, 0, 0:1, :] = jnp.sum(zs, axis=0, keepdims=True)
    st_ref[0, 0, 1:2, :] = jnp.sum(qs, axis=0, keepdims=True)


def _out_body(u_ref, st_ref, gmat_ref, gamma_ref, beta_ref, wpT_ref, bp_ref,
              o_ref):
    st = st_ref[0]
    t2 = jnp.sum(st, axis=0)
    s = t2[0:1, :]
    q = t2[1:2, :]
    cnt = jnp.float32(CPG * N * K)
    sg = jnp.dot(s, gmat_ref[...], preferred_element_type=jnp.float32)
    qg = jnp.dot(q, gmat_ref[...], preferred_element_type=jnp.float32)
    mean = sg / cnt
    var = qg / cnt - mean * mean
    rstd = lax.rsqrt(var + 1e-5)
    x = (u_ref[0] - mean) * rstd * gamma_ref[...] + beta_ref[...]
    x = jnp.where(x >= 0, x, 0.2 * x)
    y = jnp.dot(x, wpT_ref[...],
                preferred_element_type=jnp.float32) + bp_ref[...]
    o_ref[0] = jnp.transpose(y)


def _knn_call(ptsT):
    return pl.pallas_call(
        _knn_body,
        grid=(B, N // ROWS),
        in_specs=[
            pl.BlockSpec((1, 8, N), lambda b, t: (b, 0, 0)),
            pl.BlockSpec((1, 8, ROWS), lambda b, t: (b, 0, t)),
        ],
        out_specs=[
            pl.BlockSpec((1, K, ROWS), lambda b, t: (b, 0, t)),
            pl.BlockSpec((1, ROWS, 16), lambda b, t: (b, t, 0)),
        ],
        out_shape=[
            jax.ShapeDtypeStruct((B, K, N), jnp.int32),
            jax.ShapeDtypeStruct((B, N, 16), jnp.float32),
        ],
    )(ptsT, ptsT)


def _gather_call(idx2d, tab):
    f = pl.kernel(
        _sc_gather_body,
        out_type=jax.ShapeDtypeStruct((TOT, 16), jnp.float32),
        mesh=plsc.VectorSubcoreMesh(core_axis_name="c", subcore_axis_name="s"),
        scratch_types=[
            pltpu.VMEM((NCHUNK, CHUNK), jnp.int32),
            pltpu.VMEM((IPW, 16), jnp.float32),
            pltpu.SemaphoreType.DMA,
        ],
        compiler_params=pltpu.CompilerParams(use_tc_tiling_on_sc=False),
    )
    return f(idx2d, tab)


def _pool_call(g4, ptsT, anbT, aselfT, cnb, cself):
    return pl.pallas_call(
        _pool_body,
        grid=(B, NT),
        in_specs=[
            pl.BlockSpec((1, K, TN, 16), lambda b, t: (b, 0, t, 0)),
            pl.BlockSpec((1, 8, TN), lambda b, t: (b, 0, t)),
            pl.BlockSpec((16, G), lambda b, t: (0, 0)),
            pl.BlockSpec((8, G), lambda b, t: (0, 0)),
            pl.BlockSpec((1, G), lambda b, t: (0, 0)),
            pl.BlockSpec((1, G), lambda b, t: (0, 0)),
        ],
        out_specs=[
            pl.BlockSpec((1, TN, G), lambda b, t: (b, t, 0)),
            pl.BlockSpec((1, 1, 2, G), lambda b, t: (b, t, 0, 0)),
        ],
        out_shape=[
            jax.ShapeDtypeStruct((B, N, G), jnp.float32),
            jax.ShapeDtypeStruct((B, NT, 2, G), jnp.float32),
        ],
    )(g4, ptsT, anbT, aselfT, cnb, cself)


def _out_call(u, st, gmat, gamma, beta, wpT, bp):
    return pl.pallas_call(
        _out_body,
        grid=(B, NT),
        in_specs=[
            pl.BlockSpec((1, TN, G), lambda b, t: (b, t, 0)),
            pl.BlockSpec((1, NT, 2, G), lambda b, t: (b, 0, 0, 0)),
            pl.BlockSpec((G, G), lambda b, t: (0, 0)),
            pl.BlockSpec((1, G), lambda b, t: (0, 0)),
            pl.BlockSpec((1, G), lambda b, t: (0, 0)),
            pl.BlockSpec((G, G), lambda b, t: (0, 0)),
            pl.BlockSpec((1, G), lambda b, t: (0, 0)),
        ],
        out_specs=pl.BlockSpec((1, G, TN), lambda b, t: (b, 0, t)),
        out_shape=jax.ShapeDtypeStruct((B, G, N), jnp.float32),
    )(u, st, gmat, gamma, beta, wpT, bp)


def kernel(xyz, w_in, b_in, w_graph, gn_gamma, gn_beta, w_proj, b_proj):
    ptsT = jnp.concatenate([xyz, jnp.zeros((B, 5, N), jnp.float32)], axis=1)

    wd = w_graph[:, :C]
    wx = w_graph[:, C:]
    a_nb = wd @ w_in
    a_self = (wx - wd) @ w_in
    anbT = jnp.zeros((16, G), jnp.float32).at[:3, :].set(a_nb.T)
    aselfT = jnp.zeros((8, G), jnp.float32).at[:3, :].set(a_self.T)
    cnb = (wd @ b_in)[None, :]
    cself = ((wx - wd) @ b_in)[None, :]

    gid = jnp.repeat(jnp.arange(NGROUPS), CPG)
    gmat = (gid[:, None] == gid[None, :]).astype(jnp.float32)

    idx, tab = _knn_call(ptsT)
    g = _gather_call(idx.reshape(TOT // CHUNK, CHUNK), tab.reshape(B * N, 16))
    u, st = _pool_call(g.reshape(B, K, N, 16), ptsT, anbT, aselfT, cnb, cself)
    return _out_call(u, st, gmat, gn_gamma[None, :], gn_beta[None, :],
                     w_proj.T, b_proj[None, :])

# --- scband reference (transcript-rebuilt; emitter-appended) ---
"""Pipeline reference for scband-graph-feature-encoder-81870666596723 (READ-ONLY COPY).

The authoritative reference and input builder live on the scoring server;
editing this copy changes nothing except your own understanding.
"""

import jax, jax.numpy as jnp
import numpy as np

B, N, K = 4, 2048, 20
TRANS_DIM, GRAPH_DIM, GROUPS = 128, 256, 4


def setup_inputs(seed: int = 0) -> dict:
    key = jax.random.key(seed)
    ks = jax.random.split(key, 8)
    xyz = jax.random.normal(ks[0], (B, 3, N), dtype=jnp.float32)
    w_in = jax.random.normal(ks[1], (TRANS_DIM, 3), dtype=jnp.float32) * (1.0 / np.sqrt(3.0))
    b_in = jnp.zeros((TRANS_DIM,), dtype=jnp.float32)
    w_graph = jax.random.normal(ks[2], (GRAPH_DIM, 2 * TRANS_DIM), dtype=jnp.float32) * (1.0 / np.sqrt(2 * TRANS_DIM))
    gn_gamma = jnp.ones((GRAPH_DIM,), dtype=jnp.float32)
    gn_beta = jnp.zeros((GRAPH_DIM,), dtype=jnp.float32)
    w_proj = jax.random.normal(ks[3], (GRAPH_DIM, GRAPH_DIM), dtype=jnp.float32) * (1.0 / np.sqrt(GRAPH_DIM))
    b_proj = jnp.zeros((GRAPH_DIM,), dtype=jnp.float32)
    return {"xyz": xyz, "w_in": w_in, "b_in": b_in, "w_graph": w_graph, "gn_gamma": gn_gamma, "gn_beta": gn_beta, "w_proj": w_proj, "b_proj": b_proj}


def _knn_idx(coor):
    # coor: [B, 3, N] -> idx [B, N, K] of K nearest points (incl. self)
    pts = jnp.transpose(coor, (0, 2, 1))  # [B, N, 3]
    sq = jnp.sum(pts * pts, axis=-1)      # [B, N]
    inner = jnp.einsum('bnc,bmc->bnm', pts, pts)
    d = sq[:, :, None] + sq[:, None, :] - 2.0 * inner  # [B, N, N]
    _, idx = jax.lax.top_k(-d, K)
    return jax.lax.stop_gradient(idx)


def _forward(xyz, w_in, b_in, w_graph, gn_gamma, gn_beta, w_proj, b_proj):
    # input_trans: Conv1d(3, trans_dim, 1)
    f = jnp.einsum('oc,bcn->bon', w_in, xyz) + b_in[None, :, None]  # [B, C, N]
    # get_graph_feature
    idx = _knn_idx(xyz)                      # [B, N, K]
    x_t = jnp.transpose(f, (0, 2, 1))        # [B, N, C]
    gathered = jax.vmap(lambda xt, id_: xt[id_])(x_t, idx)   # [B, N, K, C]
    feature = jnp.transpose(gathered, (0, 3, 1, 2))           # [B, C, N, K]
    x_exp = f[:, :, :, None]
    g = jnp.concatenate([feature - x_exp, jnp.broadcast_to(x_exp, feature.shape)], axis=1)  # [B, 2C, N, K]
    # graph_layer: Conv2d(2C, graph_dim, 1, bias=False) + GroupNorm(4) + LeakyReLU(0.2)
    h = jnp.einsum('oc,bcnk->bonk', w_graph, g)  # [B, G, N, K]
    Bd, Cd, Nd, Kd = h.shape
    hg = h.reshape(Bd, GROUPS, Cd // GROUPS, Nd, Kd)
    mean = jnp.mean(hg, axis=(2, 3, 4), keepdims=True)
    var = jnp.var(hg, axis=(2, 3, 4), keepdims=True)
    hg = (hg - mean) / jnp.sqrt(var + 1e-5)
    h = hg.reshape(Bd, Cd, Nd, Kd)
    h = h * gn_gamma[None, :, None, None] + gn_beta[None, :, None, None]
    h = jnp.where(h >= 0, h, 0.2 * h)
    # max over neighbors
    h = jnp.max(h, axis=-1)  # [B, graph_dim, N]
    # proj_layer: Conv1d(graph_dim, graph_dim, 1)
    out = jnp.einsum('oc,bcn->bon', w_proj, h) + b_proj[None, :, None]
    return out


def reference(xyz, w_in, b_in, w_graph, gn_gamma, gn_beta, w_proj, b_proj):
    return _forward(xyz, w_in, b_in, w_graph, gn_gamma, gn_beta, w_proj, b_proj)

if __name__ == "__main__":
    import jax
    _d = setup_inputs()
    print(jax.jit(kernel)(*tuple(_d.values())))

</pallas_src>

<mosaic_0001>
#map = affine_map<(d0, d1) -> (0, 0)>
module attributes {stable_mosaic.version = 14 : i64} {
  func.func @_sc_gather_body(%arg0: i32, %arg1: i32, %arg2: memref<1280x128xi32, #tpu.memory_space<hbm>>, %arg3: memref<8192x16xf32, #tpu.memory_space<hbm>>, %arg4: memref<163840x16xf32, #tpu.memory_space<hbm>>, %arg5: memref<40x128xi32, #tpu.memory_space<vmem>>, %arg6: memref<5120x16xf32, #tpu.memory_space<vmem>>, %arg7: memref<!tpu.dma_semaphore, #tpu.memory_space<semaphore_mem>>) attributes {dimension_semantics = [#tpu.dimension_semantics<core_parallel>, #tpu.dimension_semantics<subcore_parallel>], iteration_bounds = array<i64: 2, 16>, scalar_prefetch = 0 : i64, scratch_operands = 3 : i64, tpu.core_type = #tpu.core_type<sc_vector_subcore>, window_params = [{transform_indices = #map}, {transform_indices = #map}, {transform_indices = #map}]} {
    %mul3A = arith.constant 2 : i32
    %mul3A_0 = arith.muli %arg1, %mul3A : i32
    %add3A = arith.addi %mul3A_0, %arg0 : i32
    %mul3A_1 = arith.constant 40 : i32
    %mul3A_2 = arith.muli %add3A, %mul3A_1 : i32
    "tpu.region"() ({
      %run_scoped3A = tpu.sem_alloc : memref<!tpu.dma_semaphore, #tpu.memory_space<semaphore_mem>>
      %dma_start3A_803 = arith.constant 0 : i32
      %dma_start3A_804 = tpu.memref_slice %arg2[%mul3A_2, %dma_start3A_803] : memref<1280x128xi32, #tpu.memory_space<hbm>> -> memref<40x128xi32, #tpu.memory_space<hbm>>
      %dma_start3A_805 = arith.constant 0 : i32
      %dma_start3A_806 = tpu.memref_slice %arg2[%mul3A_2, %dma_start3A_805] : memref<1280x128xi32, #tpu.memory_space<hbm>> -> memref<40x128xi32, #tpu.memory_space<hbm>>
      tpu.enqueue_dma source(%dma_start3A_806 : memref<40x128xi32, #tpu.memory_space<hbm>>) target(%arg5 : memref<40x128xi32, #tpu.memory_space<vmem>>) target_semaphore(%run_scoped3A : memref<!tpu.dma_semaphore, #tpu.memory_space<semaphore_mem>>)
      %dma_wait3A_807 = arith.constant 0 : i32
      %dma_wait3A_808 = tpu.memref_slice %arg2[%mul3A_2, %dma_wait3A_807] : memref<1280x128xi32, #tpu.memory_space<hbm>> -> memref<40x128xi32, #tpu.memory_space<hbm>>
      %dma_wait3A_809 = arith.constant 0 : i32
      %dma_wait3A_810 = tpu.memref_slice %arg2[%mul3A_2, %dma_wait3A_809] : memref<1280x128xi32, #tpu.memory_space<hbm>> -> memref<40x128xi32, #tpu.memory_space<hbm>>
      tpu.wait_dma2 semaphore(%run_scoped3A : memref<!tpu.dma_semaphore, #tpu.memory_space<semaphore_mem>>) src(%dma_wait3A_810 : memref<40x128xi32, #tpu.memory_space<hbm>>) dst(%arg5 : memref<40x128xi32, #tpu.memory_space<vmem>>)
      tpu.yield
    }) : () -> ()
    %dma_start3A = arith.constant 0 : i32
    %dma_start3A_3 = arith.constant 0 : i32
    %dma_start3A_4 = arith.constant 0 : i32
    %dma_start3A_5 = tpu.memref_slice %arg6[%dma_start3A_3, %dma_start3A_4] : memref<5120x16xf32, #tpu.memory_space<vmem>> -> memref<128x16xf32, #tpu.memory_space<vmem>>
    %dma_start3A_6 = arith.constant 0 : i32
    %dma_start3A_7 = tpu.memref_slice %arg5[%dma_start3A, %dma_start3A_6] : memref<40x128xi32, #tpu.memory_space<vmem>> -> memref<1x128xi32, #tpu.memory_space<vmem>>
    %dma_start3A_8 = tpu.memref_squeeze %dma_start3A_7 : memref<1x128xi32, #tpu.memory_space<vmem>> -> memref<128xi32, #tpu.memory_space<vmem>>
    %dma_start3A_9 = arith.constant 0 : i32
    %dma_start3A_10 = arith.constant 0 : i32
    %dma_start3A_11 = tpu.memref_slice %arg3[%dma_start3A_9, %dma_start3A_10] : memref<8192x16xf32, #tpu.memory_space<hbm>> -> memref<8192x16xf32, #tpu.memory_space<hbm>>
    tpu.enqueue_indirect_dma source(%dma_start3A_11 : memref<8192x16xf32, #tpu.memory_space<hbm>>) target(%dma_start3A_5 : memref<128x16xf32, #tpu.memory_space<vmem>>) offsets(%dma_start3A_8 : memref<128xi32, #tpu.memory_space<vmem>>) semaphore(%arg7 : memref<!tpu.dma_semaphore, #tpu.memory_space<semaphore_mem>>)
    %dma_start3A_12 = arith.constant 1 : i32
    %dma_start3A_13 = arith.constant 128 : i32
    %dma_start3A_14 = arith.constant 0 : i32
    %dma_start3A_15 = tpu.memref_slice %arg6[%dma_start3A_13, %dma_start3A_14] : memref<5120x16xf32, #tpu.memory_space<vmem>> -> memref<128x16xf32, #tpu.memory_space<vmem>>
    %dma_start3A_16 = arith.constant 0 : i32
    %dma_start3A_17 = tpu.memref_slice %arg5[%dma_start3A_12, %dma_start3A_16] : memref<40x128xi32, #tpu.memory_space<vmem>> -> memref<1x128xi32, #tpu.memory_space<vmem>>
    %dma_start3A_18 = tpu.memref_squeeze %dma_start3A_17 : memref<1x128xi32, #tpu.memory_space<vmem>> -> memref<128xi32, #tpu.memory_space<vmem>>
    %dma_start3A_19 = arith.constant 0 : i32
    %dma_start3A_20 = arith.constant 0 : i32
    %dma_start3A_21 = tpu.memref_slice %arg3[%dma_start3A_19, %dma_start3A_20] : memref<8192x16xf32, #tpu.memory_space<hbm>> -> memref<8192x16xf32, #tpu.memory_space<hbm>>
    tpu.enqueue_indirect_dma source(%dma_start3A_21 : memref<8192x16xf32, #tpu.memory_space<hbm>>) target(%dma_start3A_15 : memref<128x16xf32, #tpu.memory_space<vmem>>) offsets(%dma_start3A_18 : memref<128xi32, #tpu.memory_space<vmem>>) semaphore(%arg7 : memref<!tpu.dma_semaphore, #tpu.memory_space<semaphore_mem>>)
    %dma_start3A_22 = arith.constant 2 : i32
    %dma_start3A_23 = arith.constant 256 : i32
    %dma_start3A_24 = arith.constant 0 : i32
    %dma_start3A_25 = tpu.memref_slice %arg6[%dma_start3A_23, %dma_start3A_24] : memref<5120x16xf32, #tpu.memory_space<vmem>> -> memref<128x16xf32, #tpu.memory_space<vmem>>
    %dma_start3A_26 = arith.constant 0 : i32
    %dma_start3A_27 = tpu.memref_slice %arg5[%dma_start3A_22, %dma_start3A_26] : memref<40x128xi32, #tpu.memory_space<vmem>> -> memref<1x128xi32, #tpu.memory_space<vmem>>
    %dma_start3A_28 = tpu.memref_squeeze %dma_start3A_27 : memref<1x128xi32, #tpu.memory_space<vmem>> -> memref<128xi32, #tpu.memory_space<vmem>>
    %dma_start3A_29 = arith.constant 0 : i32
    %dma_start3A_30 = arith.constant 0 : i32
    %dma_start3A_31 = tpu.memref_slice %arg3[%dma_start3A_29, %dma_start3A_30] : memref<8192x16xf32, #tpu.memory_space<hbm>> -> memref<8192x16xf32, #tpu.memory_space<hbm>>
    tpu.enqueue_indirect_dma source(%dma_start3A_31 : memref<8192x16xf32, #tpu.memory_space<hbm>>) target(%dma_start3A_25 : memref<128x16xf32, #tpu.memory_space<vmem>>) offsets(%dma_start3A_28 : memref<128xi32, #tpu.memory_space<vmem>>) semaphore(%arg7 : memref<!tpu.dma_semaphore, #tpu.memory_space<semaphore_mem>>)
    %dma_start3A_32 = arith.constant 3 : i32
    %dma_start3A_33 = arith.constant 384 : i32
    %dma_start3A_34 = arith.constant 0 : i32
    %dma_start3A_35 = tpu.memref_slice %arg6[%dma_start3A_33, %dma_start3A_34] : memref<5120x16xf32, #tpu.memory_space<vmem>> -> memref<128x16xf32, #tpu.memory_space<vmem>>
    %dma_start3A_36 = arith.constant 0 : i32
    %dma_start3A_37 = tpu.memref_slice %arg5[%dma_start3A_32, %dma_start3A_36] : memref<40x128xi32, #tpu.memory_space<vmem>> -> memref<1x128xi32, #tpu.memory_space<vmem>>
    %dma_start3A_38 = tpu.memref_squeeze %dma_start3A_37 : memref<1x128xi32, #tpu.memory_space<vmem>> -> memref<128xi32, #tpu.memory_space<vmem>>
    %dma_start3A_39 = arith.constant 0 : i32
    %dma_start3A_40 = arith.constant 0 : i32
    %dma_start3A_41 = tpu.memref_slice %arg3[%dma_start3A_39, %dma_start3A_40] : memref<8192x16xf32, #tpu.memory_space<hbm>> -> memref<8192x16xf32, #tpu.memory_space<hbm>>
    tpu.enqueue_indirect_dma source(%dma_start3A_41 : memref<8192x16xf32, #tpu.memory_space<hbm>>) target(%dma_start3A_35 : memref<128x16xf32, #tpu.memory_space<vmem>>) offsets(%dma_start3A_38 : memref<128xi32, #tpu.memory_space<vmem>>) semaphore(%arg7 : memref<!tpu.dma_semaphore, #tpu.memory_space<semaphore_mem>>)
    %dma_start3A_42 = arith.constant 4 : i32
    %dma_start3A_43 = arith.constant 512 : i32
    %dma_start3A_44 = arith.constant 0 : i32
    %dma_start3A_45 = tpu.memref_slice %arg6[%dma_start3A_43, %dma_start3A_44] : memref<5120x16xf32, #tpu.memory_space<vmem>> -> memref<128x16xf32, #tpu.memory_space<vmem>>
    %dma_start3A_46 = arith.constant 0 : i32
    %dma_start3A_47 = tpu.memref_slice %arg5[%dma_start3A_42, %dma_start3A_46] : memref<40x128xi32, #tpu.memory_space<vmem>> -> memref<1x128xi32, #tpu.memory_space<vmem>>
    %dma_start3A_48 = tpu.memref_squeeze %dma_start3A_47 : memref<1x128xi32, #tpu.memory_space<vmem>> -> memref<128xi32, #tpu.memory_space<vmem>>
    %dma_start3A_49 = arith.constant 0 : i32
    %dma_start3A_50 = arith.constant 0 : i32
    %dma_start3A_51 = tpu.memref_slice %arg3[%dma_start3A_49, %dma_start3A_50] : memref<8192x16xf32, #tpu.memory_space<hbm>> -> memref<8192x16xf32, #tpu.memory_space<hbm>>
    tpu.enqueue_indirect_dma source(%dma_start3A_51 : memref<8192x16xf32, #tpu.memory_space<hbm>>) target(%dma_start3A_45 : memref<128x16xf32, #tpu.memory_space<vmem>>) offsets(%dma_start3A_48 : memref<128xi32, #tpu.memory_space<vmem>>) semaphore(%arg7 : memref<!tpu.dma_semaphore, #tpu.memory_space<semaphore_mem>>)
    %dma_start3A_52 = arith.constant 5 : i32
    %dma_start3A_53 = arith.constant 640 : i32
    %dma_start3A_54 = arith.constant 0 : i32
    %dma_start3A_55 = tpu.memref_slice %arg6[%dma_start3A_53, %dma_start3A_54] : memref<5120x16xf32, #tpu.memory_space<vmem>> -> memref<128x16xf32, #tpu.memory_space<vmem>>
    %dma_start3A_56 = arith.constant 0 : i32
    %dma_start3A_57 = tpu.memref_slice %arg5[%dma_start3A_52, %dma_start3A_56] : memref<40x128xi32, #tpu.memory_space<vmem>> -> memref<1x128xi32, #tpu.memory_space<vmem>>
    %dma_start3A_58 = tpu.memref_squeeze %dma_start3A_57 : memref<1x128xi32, #tpu.memory_space<vmem>> -> memref<128xi32, #tpu.memory_space<vmem>>
    %dma_start3A_59 = arith.constant 0 : i32
    %dma_start3A_60 = arith.constant 0 : i32
    %dma_start3A_61 = tpu.memref_slice %arg3[%dma_start3A_59, %dma_start3A_60] : memref<8192x16xf32, #tpu.memory_space<hbm>> -> memref<8192x16xf32, #tpu.memory_space<hbm>>
    tpu.enqueue_indirect_dma source(%dma_start3A_61 : memref<8192x16xf32, #tpu.memory_space<hbm>>) target(%dma_start3A_55 : memref<128x16xf32, #tpu.memory_space<vmem>>) offsets(%dma_start3A_58 : memref<128xi32, #tpu.memory_space<vmem>>) semaphore(%arg7 : memref<!tpu.dma_semaphore, #tpu.memory_space<semaphore_mem>>)
    %dma_start3A_62 = arith.constant 6 : i32
    %dma_start3A_63 = arith.constant 768 : i32
    %dma_start3A_64 = arith.constant 0 : i32
    %dma_start3A_65 = tpu.memref_slice %arg6[%dma_start3A_63, %dma_start3A_64] : memref<5120x16xf32, #tpu.memory_space<vmem>> -> memref<128x16xf32, #tpu.memory_space<vmem>>
    %dma_start3A_66 = arith.constant 0 : i32
    %dma_start3A_67 = tpu.memref_slice %arg5[%dma_start3A_62, %dma_start3A_66] : memref<40x128xi32, #tpu.memory_space<vmem>> -> memref<1x128xi32, #tpu.memory_space<vmem>>
    %dma_start3A_68 = tpu.memref_squeeze %dma_start3A_67 : memref<1x128xi32, #tpu.memory_space<vmem>> -> memref<128xi32, #tpu.memory_space<vmem>>
    %dma_start3A_69 = arith.constant 0 : i32
    %dma_start3A_70 = arith.constant 0 : i32
    %dma_start3A_71 = tpu.memref_slice %arg3[%dma_start3A_69, %dma_start3A_70] : memref<8192x16xf32, #tpu.memory_space<hbm>> -> memref<8192x16xf32, #tpu.memory_space<hbm>>
    tpu.enqueue_indirect_dma source(%dma_start3A_71 : memref<8192x16xf32, #tpu.memory_space<hbm>>) target(%dma_start3A_65 : memref<128x16xf32, #tpu.memory_space<vmem>>) offsets(%dma_start3A_68 : memref<128xi32, #tpu.memory_space<vmem>>) semaphore(%arg7 : memref<!tpu.dma_semaphore, #tpu.memory_space<semaphore_mem>>)
    %dma_start3A_72 = arith.constant 7 : i32
    %dma_start3A_73 = arith.constant 896 : i32
    %dma_start3A_74 = arith.constant 0 : i32
    %dma_start3A_75 = tpu.memref_slice %arg6[%dma_start3A_73, %dma_start3A_74] : memref<5120x16xf32, #tpu.memory_space<vmem>> -> memref<128x16xf32, #tpu.memory_space<vmem>>
    %dma_start3A_76 = arith.constant 0 : i32
    %dma_start3A_77 = tpu.memref_slice %arg5[%dma_start3A_72, %dma_start3A_76] : memref<40x128xi32, #tpu.memory_space<vmem>> -> memref<1x128xi32, #tpu.memory_space<vmem>>
    %dma_start3A_78 = tpu.memref_squeeze %dma_start3A_77 : memref<1x128xi32, #tpu.memory_space<vmem>> -> memref<128xi32, #tpu.memory_space<vmem>>
    %dma_start3A_79 = arith.constant 0 : i32
    %dma_start3A_80 = arith.constant 0 : i32
    %dma_start3A_81 = tpu.memref_slice %arg3[%dma_start3A_79, %dma_start3A_80] : memref<8192x16xf32, #tpu.memory_space<hbm>> -> memref<8192x16xf32, #tpu.memory_space<hbm>>
    tpu.enqueue_indirect_dma source(%dma_start3A_81 : memref<8192x16xf32, #tpu.memory_space<hbm>>) target(%dma_start3A_75 : memref<128x16xf32, #tpu.memory_space<vmem>>) offsets(%dma_start3A_78 : memref<128xi32, #tpu.memory_space<vmem>>) semaphore(%arg7 : memref<!tpu.dma_semaphore, #tpu.memory_space<semaphore_mem>>)
    %dma_start3A_82 = arith.constant 8 : i32
    %dma_start3A_83 = arith.constant 1024 : i32
    %dma_start3A_84 = arith.constant 0 : i32
    %dma_start3A_85 = tpu.memref_slice %arg6[%dma_start3A_83, %dma_start3A_84] : memref<5120x16xf32, #tpu.memory_space<vmem>> -> memref<128x16xf32, #tpu.memory_space<vmem>>
    %dma_start3A_86 = arith.constant 0 : i32
    %dma_start3A_87 = tpu.memref_slice %arg5[%dma_start3A_82, %dma_start3A_86] : memref<40x128xi32, #tpu.memory_space<vmem>> -> memref<1x128xi32, #tpu.memory_space<vmem>>
    %dma_start3A_88 = tpu.memref_squeeze %dma_start3A_87 : memref<1x128xi32, #tpu.memory_space<vmem>> -> memref<128xi32, #tpu.memory_space<vmem>>
    %dma_start3A_89 = arith.constant 0 : i32
    %dma_start3A_90 = arith.constant 0 : i32
    %dma_start3A_91 = tpu.memref_slice %arg3[%dma_start3A_89, %dma_start3A_90] : memref<8192x16xf32, #tpu.memory_space<hbm>> -> memref<8192x16xf32, #tpu.memory_space<hbm>>
    tpu.enqueue_indirect_dma source(%dma_start3A_91 : memref<8192x16xf32, #tpu.memory_space<hbm>>) target(%dma_start3A_85 : memref<128x16xf32, #tpu.memory_space<vmem>>) offsets(%dma_start3A_88 : memref<128xi32, #tpu.memory_space<vmem>>) semaphore(%arg7 : memref<!tpu.dma_semaphore, #tpu.memory_space<semaphore_mem>>)
    %dma_start3A_92 = arith.constant 9 : i32
    %dma_start3A_93 = arith.constant 1152 : i32
    %dma_start3A_94 = arith.constant 0 : i32
    %dma_start3A_95 = tpu.memref_slice %arg6[%dma_start3A_93, %dma_start3A_94] : memref<5120x16xf32, #tpu.memory_space<vmem>> -> memref<128x16xf32, #tpu.memory_space<vmem>>
    %dma_start3A_96 = arith.constant 0 : i32
    %dma_start3A_97 = tpu.memref_slice %arg5[%dma_start3A_92, %dma_start3A_96] : memref<40x128xi32, #tpu.memory_space<vmem>> -> memref<1x128xi32, #tpu.memory_space<vmem>>
    %dma_start3A_98 = tpu.memref_squeeze %dma_start3A_97 : memref<1x128xi32, #tpu.memory_space<vmem>> -> memref<128xi32, #tpu.memory_space<vmem>>
    %dma_start3A_99 = arith.constant 0 : i32
    %dma_start3A_100 = arith.constant 0 : i32
    %dma_start3A_101 = tpu.memref_slice %arg3[%dma_start3A_99, %dma_start3A_100] : memref<8192x16xf32, #tpu.memory_space<hbm>> -> memref<8192x16xf32, #tpu.memory_space<hbm>>
    tpu.enqueue_indirect_dma source(%dma_start3A_101 : memref<8192x16xf32, #tpu.memory_space<hbm>>) target(%dma_start3A_95 : memref<128x16xf32, #tpu.memory_space<vmem>>) offsets(%dma_start3A_98 : memref<128xi32, #tpu.memory_space<vmem>>) semaphore(%arg7 : memref<!tpu.dma_semaphore, #tpu.memory_space<semaphore_mem>>)
    %dma_start3A_102 = arith.constant 10 : i32
    %dma_start3A_103 = arith.constant 1280 : i32
    %dma_start3A_104 = arith.constant 0 : i32
    %dma_start3A_105 = tpu.memref_slice %arg6[%dma_start3A_103, %dma_start3A_104] : memref<5120x16xf32, #tpu.memory_space<vmem>> -> memref<128x16xf32, #tpu.memory_space<vmem>>
    %dma_start3A_106 = arith.constant 0 : i32
    %dma_start3A_107 = tpu.memref_slice %arg5[%dma_start3A_102, %dma_start3A_106] : memref<40x128xi32, #tpu.memory_space<vmem>> -> memref<1x128xi32, #tpu.memory_space<vmem>>
    %dma_start3A_108 = tpu.memref_squeeze %dma_start3A_107 : memref<1x128xi32, #tpu.memory_space<vmem>> -> memref<128xi32, #tpu.memory_space<vmem>>
    %dma_start3A_109 = arith.constant 0 : i32
    %dma_start3A_110 = arith.constant 0 : i32
    %dma_start3A_111 = tpu.memref_slice %arg3[%dma_start3A_109, %dma_start3A_110] : memref<8192x16xf32, #tpu.memory_space<hbm>> -> memref<8192x16xf32, #tpu.memory_space<hbm>>
    tpu.enqueue_indirect_dma source(%dma_start3A_111 : memref<8192x16xf32, #tpu.memory_space<hbm>>) target(%dma_start3A_105 : memref<128x16xf32, #tpu.memory_space<vmem>>) offsets(%dma_start3A_108 : memref<128xi32, #tpu.memory_space<vmem>>) semaphore(%arg7 : memref<!tpu.dma_semaphore, #tpu.memory_space<semaphore_mem>>)
    %dma_start3A_112 = arith.constant 11 : i32
    %dma_start3A_113 = arith.constant 1408 : i32
    %dma_start3A_114 = arith.constant 0 : i32
    %dma_start3A_115 = tpu.memref_slice %arg6[%dma_start3A_113, %dma_start3A_114] : memref<5120x16xf32, #tpu.memory_space<vmem>> -> memref<128x16xf32, #tpu.memory_space<vmem>>
    %dma_start3A_116 = arith.constant 0 : i32
    %dma_start3A_117 = tpu.memref_slice %arg5[%dma_start3A_112, %dma_start3A_116] : memref<40x128xi32, #tpu.memory_space<vmem>> -> memref<1x128xi32, #tpu.memory_space<vmem>>
    %dma_start3A_118 = tpu.memref_squeeze %dma_start3A_117 : memref<1x128xi32, #tpu.memory_space<vmem>> -> memref<128xi32, #tpu.memory_space<vmem>>
    %dma_start3A_119 = arith.constant 0 : i32
    %dma_start3A_120 = arith.constant 0 : i32
    %dma_start3A_121 = tpu.memref_slice %arg3[%dma_start3A_119, %dma_start3A_120] : memref<8192x16xf32, #tpu.memory_space<hbm>> -> memref<8192x16xf32, #tpu.memory_space<hbm>>
    tpu.enqueue_indirect_dma source(%dma_start3A_121 : memref<8192x16xf32, #tpu.memory_space<hbm>>) target(%dma_start3A_115 : memref<128x16xf32, #tpu.memory_space<vmem>>) offsets(%dma_start3A_118 : memref<128xi32, #tpu.memory_space<vmem>>) semaphore(%arg7 : memref<!tpu.dma_semaphore, #tpu.memory_space<semaphore_mem>>)
    %dma_start3A_122 = arith.constant 12 : i32
    %dma_start3A_123 = arith.constant 1536 : i32
    %dma_start3A_124 = arith.constant 0 : i32
    %dma_start3A_125 = tpu.memref_slice %arg6[%dma_start3A_123, %dma_start3A_124] : memref<5120x16xf32, #tpu.memory_space<vmem>> -> memref<128x16xf32, #tpu.memory_space<vmem>>
    %dma_start3A_126 = arith.constant 0 : i32
    %dma_start3A_127 = tpu.memref_slice %arg5[%dma_start3A_122, %dma_start3A_126] : memref<40x128xi32, #tpu.memory_space<vmem>> -> memref<1x128xi32, #tpu.memory_space<vmem>>
    %dma_start3A_128 = tpu.memref_squeeze %dma_start3A_127 : memref<1x128xi32, #tpu.memory_space<vmem>> -> memref<128xi32, #tpu.memory_space<vmem>>
    %dma_start3A_129 = arith.constant 0 : i32
    %dma_start3A_130 = arith.constant 0 : i32
    %dma_start3A_131 = tpu.memref_slice %arg3[%dma_start3A_129, %dma_start3A_130] : memref<8192x16xf32, #tpu.memory_space<hbm>> -> memref<8192x16xf32, #tpu.memory_space<hbm>>
    tpu.enqueue_indirect_dma source(%dma_start3A_131 : memref<8192x16xf32, #tpu.memory_space<hbm>>) target(%dma_start3A_125 : memref<128x16xf32, #tpu.memory_space<vmem>>) offsets(%dma_start3A_128 : memref<128xi32, #tpu.memory_space<vmem>>) semaphore(%arg7 : memref<!tpu.dma_semaphore, #tpu.memory_space<semaphore_mem>>)
    %dma_start3A_132 = arith.constant 13 : i32
    %dma_start3A_133 = arith.constant 1664 : i32
    %dma_start3A_134 = arith.constant 0 : i32
    %dma_start3A_135 = tpu.memref_slice %arg6[%dma_start3A_133, %dma_start3A_134] : memref<5120x16xf32, #tpu.memory_space<vmem>> -> memref<128x16xf32, #tpu.memory_space<vmem>>
    %dma_start3A_136 = arith.constant 0 : i32
    %dma_start3A_137 = tpu.memref_slice %arg5[%dma_start3A_132, %dma_start3A_136] : memref<40x128xi32, #tpu.memory_space<vmem>> -> memref<1x128xi32, #tpu.memory_space<vmem>>
    %dma_start3A_138 = tpu.memref_squeeze %dma_start3A_137 : memref<1x128xi32, #tpu.memory_space<vmem>> -> memref<128xi32, #tpu.memory_space<vmem>>
    %dma_start3A_139 = arith.constant 0 : i32
    %dma_start3A_140 = arith.constant 0 : i32
    %dma_start3A_141 = tpu.memref_slice %arg3[%dma_start3A_139, %dma_start3A_140] : memref<8192x16xf32, #tpu.memory_space<hbm>> -> memref<8192x16xf32, #tpu.memory_space<hbm>>
    tpu.enqueue_indirect_dma source(%dma_start3A_141 : memref<8192x16xf32, #tpu.memory_space<hbm>>) target(%dma_start3A_135 : memref<128x16xf32, #tpu.memory_space<vmem>>) offsets(%dma_start3A_138 : memref<128xi32, #tpu.memory_space<vmem>>) semaphore(%arg7 : memref<!tpu.dma_semaphore, #tpu.memory_space<semaphore_mem>>)
    %dma_start3A_142 = arith.constant 14 : i32
    %dma_start3A_143 = arith.constant 1792 : i32
    %dma_start3A_144 = arith.constant 0 : i32
    %dma_start3A_145 = tpu.memref_slice %arg6[%dma_start3A_143, %dma_start3A_144] : memref<5120x16xf32, #tpu.memory_space<vmem>> -> memref<128x16xf32, #tpu.memory_space<vmem>>
    %dma_start3A_146 = arith.constant 0 : i32
    %dma_start3A_147 = tpu.memref_slice %arg5[%dma_start3A_142, %dma_start3A_146] : memref<40x128xi32, #tpu.memory_space<vmem>> -> memref<1x128xi32, #tpu.memory_space<vmem>>
    %dma_start3A_148 = tpu.memref_squeeze %dma_start3A_147 : memref<1x128xi32, #tpu.memory_space<vmem>> -> memref<128xi32, #tpu.memory_space<vmem>>
    %dma_start3A_149 = arith.constant 0 : i32
    %dma_start3A_150 = arith.constant 0 : i32
    %dma_start3A_151 = tpu.memref_slice %arg3[%dma_start3A_149, %dma_start3A_150] : memref<8192x16xf32, #tpu.memory_space<hbm>> -> memref<8192x16xf32, #tpu.memory_space<hbm>>
    tpu.enqueue_indirect_dma source(%dma_start3A_151 : memref<8192x16xf32, #tpu.memory_space<hbm>>) target(%dma_start3A_145 : memref<128x16xf32, #tpu.memory_space<vmem>>) offsets(%dma_start3A_148 : memref<128xi32, #tpu.memory_space<vmem>>) semaphore(%arg7 : memref<!tpu.dma_semaphore, #tpu.memory_space<semaphore_mem>>)
    %dma_start3A_152 = arith.constant 15 : i32
    %dma_start3A_153 = arith.constant 1920 : i32
    %dma_start3A_154 = arith.constant 0 : i32
    %dma_start3A_155 = tpu.memref_slice %arg6[%dma_start3A_153, %dma_start3A_154] : memref<5120x16xf32, #tpu.memory_space<vmem>> -> memref<128x16xf32, #tpu.memory_space<vmem>>
    %dma_start3A_156 = arith.constant 0 : i32
    %dma_start3A_157 = tpu.memref_slice %arg5[%dma_start3A_152, %dma_start3A_156] : memref<40x128xi32, #tpu.memory_space<vmem>> -> memref<1x128xi32, #tpu.memory_space<vmem>>
    %dma_start3A_158 = tpu.memref_squeeze %dma_start3A_157 : memref<1x128xi32, #tpu.memory_space<vmem>> -> memref<128xi32, #tpu.memory_space<vmem>>
    %dma_start3A_159 = arith.constant 0 : i32
    %dma_start3A_160 = arith.constant 0 : i32
    %dma_start3A_161 = tpu.memref_slice %arg3[%dma_start3A_159, %dma_start3A_160] : memref<8192x16xf32, #tpu.memory_space<hbm>> -> memref<8192x16xf32, #tpu.memory_space<hbm>>
    tpu.enqueue_indirect_dma source(%dma_start3A_161 : memref<8192x16xf32, #tpu.memory_space<hbm>>) target(%dma_start3A_155 : memref<128x16xf32, #tpu.memory_space<vmem>>) offsets(%dma_start3A_158 : memref<128xi32, #tpu.memory_space<vmem>>) semaphore(%arg7 : memref<!tpu.dma_semaphore, #tpu.memory_space<semaphore_mem>>)
    %dma_start3A_162 = arith.constant 16 : i32
    %dma_start3A_163 = arith.constant 2048 : i32
    %dma_start3A_164 = arith.constant 0 : i32
    %dma_start3A_165 = tpu.memref_slice %arg6[%dma_start3A_163, %dma_start3A_164] : memref<5120x16xf32, #tpu.memory_space<vmem>> -> memref<128x16xf32, #tpu.memory_space<vmem>>
    %dma_start3A_166 = arith.constant 0 : i32
    %dma_start3A_167 = tpu.memref_slice %arg5[%dma_start3A_162, %dma_start3A_166] : memref<40x128xi32, #tpu.memory_space<vmem>> -> memref<1x128xi32, #tpu.memory_space<vmem>>
    %dma_start3A_168 = tpu.memref_squeeze %dma_start3A_167 : memref<1x128xi32, #tpu.memory_space<vmem>> -> memref<128xi32, #tpu.memory_space<vmem>>
    %dma_start3A_169 = arith.constant 0 : i32
    %dma_start3A_170 = arith.constant 0 : i32
    %dma_start3A_171 = tpu.memref_slice %arg3[%dma_start3A_169, %dma_start3A_170] : memref<8192x16xf32, #tpu.memory_space<hbm>> -> memref<8192x16xf32, #tpu.memory_space<hbm>>
    tpu.enqueue_indirect_dma source(%dma_start3A_171 : memref<8192x16xf32, #tpu.memory_space<hbm>>) target(%dma_start3A_165 : memref<128x16xf32, #tpu.memory_space<vmem>>) offsets(%dma_start3A_168 : memref<128xi32, #tpu.memory_space<vmem>>) semaphore(%arg7 : memref<!tpu.dma_semaphore, #tpu.memory_space<semaphore_mem>>)
    %dma_start3A_172 = arith.constant 17 : i32
    %dma_start3A_173 = arith.constant 2176 : i32
    %dma_start3A_174 = arith.constant 0 : i32
    %dma_start3A_175 = tpu.memref_slice %arg6[%dma_start3A_173, %dma_start3A_174] : memref<5120x16xf32, #tpu.memory_space<vmem>> -> memref<128x16xf32, #tpu.memory_space<vmem>>
    %dma_start3A_176 = arith.constant 0 : i32
    %dma_start3A_177 = tpu.memref_slice %arg5[%dma_start3A_172, %dma_start3A_176] : memref<40x128xi32, #tpu.memory_space<vmem>> -> memref<1x128xi32, #tpu.memory_space<vmem>>
    %dma_start3A_178 = tpu.memref_squeeze %dma_start3A_177 : memref<1x128xi32, #tpu.memory_space<vmem>> -> memref<128xi32, #tpu.memory_space<vmem>>
    %dma_start3A_179 = arith.constant 0 : i32
    %dma_start3A_180 = arith.constant 0 : i32
    %dma_start3A_181 = tpu.memref_slice %arg3[%dma_start3A_179, %dma_start3A_180] : memref<8192x16xf32, #tpu.memory_space<hbm>> -> memref<8192x16xf32, #tpu.memory_space<hbm>>
    tpu.enqueue_indirect_dma source(%dma_start3A_181 : memref<8192x16xf32, #tpu.memory_space<hbm>>) target(%dma_start3A_175 : memref<128x16xf32, #tpu.memory_space<vmem>>) offsets(%dma_start3A_178 : memref<128xi32, #tpu.memory_space<vmem>>) semaphore(%arg7 : memref<!tpu.dma_semaphore, #tpu.memory_space<semaphore_mem>>)
    %dma_start3A_182 = arith.constant 18 : i32
    %dma_start3A_183 = arith.constant 2304 : i32
    %dma_start3A_184 = arith.constant 0 : i32
    %dma_start3A_185 = tpu.memref_slice %arg6[%dma_start3A_183, %dma_start3A_184] : memref<5120x16xf32, #tpu.memory_space<vmem>> -> memref<128x16xf32, #tpu.memory_space<vmem>>
    %dma_start3A_186 = arith.constant 0 : i32
    %dma_start3A_187 = tpu.memref_slice %arg5[%dma_start3A_182, %dma_start3A_186] : memref<40x128xi32, #tpu.memory_space<vmem>> -> memref<1x128xi32, #tpu.memory_space<vmem>>
    %dma_start3A_188 = tpu.memref_squeeze %dma_start3A_187 : memref<1x128xi32, #tpu.memory_space<vmem>> -> memref<128xi32, #tpu.memory_space<vmem>>
    %dma_start3A_189 = arith.constant 0 : i32
    %dma_start3A_190 = arith.constant 0 : i32
    %dma_start3A_191 = tpu.memref_slice %arg3[%dma_start3A_189, %dma_start3A_190] : memref<8192x16xf32, #tpu.memory_space<hbm>> -> memref<8192x16xf32, #tpu.memory_space<hbm>>
    tpu.enqueue_indirect_dma source(%dma_start3A_191 : memref<8192x16xf32, #tpu.memory_space<hbm>>) target(%dma_start3A_185 : memref<128x16xf32, #tpu.memory_space<vmem>>) offsets(%dma_start3A_188 : memref<128xi32, #tpu.memory_space<vmem>>) semaphore(%arg7 : memref<!tpu.dma_semaphore, #tpu.memory_space<semaphore_mem>>)
    %dma_start3A_192 = arith.constant 19 : i32
    %dma_start3A_193 = arith.constant 2432 : i32
    %dma_start3A_194 = arith.constant 0 : i32
    %dma_start3A_195 = tpu.memref_slice %arg6[%dma_start3A_193, %dma_start3A_194] : memref<5120x16xf32, #tpu.memory_space<vmem>> -> memref<128x16xf32, #tpu.memory_space<vmem>>
    %dma_start3A_196 = arith.constant 0 : i32
    %dma_start3A_197 = tpu.memref_slice %arg5[%dma_start3A_192, %dma_start3A_196] : memref<40x128xi32, #tpu.memory_space<vmem>> -> memref<1x128xi32, #tpu.memory_space<vmem>>
    %dma_start3A_198 = tpu.memref_squeeze %dma_start3A_197 : memref<1x128xi32, #tpu.memory_space<vmem>> -> memref<128xi32, #tpu.memory_space<vmem>>
    %dma_start3A_199 = arith.constant 0 : i32
    %dma_start3A_200 = arith.constant 0 : i32
    %dma_start3A_201 = tpu.memref_slice %arg3[%dma_start3A_199, %dma_start3A_200] : memref<8192x16xf32, #tpu.memory_space<hbm>> -> memref<8192x16xf32, #tpu.memory_space<hbm>>
    tpu.enqueue_indirect_dma source(%dma_start3A_201 : memref<8192x16xf32, #tpu.memory_space<hbm>>) target(%dma_start3A_195 : memref<128x16xf32, #tpu.memory_space<vmem>>) offsets(%dma_start3A_198 : memref<128xi32, #tpu.memory_space<vmem>>) semaphore(%arg7 : memref<!tpu.dma_semaphore, #tpu.memory_space<semaphore_mem>>)
    %dma_start3A_202 = arith.constant 20 : i32
    %dma_start3A_203 = arith.constant 2560 : i32
    %dma_start3A_204 = arith.constant 0 : i32
    %dma_start3A_205 = tpu.memref_slice %arg6[%dma_start3A_203, %dma_start3A_204] : memref<5120x16xf32, #tpu.memory_space<vmem>> -> memref<128x16xf32, #tpu.memory_space<vmem>>
    %dma_start3A_206 = arith.constant 0 : i32
    %dma_start3A_207 = tpu.memref_slice %arg5[%dma_start3A_202, %dma_start3A_206] : memref<40x128xi32, #tpu.memory_space<vmem>> -> memref<1x128xi32, #tpu.memory_space<vmem>>
    %dma_start3A_208 = tpu.memref_squeeze %dma_start3A_207 : memref<1x128xi32, #tpu.memory_space<vmem>> -> memref<128xi32, #tpu.memory_space<vmem>>
    %dma_start3A_209 = arith.constant 0 : i32
    %dma_start3A_210 = arith.constant 0 : i32
    %dma_start3A_211 = tpu.memref_slice %arg3[%dma_start3A_209, %dma_start3A_210] : memref<8192x16xf32, #tpu.memory_space<hbm>> -> memref<8192x16xf32, #tpu.memory_space<hbm>>
    tpu.enqueue_indirect_dma source(%dma_start3A_211 : memref<8192x16xf32, #tpu.memory_space<hbm>>) target(%dma_start3A_205 : memref<128x16xf32, #tpu.memory_space<vmem>>) offsets(%dma_start3A_208 : memref<128xi32, #tpu.memory_space<vmem>>) semaphore(%arg7 : memref<!tpu.dma_semaphore, #tpu.memory_space<semaphore_mem>>)
    %dma_start3A_212 = arith.constant 21 : i32
    %dma_start3A_213 = arith.constant 2688 : i32
    %dma_start3A_214 = arith.constant 0 : i32
    %dma_start3A_215 = tpu.memref_slice %arg6[%dma_start3A_213, %dma_start3A_214] : memref<5120x16xf32, #tpu.memory_space<vmem>> -> memref<128x16xf32, #tpu.memory_space<vmem>>
    %dma_start3A_216 = arith.constant 0 : i32
    %dma_start3A_217 = tpu.memref_slice %arg5[%dma_start3A_212, %dma_start3A_216] : memref<40x128xi32, #tpu.memory_space<vmem>> -> memref<1x128xi32, #tpu.memory_space<vmem>>
    %dma_start3A_218 = tpu.memref_squeeze %dma_start3A_217 : memref<1x128xi32, #tpu.memory_space<vmem>> -> memref<128xi32, #tpu.memory_space<vmem>>
    %dma_start3A_219 = arith.constant 0 : i32
    %dma_start3A_220 = arith.constant 0 : i32
    %dma_start3A_221 = tpu.memref_slice %arg3[%dma_start3A_219, %dma_start3A_220] : memref<8192x16xf32, #tpu.memory_space<hbm>> -> memref<8192x16xf32, #tpu.memory_space<hbm>>
    tpu.enqueue_indirect_dma source(%dma_start3A_221 : memref<8192x16xf32, #tpu.memory_space<hbm>>) target(%dma_start3A_215 : memref<128x16xf32, #tpu.memory_space<vmem>>) offsets(%dma_start3A_218 : memref<128xi32, #tpu.memory_space<vmem>>) semaphore(%arg7 : memref<!tpu.dma_semaphore, #tpu.memory_space<semaphore_mem>>)
    %dma_start3A_222 = arith.constant 22 : i32
    %dma_start3A_223 = arith.constant 2816 : i32
    %dma_start3A_224 = arith.constant 0 : i32
    %dma_start3A_225 = tpu.memref_slice %arg6[%dma_start3A_223, %dma_start3A_224] : memref<5120x16xf32, #tpu.memory_space<vmem>> -> memref<128x16xf32, #tpu.memory_space<vmem>>
    %dma_start3A_226 = arith.constant 0 : i32
    %dma_start3A_227 = tpu.memref_slice %arg5[%dma_start3A_222, %dma_start3A_226] : memref<40x128xi32, #tpu.memory_space<vmem>> -> memref<1x128xi32, #tpu.memory_space<vmem>>
    %dma_start3A_228 = tpu.memref_squeeze %dma_start3A_227 : memref<1x128xi32, #tpu.memory_space<vmem>> -> memref<128xi32, #tpu.memory_space<vmem>>
    %dma_start3A_229 = arith.constant 0 : i32
    %dma_start3A_230 = arith.constant 0 : i32
    %dma_start3A_231 = tpu.memref_slice %arg3[%dma_start3A_229, %dma_start3A_230] : memref<8192x16xf32, #tpu.memory_space<hbm>> -> memref<8192x16xf32, #tpu.memory_space<hbm>>
    tpu.enqueue_indirect_dma source(%dma_start3A_231 : memref<8192x16xf32, #tpu.memory_space<hbm>>) target(%dma_start3A_225 : memref<128x16xf32, #tpu.memory_space<vmem>>) offsets(%dma_start3A_228 : memref<128xi32, #tpu.memory_space<vmem>>) semaphore(%arg7 : memref<!tpu.dma_semaphore, #tpu.memory_space<semaphore_mem>>)
    %dma_start3A_232 = arith.constant 23 : i32
    %dma_start3A_233 = arith.constant 2944 : i32
    %dma_start3A_234 = arith.constant 0 : i32
    %dma_start3A_235 = tpu.memref_slice %arg6[%dma_start3A_233, %dma_start3A_234] : memref<5120x16xf32, #tpu.memory_space<vmem>> -> memref<128x16xf32, #tpu.memory_space<vmem>>
    %dma_start3A_236 = arith.constant 0 : i32
    %dma_start3A_237 = tpu.memref_slice %arg5[%dma_start3A_232, %dma_start3A_236] : memref<40x128xi32, #tpu.memory_space<vmem>> -> memref<1x128xi32, #tpu.memory_space<vmem>>
    %dma_start3A_238 = tpu.memref_squeeze %dma_start3A_237 : memref<1x128xi32, #tpu.memory_space<vmem>> -> memref<128xi32, #tpu.memory_space<vmem>>
    %dma_start3A_239 = arith.constant 0 : i32
    %dma_start3A_240 = arith.constant 0 : i32
    %dma_start3A_241 = tpu.memref_slice %arg3[%dma_start3A_239, %dma_start3A_240] : memref<8192x16xf32, #tpu.memory_space<hbm>> -> memref<8192x16xf32, #tpu.memory_space<hbm>>
    tpu.enqueue_indirect_dma source(%dma_start3A_241 : memref<8192x16xf32, #tpu.memory_space<hbm>>) target(%dma_start3A_235 : memref<128x16xf32, #tpu.memory_space<vmem>>) offsets(%dma_start3A_238 : memref<128xi32, #tpu.memory_space<vmem>>) semaphore(%arg7 : memref<!tpu.dma_semaphore, #tpu.memory_space<semaphore_mem>>)
    %dma_start3A_242 = arith.constant 24 : i32
    %dma_start3A_243 = arith.constant 3072 : i32
    %dma_start3A_244 = arith.constant 0 : i32
    %dma_start3A_245 = tpu.memref_slice %arg6[%dma_start3A_243, %dma_start3A_244] : memref<5120x16xf32, #tpu.memory_space<vmem>> -> memref<128x16xf32, #tpu.memory_space<vmem>>
    %dma_start3A_246 = arith.constant 0 : i32
    %dma_start3A_247 = tpu.memref_slice %arg5[%dma_start3A_242, %dma_start3A_246] : memref<40x128xi32, #tpu.memory_space<vmem>> -> memref<1x128xi32, #tpu.memory_space<vmem>>
    %dma_start3A_248 = tpu.memref_squeeze %dma_start3A_247 : memref<1x128xi32, #tpu.memory_space<vmem>> -> memref<128xi32, #tpu.memory_space<vmem>>
    %dma_start3A_249 = arith.constant 0 : i32
    %dma_start3A_250 = arith.constant 0 : i32
    %dma_start3A_251 = tpu.memref_slice %arg3[%dma_start3A_249, %dma_start3A_250] : memref<8192x16xf32, #tpu.memory_space<hbm>> -> memref<8192x16xf32, #tpu.memory_space<hbm>>
    tpu.enqueue_indirect_dma source(%dma_start3A_251 : memref<8192x16xf32, #tpu.memory_space<hbm>>) target(%dma_start3A_245 : memref<128x16xf32, #tpu.memory_space<vmem>>) offsets(%dma_start3A_248 : memref<128xi32, #tpu.memory_space<vmem>>) semaphore(%arg7 : memref<!tpu.dma_semaphore, #tpu.memory_space<semaphore_mem>>)
    %dma_start3A_252 = arith.constant 25 : i32
    %dma_start3A_253 = arith.constant 3200 : i32
    %dma_start3A_254 = arith.constant 0 : i32
    %dma_start3A_255 = tpu.memref_slice %arg6[%dma_start3A_253, %dma_start3A_254] : memref<5120x16xf32, #tpu.memory_space<vmem>> -> memref<128x16xf32, #tpu.memory_space<vmem>>
    %dma_start3A_256 = arith.constant 0 : i32
    %dma_start3A_257 = tpu.memref_slice %arg5[%dma_start3A_252, %dma_start3A_256] : memref<40x128xi32, #tpu.memory_space<vmem>> -> memref<1x128xi32, #tpu.memory_space<vmem>>
    %dma_start3A_258 = tpu.memref_squeeze %dma_start3A_257 : memref<1x128xi32, #tpu.memory_space<vmem>> -> memref<128xi32, #tpu.memory_space<vmem>>
    %dma_start3A_259 = arith.constant 0 : i32
    %dma_start3A_260 = arith.constant 0 : i32
    %dma_start3A_261 = tpu.memref_slice %arg3[%dma_start3A_259, %dma_start3A_260] : memref<8192x16xf32, #tpu.memory_space<hbm>> -> memref<8192x16xf32, #tpu.memory_space<hbm>>
    tpu.enqueue_indirect_dma source(%dma_start3A_261 : memref<8192x16xf32, #tpu.memory_space<hbm>>) target(%dma_start3A_255 : memref<128x16xf32, #tpu.memory_space<vmem>>) offsets(%dma_start3A_258 : memref<128xi32, #tpu.memory_space<vmem>>) semaphore(%arg7 : memref<!tpu.dma_semaphore, #tpu.memory_space<semaphore_mem>>)
    %dma_start3A_262 = arith.constant 26 : i32
    %dma_start3A_263 = arith.constant 3328 : i32
    %dma_start3A_264 = arith.constant 0 : i32
    %dma_start3A_265 = tpu.memref_slice %arg6[%dma_start3A_263, %dma_start3A_264] : memref<5120x16xf32, #tpu.memory_space<vmem>> -> memref<128x16xf32, #tpu.memory_space<vmem>>
    %dma_start3A_266 = arith.constant 0 : i32
    %dma_start3A_267 = tpu.memref_slice %arg5[%dma_start3A_262, %dma_start3A_266] : memref<40x128xi32, #tpu.memory_space<vmem>> -> memref<1x128xi32, #tpu.memory_space<vmem>>
    %dma_start3A_268 = tpu.memref_squeeze %dma_start3A_267 : memref<1x128xi32, #tpu.memory_space<vmem>> -> memref<128xi32, #tpu.memory_space<vmem>>
    %dma_start3A_269 = arith.constant 0 : i32
    %dma_start3A_270 = arith.constant 0 : i32
    %dma_start3A_271 = tpu.memref_slice %arg3[%dma_start3A_269, %dma_start3A_270] : memref<8192x16xf32, #tpu.memory_space<hbm>> -> memref<8192x16xf32, #tpu.memory_space<hbm>>
    tpu.enqueue_indirect_dma source(%dma_start3A_271 : memref<8192x16xf32, #tpu.memory_space<hbm>>) target(%dma_start3A_265 : memref<128x16xf32, #tpu.memory_space<vmem>>) offsets(%dma_start3A_268 : memref<128xi32, #tpu.memory_space<vmem>>) semaphore(%arg7 : memref<!tpu.dma_semaphore, #tpu.memory_space<semaphore_mem>>)
    %dma_start3A_272 = arith.constant 27 : i32
    %dma_start3A_273 = arith.constant 3456 : i32
    %dma_start3A_274 = arith.constant 0 : i32
    %dma_start3A_275 = tpu.memref_slice %arg6[%dma_start3A_273, %dma_start3A_274] : memref<5120x16xf32, #tpu.memory_space<vmem>> -> memref<128x16xf32, #tpu.memory_space<vmem>>
    %dma_start3A_276 = arith.constant 0 : i32
    %dma_start3A_277 = tpu.memref_slice %arg5[%dma_start3A_272, %dma_start3A_276] : memref<40x128xi32, #tpu.memory_space<vmem>> -> memref<1x128xi32, #tpu.memory_space<vmem>>
    %dma_start3A_278 = tpu.memref_squeeze %dma_start3A_277 : memref<1x128xi32, #tpu.memory_space<vmem>> -> memref<128xi32, #tpu.memory_space<vmem>>
    %dma_start3A_279 = arith.constant 0 : i32
    %dma_start3A_280 = arith.constant 0 : i32
    %dma_start3A_281 = tpu.memref_slice %arg3[%dma_start3A_279, %dma_start3A_280] : memref<8192x16xf32, #tpu.memory_space<hbm>> -> memref<8192x16xf32, #tpu.memory_space<hbm>>
    tpu.enqueue_indirect_dma source(%dma_start3A_281 : memref<8192x16xf32, #tpu.memory_space<hbm>>) target(%dma_start3A_275 : memref<128x16xf32, #tpu.memory_space<vmem>>) offsets(%dma_start3A_278 : memref<128xi32, #tpu.memory_space<vmem>>) semaphore(%arg7 : memref<!tpu.dma_semaphore, #tpu.memory_space<semaphore_mem>>)
    %dma_start3A_282 = arith.constant 28 : i32
    %dma_start3A_283 = arith.constant 3584 : i32
    %dma_start3A_284 = arith.constant 0 : i32
    %dma_start3A_285 = tpu.memref_slice %arg6[%dma_start3A_283, %dma_start3A_284] : memref<5120x16xf32, #tpu.memory_space<vmem>> -> memref<128x16xf32, #tpu.memory_space<vmem>>
    %dma_start3A_286 = arith.constant 0 : i32
    %dma_start3A_287 = tpu.memref_slice %arg5[%dma_start3A_282, %dma_start3A_286] : memref<40x128xi32, #tpu.memory_space<vmem>> -> memref<1x128xi32, #tpu.memory_space<vmem>>
    %dma_start3A_288 = tpu.memref_squeeze %dma_start3A_287 : memref<1x128xi32, #tpu.memory_space<vmem>> -> memref<128xi32, #tpu.memory_space<vmem>>
    %dma_start3A_289 = arith.constant 0 : i32
    %dma_start3A_290 = arith.constant 0 : i32
    %dma_start3A_291 = tpu.memref_slice %arg3[%dma_start3A_289, %dma_start3A_290] : memref<8192x16xf32, #tpu.memory_space<hbm>> -> memref<8192x16xf32, #tpu.memory_space<hbm>>
    tpu.enqueue_indirect_dma source(%dma_start3A_291 : memref<8192x16xf32, #tpu.memory_space<hbm>>) target(%dma_start3A_285 : memref<128x16xf32, #tpu.memory_space<vmem>>) offsets(%dma_start3A_288 : memref<128xi32, #tpu.memory_space<vmem>>) semaphore(%arg7 : memref<!tpu.dma_semaphore, #tpu.memory_space<semaphore_mem>>)
    %dma_start3A_292 = arith.constant 29 : i32
    %dma_start3A_293 = arith.constant 3712 : i32
    %dma_start3A_294 = arith.constant 0 : i32
    %dma_start3A_295 = tpu.memref_slice %arg6[%dma_start3A_293, %dma_start3A_294] : memref<5120x16xf32, #tpu.memory_space<vmem>> -> memref<128x16xf32, #tpu.memory_space<vmem>>
    %dma_start3A_296 = arith.constant 0 : i32
    %dma_start3A_297 = tpu.memref_slice %arg5[%dma_start3A_292, %dma_start3A_296] : memref<40x128xi32, #tpu.memory_space<vmem>> -> memref<1x128xi32, #tpu.memory_space<vmem>>
    %dma_start3A_298 = tpu.memref_squeeze %dma_start3A_297 : memref<1x128xi32, #tpu.memory_space<vmem>> -> memref<128xi32, #tpu.memory_space<vmem>>
    %dma_start3A_299 = arith.constant 0 : i32
    %dma_start3A_300 = arith.constant 0 : i32
    %dma_start3A_301 = tpu.memref_slice %arg3[%dma_start3A_299, %dma_start3A_300] : memref<8192x16xf32, #tpu.memory_space<hbm>> -> memref<8192x16xf32, #tpu.memory_space<hbm>>
    tpu.enqueue_indirect_dma source(%dma_start3A_301 : memref<8192x16xf32, #tpu.memory_space<hbm>>) target(%dma_start3A_295 : memref<128x16xf32, #tpu.memory_space<vmem>>) offsets(%dma_start3A_298 : memref<128xi32, #tpu.memory_space<vmem>>) semaphore(%arg7 : memref<!tpu.dma_semaphore, #tpu.memory_space<semaphore_mem>>)
    %dma_start3A_302 = arith.constant 30 : i32
    %dma_start3A_303 = arith.constant 3840 : i32
    %dma_start3A_304 = arith.constant 0 : i32
    %dma_start3A_305 = tpu.memref_slice %arg6[%dma_start3A_303, %dma_start3A_304] : memref<5120x16xf32, #tpu.memory_space<vmem>> -> memref<128x16xf32, #tpu.memory_space<vmem>>
    %dma_start3A_306 = arith.constant 0 : i32
    %dma_start3A_307 = tpu.memref_slice %arg5[%dma_start3A_302, %dma_start3A_306] : memref<40x128xi32, #tpu.memory_space<vmem>> -> memref<1x128xi32, #tpu.memory_space<vmem>>
    %dma_start3A_308 = tpu.memref_squeeze %dma_start3A_307 : memref<1x128xi32, #tpu.memory_space<vmem>> -> memref<128xi32, #tpu.memory_space<vmem>>
    %dma_start3A_309 = arith.constant 0 : i32
    %dma_start3A_310 = arith.constant 0 : i32
    %dma_start3A_311 = tpu.memref_slice %arg3[%dma_start3A_309, %dma_start3A_310] : memref<8192x16xf32, #tpu.memory_space<hbm>> -> memref<8192x16xf32, #tpu.memory_space<hbm>>
    tpu.enqueue_indirect_dma source(%dma_start3A_311 : memref<8192x16xf32, #tpu.memory_space<hbm>>) target(%dma_start3A_305 : memref<128x16xf32, #tpu.memory_space<vmem>>) offsets(%dma_start3A_308 : memref<128xi32, #tpu.memory_space<vmem>>) semaphore(%arg7 : memref<!tpu.dma_semaphore, #tpu.memory_space<semaphore_mem>>)
    %dma_start3A_312 = arith.constant 31 : i32
    %dma_start3A_313 = arith.constant 3968 : i32
    %dma_start3A_314 = arith.constant 0 : i32
    %dma_start3A_315 = tpu.memref_slice %arg6[%dma_start3A_313, %dma_start3A_314] : memref<5120x16xf32, #tpu.memory_space<vmem>> -> memref<128x16xf32, #tpu.memory_space<vmem>>
    %dma_start3A_316 = arith.constant 0 : i32
    %dma_start3A_317 = tpu.memref_slice %arg5[%dma_start3A_312, %dma_start3A_316] : memref<40x128xi32, #tpu.memory_space<vmem>> -> memref<1x128xi32, #tpu.memory_space<vmem>>
    %dma_start3A_318 = tpu.memref_squeeze %dma_start3A_317 : memref<1x128xi32, #tpu.memory_space<vmem>> -> memref<128xi32, #tpu.memory_space<vmem>>
    %dma_start3A_319 = arith.constant 0 : i32
    %dma_start3A_320 = arith.constant 0 : i32
    %dma_start3A_321 = tpu.memref_slice %arg3[%dma_start3A_319, %dma_start3A_320] : memref<8192x16xf32, #tpu.memory_space<hbm>> -> memref<8192x16xf32, #tpu.memory_space<hbm>>
    tpu.enqueue_indirect_dma source(%dma_start3A_321 : memref<8192x16xf32, #tpu.memory_space<hbm>>) target(%dma_start3A_315 : memref<128x16xf32, #tpu.memory_space<vmem>>) offsets(%dma_start3A_318 : memref<128xi32, #tpu.memory_space<vmem>>) semaphore(%arg7 : memref<!tpu.dma_semaphore, #tpu.memory_space<semaphore_mem>>)
    %dma_start3A_322 = arith.constant 32 : i32
    %dma_start3A_323 = arith.constant 4096 : i32
    %dma_start3A_324 = arith.constant 0 : i32
    %dma_start3A_325 = tpu.memref_slice %arg6[%dma_start3A_323, %dma_start3A_324] : memref<5120x16xf32, #tpu.memory_space<vmem>> -> memref<128x16xf32, #tpu.memory_space<vmem>>
    %dma_start3A_326 = arith.constant 0 : i32
    %dma_start3A_327 = tpu.memref_slice %arg5[%dma_start3A_322, %dma_start3A_326] : memref<40x128xi32, #tpu.memory_space<vmem>> -> memref<1x128xi32, #tpu.memory_space<vmem>>
    %dma_start3A_328 = tpu.memref_squeeze %dma_start3A_327 : memref<1x128xi32, #tpu.memory_space<vmem>> -> memref<128xi32, #tpu.memory_space<vmem>>
    %dma_start3A_329 = arith.constant 0 : i32
    %dma_start3A_330 = arith.constant 0 : i32
    %dma_start3A_331 = tpu.memref_slice %arg3[%dma_start3A_329, %dma_start3A_330] : memref<8192x16xf32, #tpu.memory_space<hbm>> -> memref<8192x16xf32, #tpu.memory_space<hbm>>
    tpu.enqueue_indirect_dma source(%dma_start3A_331 : memref<8192x16xf32, #tpu.memory_space<hbm>>) target(%dma_start3A_325 : memref<128x16xf32, #tpu.memory_space<vmem>>) offsets(%dma_start3A_328 : memref<128xi32, #tpu.memory_space<vmem>>) semaphore(%arg7 : memref<!tpu.dma_semaphore, #tpu.memory_space<semaphore_mem>>)
    %dma_start3A_332 = arith.constant 33 : i32
    %dma_start3A_333 = arith.constant 4224 : i32
    %dma_start3A_334 = arith.constant 0 : i32
    %dma_start3A_335 = tpu.memref_slice %arg6[%dma_start3A_333, %dma_start3A_334] : memref<5120x16xf32, #tpu.memory_space<vmem>> -> memref<128x16xf32, #tpu.memory_space<vmem>>
    %dma_start3A_336 = arith.constant 0 : i32
    %dma_start3A_337 = tpu.memref_slice %arg5[%dma_start3A_332, %dma_start3A_336] : memref<40x128xi32, #tpu.memory_space<vmem>> -> memref<1x128xi32, #tpu.memory_space<vmem>>
    %dma_start3A_338 = tpu.memref_squeeze %dma_start3A_337 : memref<1x128xi32, #tpu.memory_space<vmem>> -> memref<128xi32, #tpu.memory_space<vmem>>
    %dma_start3A_339 = arith.constant 0 : i32
    %dma_start3A_340 = arith.constant 0 : i32
    %dma_start3A_341 = tpu.memref_slice %arg3[%dma_start3A_339, %dma_start3A_340] : memref<8192x16xf32, #tpu.memory_space<hbm>> -> memref<8192x16xf32, #tpu.memory_space<hbm>>
    tpu.enqueue_indirect_dma source(%dma_start3A_341 : memref<8192x16xf32, #tpu.memory_space<hbm>>) target(%dma_start3A_335 : memref<128x16xf32, #tpu.memory_space<vmem>>) offsets(%dma_start3A_338 : memref<128xi32, #tpu.memory_space<vmem>>) semaphore(%arg7 : memref<!tpu.dma_semaphore, #tpu.memory_space<semaphore_mem>>)
    %dma_start3A_342 = arith.constant 34 : i32
    %dma_start3A_343 = arith.constant 4352 : i32
    %dma_start3A_344 = arith.constant 0 : i32
    %dma_start3A_345 = tpu.memref_slice %arg6[%dma_start3A_343, %dma_start3A_344] : memref<5120x16xf32, #tpu.memory_space<vmem>> -> memref<128x16xf32, #tpu.memory_space<vmem>>
    %dma_start3A_346 = arith.constant 0 : i32
    %dma_start3A_347 = tpu.memref_slice %arg5[%dma_start3A_342, %dma_start3A_346] : memref<40x128xi32, #tpu.memory_space<vmem>> -> memref<1x128xi32, #tpu.memory_space<vmem>>
    %dma_start3A_348 = tpu.memref_squeeze %dma_start3A_347 : memref<1x128xi32, #tpu.memory_space<vmem>> -> memref<128xi32, #tpu.memory_space<vmem>>
    %dma_start3A_349 = arith.constant 0 : i32
    %dma_start3A_350 = arith.constant 0 : i32
    %dma_start3A_351 = tpu.memref_slice %arg3[%dma_start3A_349, %dma_start3A_350] : memref<8192x16xf32, #tpu.memory_space<hbm>> -> memref<8192x16xf32, #tpu.memory_space<hbm>>
    tpu.enqueue_indirect_dma source(%dma_start3A_351 : memref<8192x16xf32, #tpu.memory_space<hbm>>) target(%dma_start3A_345 : memref<128x16xf32, #tpu.memory_space<vmem>>) offsets(%dma_start3A_348 : memref<128xi32, #tpu.memory_space<vmem>>) semaphore(%arg7 : memref<!tpu.dma_semaphore, #tpu.memory_space<semaphore_mem>>)
    %dma_start3A_352 = arith.constant 35 : i32
    %dma_start3A_353 = arith.constant 4480 : i32
    %dma_start3A_354 = arith.constant 0 : i32
    %dma_start3A_355 = tpu.memref_slice %arg6[%dma_start3A_353, %dma_start3A_354] : memref<5120x16xf32, #tpu.memory_space<vmem>> -> memref<128x16xf32, #tpu.memory_space<vmem>>
    %dma_start3A_356 = arith.constant 0 : i32
    %dma_start3A_357 = tpu.memref_slice %arg5[%dma_start3A_352, %dma_start3A_356] : memref<40x128xi32, #tpu.memory_space<vmem>> -> memref<1x128xi32, #tpu.memory_space<vmem>>
    %dma_start3A_358 = tpu.memref_squeeze %dma_start3A_357 : memref<1x128xi32, #tpu.memory_space<vmem>> -> memref<128xi32, #tpu.memory_space<vmem>>
    %dma_start3A_359 = arith.constant 0 : i32
    %dma_start3A_360 = arith.constant 0 : i32
    %dma_start3A_361 = tpu.memref_slice %arg3[%dma_start3A_359, %dma_start3A_360] : memref<8192x16xf32, #tpu.memory_space<hbm>> -> memref<8192x16xf32, #tpu.memory_space<hbm>>
    tpu.enqueue_indirect_dma source(%dma_start3A_361 : memref<8192x16xf32, #tpu.memory_space<hbm>>) target(%dma_start3A_355 : memref<128x16xf32, #tpu.memory_space<vmem>>) offsets(%dma_start3A_358 : memref<128xi32, #tpu.memory_space<vmem>>) semaphore(%arg7 : memref<!tpu.dma_semaphore, #tpu.memory_space<semaphore_mem>>)
    %dma_start3A_362 = arith.constant 36 : i32
    %dma_start3A_363 = arith.constant 4608 : i32
    %dma_start3A_364 = arith.constant 0 : i32
    %dma_start3A_365 = tpu.memref_slice %arg6[%dma_start3A_363, %dma_start3A_364] : memref<5120x16xf32, #tpu.memory_space<vmem>> -> memref<128x16xf32, #tpu.memory_space<vmem>>
    %dma_start3A_366 = arith.constant 0 : i32
    %dma_start3A_367 = tpu.memref_slice %arg5[%dma_start3A_362, %dma_start3A_366] : memref<40x128xi32, #tpu.memory_space<vmem>> -> memref<1x128xi32, #tpu.memory_space<vmem>>
    %dma_start3A_368 = tpu.memref_squeeze %dma_start3A_367 : memref<1x128xi32, #tpu.memory_space<vmem>> -> memref<128xi32, #tpu.memory_space<vmem>>
    %dma_start3A_369 = arith.constant 0 : i32
    %dma_start3A_370 = arith.constant 0 : i32
    %dma_start3A_371 = tpu.memref_slice %arg3[%dma_start3A_369, %dma_start3A_370] : memref<8192x16xf32, #tpu.memory_space<hbm>> -> memref<8192x16xf32, #tpu.memory_space<hbm>>
    tpu.enqueue_indirect_dma source(%dma_start3A_371 : memref<8192x16xf32, #tpu.memory_space<hbm>>) target(%dma_start3A_365 : memref<128x16xf32, #tpu.memory_space<vmem>>) offsets(%dma_start3A_368 : memref<128xi32, #tpu.memory_space<vmem>>) semaphore(%arg7 : memref<!tpu.dma_semaphore, #tpu.memory_space<semaphore_mem>>)
    %dma_start3A_372 = arith.constant 37 : i32
    %dma_start3A_373 = arith.constant 4736 : i32
    %dma_start3A_374 = arith.constant 0 : i32
    %dma_start3A_375 = tpu.memref_slice %arg6[%dma_start3A_373, %dma_start3A_374] : memref<5120x16xf32, #tpu.memory_space<vmem>> -> memref<128x16xf32, #tpu.memory_space<vmem>>
    %dma_start3A_376 = arith.constant 0 : i32
    %dma_start3A_377 = tpu.memref_slice %arg5[%dma_start3A_372, %dma_start3A_376] : memref<40x128xi32, #tpu.memory_space<vmem>> -> memref<1x128xi32, #tpu.memory_space<vmem>>
    %dma_start3A_378 = tpu.memref_squeeze %dma_start3A_377 : memref<1x128xi32, #tpu.memory_space<vmem>> -> memref<128xi32, #tpu.memory_space<vmem>>
    %dma_start3A_379 = arith.constant 0 : i32
    %dma_start3A_380 = arith.constant 0 : i32
    %dma_start3A_381 = tpu.memref_slice %arg3[%dma_start3A_379, %dma_start3A_380] : memref<8192x16xf32, #tpu.memory_space<hbm>> -> memref<8192x16xf32, #tpu.memory_space<hbm>>
    tpu.enqueue_indirect_dma source(%dma_start3A_381 : memref<8192x16xf32, #tpu.memory_space<hbm>>) target(%dma_start3A_375 : memref<128x16xf32, #tpu.memory_space<vmem>>) offsets(%dma_start3A_378 : memref<128xi32, #tpu.memory_space<vmem>>) semaphore(%arg7 : memref<!tpu.dma_semaphore, #tpu.memory_space<semaphore_mem>>)
    %dma_start3A_382 = arith.constant 38 : i32
    %dma_start3A_383 = arith.constant 4864 : i32
    %dma_start3A_384 = arith.constant 0 : i32
    %dma_start3A_385 = tpu.memref_slice %arg6[%dma_start3A_383, %dma_start3A_384] : memref<5120x16xf32, #tpu.memory_space<vmem>> -> memref<128x16xf32, #tpu.memory_space<vmem>>
    %dma_start3A_386 = arith.constant 0 : i32
    %dma_start3A_387 = tpu.memref_slice %arg5[%dma_start3A_382, %dma_start3A_386] : memref<40x128xi32, #tpu.memory_space<vmem>> -> memref<1x128xi32, #tpu.memory_space<vmem>>
    %dma_start3A_388 = tpu.memref_squeeze %dma_start3A_387 : memref<1x128xi32, #tpu.memory_space<vmem>> -> memref<128xi32, #tpu.memory_space<vmem>>
    %dma_start3A_389 = arith.constant 0 : i32
    %dma_start3A_390 = arith.constant 0 : i32
    %dma_start3A_391 = tpu.memref_slice %arg3[%dma_start3A_389, %dma_start3A_390] : memref<8192x16xf32, #tpu.memory_space<hbm>> -> memref<8192x16xf32, #tpu.memory_space<hbm>>
    tpu.enqueue_indirect_dma source(%dma_start3A_391 : memref<8192x16xf32, #tpu.memory_space<hbm>>) target(%dma_start3A_385 : memref<128x16xf32, #tpu.memory_space<vmem>>) offsets(%dma_start3A_388 : memref<128xi32, #tpu.memory_space<vmem>>) semaphore(%arg7 : memref<!tpu.dma_semaphore, #tpu.memory_space<semaphore_mem>>)
    %dma_start3A_392 = arith.constant 39 : i32
    %dma_start3A_393 = arith.constant 4992 : i32
    %dma_start3A_394 = arith.constant 0 : i32
    %dma_start3A_395 = tpu.memref_slice %arg6[%dma_start3A_393, %dma_start3A_394] : memref<5120x16xf32, #tpu.memory_space<vmem>> -> memref<128x16xf32, #tpu.memory_space<vmem>>
    %dma_start3A_396 = arith.constant 0 : i32
    %dma_start3A_397 = tpu.memref_slice %arg5[%dma_start3A_392, %dma_start3A_396] : memref<40x128xi32, #tpu.memory_space<vmem>> -> memref<1x128xi32, #tpu.memory_space<vmem>>
    %dma_start3A_398 = tpu.memref_squeeze %dma_start3A_397 : memref<1x128xi32, #tpu.memory_space<vmem>> -> memref<128xi32, #tpu.memory_space<vmem>>
    %dma_start3A_399 = arith.constant 0 : i32
    %dma_start3A_400 = arith.constant 0 : i32
    %dma_start3A_401 = tpu.memref_slice %arg3[%dma_start3A_399, %dma_start3A_400] : memref<8192x16xf32, #tpu.memory_space<hbm>> -> memref<8192x16xf32, #tpu.memory_space<hbm>>
    tpu.enqueue_indirect_dma source(%dma_start3A_401 : memref<8192x16xf32, #tpu.memory_space<hbm>>) target(%dma_start3A_395 : memref<128x16xf32, #tpu.memory_space<vmem>>) offsets(%dma_start3A_398 : memref<128xi32, #tpu.memory_space<vmem>>) semaphore(%arg7 : memref<!tpu.dma_semaphore, #tpu.memory_space<semaphore_mem>>)
    %dma_wait3A = arith.constant 0 : i32
    %dma_wait3A_402 = arith.constant 0 : i32
    %dma_wait3A_403 = arith.constant 0 : i32
    %dma_wait3A_404 = tpu.memref_slice %arg6[%dma_wait3A_402, %dma_wait3A_403] : memref<5120x16xf32, #tpu.memory_space<vmem>> -> memref<128x16xf32, #tpu.memory_space<vmem>>
    %dma_wait3A_405 = arith.constant 0 : i32
    %dma_wait3A_406 = tpu.memref_slice %arg5[%dma_wait3A, %dma_wait3A_405] : memref<40x128xi32, #tpu.memory_space<vmem>> -> memref<1x128xi32, #tpu.memory_space<vmem>>
    %dma_wait3A_407 = tpu.memref_squeeze %dma_wait3A_406 : memref<1x128xi32, #tpu.memory_space<vmem>> -> memref<128xi32, #tpu.memory_space<vmem>>
    %dma_wait3A_408 = arith.constant 0 : i32
    %dma_wait3A_409 = arith.constant 0 : i32
    %dma_wait3A_410 = tpu.memref_slice %arg3[%dma_wait3A_408, %dma_wait3A_409] : memref<8192x16xf32, #tpu.memory_space<hbm>> -> memref<8192x16xf32, #tpu.memory_space<hbm>>
    tpu.wait_indirect_dma semaphore(%arg7 : memref<!tpu.dma_semaphore, #tpu.memory_space<semaphore_mem>>) src(%dma_wait3A_410 : memref<8192x16xf32, #tpu.memory_space<hbm>>) dst(%dma_wait3A_404 : memref<128x16xf32, #tpu.memory_space<vmem>>)
    %dma_wait3A_411 = arith.constant 1 : i32
    %dma_wait3A_412 = arith.constant 128 : i32
    %dma_wait3A_413 = arith.constant 0 : i32
    %dma_wait3A_414 = tpu.memref_slice %arg6[%dma_wait3A_412, %dma_wait3A_413] : memref<5120x16xf32, #tpu.memory_space<vmem>> -> memref<128x16xf32, #tpu.memory_space<vmem>>
    %dma_wait3A_415 = arith.constant 0 : i32
    %dma_wait3A_416 = tpu.memref_slice %arg5[%dma_wait3A_411, %dma_wait3A_415] : memref<40x128xi32, #tpu.memory_space<vmem>> -> memref<1x128xi32, #tpu.memory_space<vmem>>
    %dma_wait3A_417 = tpu.memref_squeeze %dma_wait3A_416 : memref<1x128xi32, #tpu.memory_space<vmem>> -> memref<128xi32, #tpu.memory_space<vmem>>
    %dma_wait3A_418 = arith.constant 0 : i32
    %dma_wait3A_419 = arith.constant 0 : i32
    %dma_wait3A_420 = tpu.memref_slice %arg3[%dma_wait3A_418, %dma_wait3A_419] : memref<8192x16xf32, #tpu.memory_space<hbm>> -> memref<8192x16xf32, #tpu.memory_space<hbm>>
    tpu.wait_indirect_dma semaphore(%arg7 : memref<!tpu.dma_semaphore, #tpu.memory_space<semaphore_mem>>) src(%dma_wait3A_420 : memref<8192x16xf32, #tpu.memory_space<hbm>>) dst(%dma_wait3A_414 : memref<128x16xf32, #tpu.memory_space<vmem>>)
    %dma_wait3A_421 = arith.constant 2 : i32
    %dma_wait3A_422 = arith.constant 256 : i32
    %dma_wait3A_423 = arith.constant 0 : i32
    %dma_wait3A_424 = tpu.memref_slice %arg6[%dma_wait3A_422, %dma_wait3A_423] : memref<5120x16xf32, #tpu.memory_space<vmem>> -> memref<128x16xf32, #tpu.memory_space<vmem>>
    %dma_wait3A_425 = arith.constant 0 : i32
    %dma_wait3A_426 = tpu.memref_slice %arg5[%dma_wait3A_421, %dma_wait3A_425] : memref<40x128xi32, #tpu.memory_space<vmem>> -> memref<1x128xi32, #tpu.memory_space<vmem>>
    %dma_wait3A_427 = tpu.memref_squeeze %dma_wait3A_426 : memref<1x128xi32, #tpu.memory_space<vmem>> -> memref<128xi32, #tpu.memory_space<vmem>>
    %dma_wait3A_428 = arith.constant 0 : i32
    %dma_wait3A_429 = arith.constant 0 : i32
    %dma_wait3A_430 = tpu.memref_slice %arg3[%dma_wait3A_428, %dma_wait3A_429] : memref<8192x16xf32, #tpu.memory_space<hbm>> -> memref<8192x16xf32, #tpu.memory_space<hbm>>
    tpu.wait_indirect_dma semaphore(%arg7 : memref<!tpu.dma_semaphore, #tpu.memory_space<semaphore_mem>>) src(%dma_wait3A_430 : memref<8192x16xf32, #tpu.memory_space<hbm>>) dst(%dma_wait3A_424 : memref<128x16xf32, #tpu.memory_space<vmem>>)
    %dma_wait3A_431 = arith.constant 3 : i32
    %dma_wait3A_432 = arith.constant 384 : i32
    %dma_wait3A_433 = arith.constant 0 : i32
    %dma_wait3A_434 = tpu.memref_slice %arg6[%dma_wait3A_432, %dma_wait3A_433] : memref<5120x16xf32, #tpu.memory_space<vmem>> -> memref<128x16xf32, #tpu.memory_space<vmem>>
    %dma_wait3A_435 = arith.constant 0 : i32
    %dma_wait3A_436 = tpu.memref_slice %arg5[%dma_wait3A_431, %dma_wait3A_435] : memref<40x128xi32, #tpu.memory_space<vmem>> -> memref<1x128xi32, #tpu.memory_space<vmem>>
    %dma_wait3A_437 = tpu.memref_squeeze %dma_wait3A_436 : memref<1x128xi32, #tpu.memory_space<vmem>> -> memref<128xi32, #tpu.memory_space<vmem>>
    %dma_wait3A_438 = arith.constant 0 : i32
    %dma_wait3A_439 = arith.constant 0 : i32
    %dma_wait3A_440 = tpu.memref_slice %arg3[%dma_wait3A_438, %dma_wait3A_439] : memref<8192x16xf32, #tpu.memory_space<hbm>> -> memref<8192x16xf32, #tpu.memory_space<hbm>>
    tpu.wait_indirect_dma semaphore(%arg7 : memref<!tpu.dma_semaphore, #tpu.memory_space<semaphore_mem>>) src(%dma_wait3A_440 : memref<8192x16xf32, #tpu.memory_space<hbm>>) dst(%dma_wait3A_434 : memref<128x16xf32, #tpu.memory_space<vmem>>)
    %dma_wait3A_441 = arith.constant 4 : i32
    %dma_wait3A_442 = arith.constant 512 : i32
    %dma_wait3A_443 = arith.constant 0 : i32
    %dma_wait3A_444 = tpu.memref_slice %arg6[%dma_wait3A_442, %dma_wait3A_443] : memref<5120x16xf32, #tpu.memory_space<vmem>> -> memref<128x16xf32, #tpu.memory_space<vmem>>
    %dma_wait3A_445 = arith.constant 0 : i32
    %dma_wait3A_446 = tpu.memref_slice %arg5[%dma_wait3A_441, %dma_wait3A_445] : memref<40x128xi32, #tpu.memory_space<vmem>> -> memref<1x128xi32, #tpu.memory_space<vmem>>
    %dma_wait3A_447 = tpu.memref_squeeze %dma_wait3A_446 : memref<1x128xi32, #tpu.memory_space<vmem>> -> memref<128xi32, #tpu.memory_space<vmem>>
    %dma_wait3A_448 = arith.constant 0 : i32
    %dma_wait3A_449 = arith.constant 0 : i32
    %dma_wait3A_450 = tpu.memref_slice %arg3[%dma_wait3A_448, %dma_wait3A_449] : memref<8192x16xf32, #tpu.memory_space<hbm>> -> memref<8192x16xf32, #tpu.memory_space<hbm>>
    tpu.wait_indirect_dma semaphore(%arg7 : memref<!tpu.dma_semaphore, #tpu.memory_space<semaphore_mem>>) src(%dma_wait3A_450 : memref<8192x16xf32, #tpu.memory_space<hbm>>) dst(%dma_wait3A_444 : memref<128x16xf32, #tpu.memory_space<vmem>>)
    %dma_wait3A_451 = arith.constant 5 : i32
    %dma_wait3A_452 = arith.constant 640 : i32
    %dma_wait3A_453 = arith.constant 0 : i32
    %dma_wait3A_454 = tpu.memref_slice %arg6[%dma_wait3A_452, %dma_wait3A_453] : memref<5120x16xf32, #tpu.memory_space<vmem>> -> memref<128x16xf32, #tpu.memory_space<vmem>>
    %dma_wait3A_455 = arith.constant 0 : i32
    %dma_wait3A_456 = tpu.memref_slice %arg5[%dma_wait3A_451, %dma_wait3A_455] : memref<40x128xi32, #tpu.memory_space<vmem>> -> memref<1x128xi32, #tpu.memory_space<vmem>>
    %dma_wait3A_457 = tpu.memref_squeeze %dma_wait3A_456 : memref<1x128xi32, #tpu.memory_space<vmem>> -> memref<128xi32, #tpu.memory_space<vmem>>
    %dma_wait3A_458 = arith.constant 0 : i32
    %dma_wait3A_459 = arith.constant 0 : i32
    %dma_wait3A_460 = tpu.memref_slice %arg3[%dma_wait3A_458, %dma_wait3A_459] : memref<8192x16xf32, #tpu.memory_space<hbm>> -> memref<8192x16xf32, #tpu.memory_space<hbm>>
    tpu.wait_indirect_dma semaphore(%arg7 : memref<!tpu.dma_semaphore, #tpu.memory_space<semaphore_mem>>) src(%dma_wait3A_460 : memref<8192x16xf32, #tpu.memory_space<hbm>>) dst(%dma_wait3A_454 : memref<128x16xf32, #tpu.memory_space<vmem>>)
    %dma_wait3A_461 = arith.constant 6 : i32
    %dma_wait3A_462 = arith.constant 768 : i32
    %dma_wait3A_463 = arith.constant 0 : i32
    %dma_wait3A_464 = tpu.memref_slice %arg6[%dma_wait3A_462, %dma_wait3A_463] : memref<5120x16xf32, #tpu.memory_space<vmem>> -> memref<128x16xf32, #tpu.memory_space<vmem>>
    %dma_wait3A_465 = arith.constant 0 : i32
    %dma_wait3A_466 = tpu.memref_slice %arg5[%dma_wait3A_461, %dma_wait3A_465] : memref<40x128xi32, #tpu.memory_space<vmem>> -> memref<1x128xi32, #tpu.memory_space<vmem>>
    %dma_wait3A_467 = tpu.memref_squeeze %dma_wait3A_466 : memref<1x128xi32, #tpu.memory_space<vmem>> -> memref<128xi32, #tpu.memory_space<vmem>>
    %dma_wait3A_468 = arith.constant 0 : i32
    %dma_wait3A_469 = arith.constant 0 : i32
    %dma_wait3A_470 = tpu.memref_slice %arg3[%dma_wait3A_468, %dma_wait3A_469] : memref<8192x16xf32, #tpu.memory_space<hbm>> -> memref<8192x16xf32, #tpu.memory_space<hbm>>
    tpu.wait_indirect_dma semaphore(%arg7 : memref<!tpu.dma_semaphore, #tpu.memory_space<semaphore_mem>>) src(%dma_wait3A_470 : memref<8192x16xf32, #tpu.memory_space<hbm>>) dst(%dma_wait3A_464 : memref<128x16xf32, #tpu.memory_space<vmem>>)
    %dma_wait3A_471 = arith.constant 7 : i32
    %dma_wait3A_472 = arith.constant 896 : i32
    %dma_wait3A_473 = arith.constant 0 : i32
    %dma_wait3A_474 = tpu.memref_slice %arg6[%dma_wait3A_472, %dma_wait3A_473] : memref<5120x16xf32, #tpu.memory_space<vmem>> -> memref<128x16xf32, #tpu.memory_space<vmem>>
    %dma_wait3A_475 = arith.constant 0 : i32
    %dma_wait3A_476 = tpu.memref_slice %arg5[%dma_wait3A_471, %dma_wait3A_475] : memref<40x128xi32, #tpu.memory_space<vmem>> -> memref<1x128xi32, #tpu.memory_space<vmem>>
    %dma_wait3A_477 = tpu.memref_squeeze %dma_wait3A_476 : memref<1x128xi32, #tpu.memory_space<vmem>> -> memref<128xi32, #tpu.memory_space<vmem>>
    %dma_wait3A_478 = arith.constant 0 : i32
    %dma_wait3A_479 = arith.constant 0 : i32
    %dma_wait3A_480 = tpu.memref_slice %arg3[%dma_wait3A_478, %dma_wait3A_479] : memref<8192x16xf32, #tpu.memory_space<hbm>> -> memref<8192x16xf32, #tpu.memory_space<hbm>>
    tpu.wait_indirect_dma semaphore(%arg7 : memref<!tpu.dma_semaphore, #tpu.memory_space<semaphore_mem>>) src(%dma_wait3A_480 : memref<8192x16xf32, #tpu.memory_space<hbm>>) dst(%dma_wait3A_474 : memref<128x16xf32, #tpu.memory_space<vmem>>)
    %dma_wait3A_481 = arith.constant 8 : i32
    %dma_wait3A_482 = arith.constant 1024 : i32
    %dma_wait3A_483 = arith.constant 0 : i32
    %dma_wait3A_484 = tpu.memref_slice %arg6[%dma_wait3A_482, %dma_wait3A_483] : memref<5120x16xf32, #tpu.memory_space<vmem>> -> memref<128x16xf32, #tpu.memory_space<vmem>>
    %dma_wait3A_485 = arith.constant 0 : i32
    %dma_wait3A_486 = tpu.memref_slice %arg5[%dma_wait3A_481, %dma_wait3A_485] : memref<40x128xi32, #tpu.memory_space<vmem>> -> memref<1x128xi32, #tpu.memory_space<vmem>>
    %dma_wait3A_487 = tpu.memref_squeeze %dma_wait3A_486 : memref<1x128xi32, #tpu.memory_space<vmem>> -> memref<128xi32, #tpu.memory_space<vmem>>
    %dma_wait3A_488 = arith.constant 0 : i32
    %dma_wait3A_489 = arith.constant 0 : i32
    %dma_wait3A_490 = tpu.memref_slice %arg3[%dma_wait3A_488, %dma_wait3A_489] : memref<8192x16xf32, #tpu.memory_space<hbm>> -> memref<8192x16xf32, #tpu.memory_space<hbm>>
    tpu.wait_indirect_dma semaphore(%arg7 : memref<!tpu.dma_semaphore, #tpu.memory_space<semaphore_mem>>) src(%dma_wait3A_490 : memref<8192x16xf32, #tpu.memory_space<hbm>>) dst(%dma_wait3A_484 : memref<128x16xf32, #tpu.memory_space<vmem>>)
    %dma_wait3A_491 = arith.constant 9 : i32
    %dma_wait3A_492 = arith.constant 1152 : i32
    %dma_wait3A_493 = arith.constant 0 : i32
    %dma_wait3A_494 = tpu.memref_slice %arg6[%dma_wait3A_492, %dma_wait3A_493] : memref<5120x16xf32, #tpu.memory_space<vmem>> -> memref<128x16xf32, #tpu.memory_space<vmem>>
    %dma_wait3A_495 = arith.constant 0 : i32
    %dma_wait3A_496 = tpu.memref_slice %arg5[%dma_wait3A_491, %dma_wait3A_495] : memref<40x128xi32, #tpu.memory_space<vmem>> -> memref<1x128xi32, #tpu.memory_space<vmem>>
    %dma_wait3A_497 = tpu.memref_squeeze %dma_wait3A_496 : memref<1x128xi32, #tpu.memory_space<vmem>> -> memref<128xi32, #tpu.memory_space<vmem>>
    %dma_wait3A_498 = arith.constant 0 : i32
    %dma_wait3A_499 = arith.constant 0 : i32
    %dma_wait3A_500 = tpu.memref_slice %arg3[%dma_wait3A_498, %dma_wait3A_499] : memref<8192x16xf32, #tpu.memory_space<hbm>> -> memref<8192x16xf32, #tpu.memory_space<hbm>>
    tpu.wait_indirect_dma semaphore(%arg7 : memref<!tpu.dma_semaphore, #tpu.memory_space<semaphore_mem>>) src(%dma_wait3A_500 : memref<8192x16xf32, #tpu.memory_space<hbm>>) dst(%dma_wait3A_494 : memref<128x16xf32, #tpu.memory_space<vmem>>)
    %dma_wait3A_501 = arith.constant 10 : i32
    %dma_wait3A_502 = arith.constant 1280 : i32
    %dma_wait3A_503 = arith.constant 0 : i32
    %dma_wait3A_504 = tpu.memref_slice %arg6[%dma_wait3A_502, %dma_wait3A_503] : memref<5120x16xf32, #tpu.memory_space<vmem>> -> memref<128x16xf32, #tpu.memory_space<vmem>>
    %dma_wait3A_505 = arith.constant 0 : i32
    %dma_wait3A_506 = tpu.memref_slice %arg5[%dma_wait3A_501, %dma_wait3A_505] : memref<40x128xi32, #tpu.memory_space<vmem>> -> memref<1x128xi32, #tpu.memory_space<vmem>>
    %dma_wait3A_507 = tpu.memref_squeeze %dma_wait3A_506 : memref<1x128xi32, #tpu.memory_space<vmem>> -> memref<128xi32, #tpu.memory_space<vmem>>
    %dma_wait3A_508 = arith.constant 0 : i32
    %dma_wait3A_509 = arith.constant 0 : i32
    %dma_wait3A_510 = tpu.memref_slice %arg3[%dma_wait3A_508, %dma_wait3A_509] : memref<8192x16xf32, #tpu.memory_space<hbm>> -> memref<8192x16xf32, #tpu.memory_space<hbm>>
    tpu.wait_indirect_dma semaphore(%arg7 : memref<!tpu.dma_semaphore, #tpu.memory_space<semaphore_mem>>) src(%dma_wait3A_510 : memref<8192x16xf32, #tpu.memory_space<hbm>>) dst(%dma_wait3A_504 : memref<128x16xf32, #tpu.memory_space<vmem>>)
    %dma_wait3A_511 = arith.constant 11 : i32
    %dma_wait3A_512 = arith.constant 1408 : i32
    %dma_wait3A_513 = arith.constant 0 : i32
    %dma_wait3A_514 = tpu.memref_slice %arg6[%dma_wait3A_512, %dma_wait3A_513] : memref<5120x16xf32, #tpu.memory_space<vmem>> -> memref<128x16xf32, #tpu.memory_space<vmem>>
    %dma_wait3A_515 = arith.constant 0 : i32
    %dma_wait3A_516 = tpu.memref_slice %arg5[%dma_wait3A_511, %dma_wait3A_515] : memref<40x128xi32, #tpu.memory_space<vmem>> -> memref<1x128xi32, #tpu.memory_space<vmem>>
    %dma_wait3A_517 = tpu.memref_squeeze %dma_wait3A_516 : memref<1x128xi32, #tpu.memory_space<vmem>> -> memref<128xi32, #tpu.memory_space<vmem>>
    %dma_wait3A_518 = arith.constant 0 : i32
    %dma_wait3A_519 = arith.constant 0 : i32
    %dma_wait3A_520 = tpu.memref_slice %arg3[%dma_wait3A_518, %dma_wait3A_519] : memref<8192x16xf32, #tpu.memory_space<hbm>> -> memref<8192x16xf32, #tpu.memory_space<hbm>>
    tpu.wait_indirect_dma semaphore(%arg7 : memref<!tpu.dma_semaphore, #tpu.memory_space<semaphore_mem>>) src(%dma_wait3A_520 : memref<8192x16xf32, #tpu.memory_space<hbm>>) dst(%dma_wait3A_514 : memref<128x16xf32, #tpu.memory_space<vmem>>)
    %dma_wait3A_521 = arith.constant 12 : i32
    %dma_wait3A_522 = arith.constant 1536 : i32
    %dma_wait3A_523 = arith.constant 0 : i32
    %dma_wait3A_524 = tpu.memref_slice %arg6[%dma_wait3A_522, %dma_wait3A_523] : memref<5120x16xf32, #tpu.memory_space<vmem>> -> memref<128x16xf32, #tpu.memory_space<vmem>>
    %dma_wait3A_525 = arith.constant 0 : i32
    %dma_wait3A_526 = tpu.memref_slice %arg5[%dma_wait3A_521, %dma_wait3A_525] : memref<40x128xi32, #tpu.memory_space<vmem>> -> memref<1x128xi32, #tpu.memory_space<vmem>>
    %dma_wait3A_527 = tpu.memref_squeeze %dma_wait3A_526 : memref<1x128xi32, #tpu.memory_space<vmem>> -> memref<128xi32, #tpu.memory_space<vmem>>
    %dma_wait3A_528 = arith.constant 0 : i32
    %dma_wait3A_529 = arith.constant 0 : i32
    %dma_wait3A_530 = tpu.memref_slice %arg3[%dma_wait3A_528, %dma_wait3A_529] : memref<8192x16xf32, #tpu.memory_space<hbm>> -> memref<8192x16xf32, #tpu.memory_space<hbm>>
    tpu.wait_indirect_dma semaphore(%arg7 : memref<!tpu.dma_semaphore, #tpu.memory_space<semaphore_mem>>) src(%dma_wait3A_530 : memref<8192x16xf32, #tpu.memory_space<hbm>>) dst(%dma_wait3A_524 : memref<128x16xf32, #tpu.memory_space<vmem>>)
    %dma_wait3A_531 = arith.constant 13 : i32
    %dma_wait3A_532 = arith.constant 1664 : i32
    %dma_wait3A_533 = arith.constant 0 : i32
    %dma_wait3A_534 = tpu.memref_slice %arg6[%dma_wait3A_532, %dma_wait3A_533] : memref<5120x16xf32, #tpu.memory_space<vmem>> -> memref<128x16xf32, #tpu.memory_space<vmem>>
    %dma_wait3A_535 = arith.constant 0 : i32
    %dma_wait3A_536 = tpu.memref_slice %arg5[%dma_wait3A_531, %dma_wait3A_535] : memref<40x128xi32, #tpu.memory_space<vmem>> -> memref<1x128xi32, #tpu.memory_space<vmem>>
    %dma_wait3A_537 = tpu.memref_squeeze %dma_wait3A_536 : memref<1x128xi32, #tpu.memory_space<vmem>> -> memref<128xi32, #tpu.memory_space<vmem>>
    %dma_wait3A_538 = arith.constant 0 : i32
    %dma_wait3A_539 = arith.constant 0 : i32
    %dma_wait3A_540 = tpu.memref_slice %arg3[%dma_wait3A_538, %dma_wait3A_539] : memref<8192x16xf32, #tpu.memory_space<hbm>> -> memref<8192x16xf32, #tpu.memory_space<hbm>>
    tpu.wait_indirect_dma semaphore(%arg7 : memref<!tpu.dma_semaphore, #tpu.memory_space<semaphore_mem>>) src(%dma_wait3A_540 : memref<8192x16xf32, #tpu.memory_space<hbm>>) dst(%dma_wait3A_534 : memref<128x16xf32, #tpu.memory_space<vmem>>)
    %dma_wait3A_541 = arith.constant 14 : i32
    %dma_wait3A_542 = arith.constant 1792 : i32
    %dma_wait3A_543 = arith.constant 0 : i32
    %dma_wait3A_544 = tpu.memref_slice %arg6[%dma_wait3A_542, %dma_wait3A_543] : memref<5120x16xf32, #tpu.memory_space<vmem>> -> memref<128x16xf32, #tpu.memory_space<vmem>>
    %dma_wait3A_545 = arith.constant 0 : i32
    %dma_wait3A_546 = tpu.memref_slice %arg5[%dma_wait3A_541, %dma_wait3A_545] : memref<40x128xi32, #tpu.memory_space<vmem>> -> memref<1x128xi32, #tpu.memory_space<vmem>>
    %dma_wait3A_547 = tpu.memref_squeeze %dma_wait3A_546 : memref<1x128xi32, #tpu.memory_space<vmem>> -> memref<128xi32, #tpu.memory_space<vmem>>
    %dma_wait3A_548 = arith.constant 0 : i32
    %dma_wait3A_549 = arith.constant 0 : i32
    %dma_wait3A_550 = tpu.memref_slice %arg3[%dma_wait3A_548, %dma_wait3A_549] : memref<8192x16xf32, #tpu.memory_space<hbm>> -> memref<8192x16xf32, #tpu.memory_space<hbm>>
    tpu.wait_indirect_dma semaphore(%arg7 : memref<!tpu.dma_semaphore, #tpu.memory_space<semaphore_mem>>) src(%dma_wait3A_550 : memref<8192x16xf32, #tpu.memory_space<hbm>>) dst(%dma_wait3A_544 : memref<128x16xf32, #tpu.memory_space<vmem>>)
    %dma_wait3A_551 = arith.constant 15 : i32
    %dma_wait3A_552 = arith.constant 1920 : i32
    %dma_wait3A_553 = arith.constant 0 : i32
    %dma_wait3A_554 = tpu.memref_slice %arg6[%dma_wait3A_552, %dma_wait3A_553] : memref<5120x16xf32, #tpu.memory_space<vmem>> -> memref<128x16xf32, #tpu.memory_space<vmem>>
    %dma_wait3A_555 = arith.constant 0 : i32
    %dma_wait3A_556 = tpu.memref_slice %arg5[%dma_wait3A_551, %dma_wait3A_555] : memref<40x128xi32, #tpu.memory_space<vmem>> -> memref<1x128xi32, #tpu.memory_space<vmem>>
    %dma_wait3A_557 = tpu.memref_squeeze %dma_wait3A_556 : memref<1x128xi32, #tpu.memory_space<vmem>> -> memref<128xi32, #tpu.memory_space<vmem>>
    %dma_wait3A_558 = arith.constant 0 : i32
    %dma_wait3A_559 = arith.constant 0 : i32
    %dma_wait3A_560 = tpu.memref_slice %arg3[%dma_wait3A_558, %dma_wait3A_559] : memref<8192x16xf32, #tpu.memory_space<hbm>> -> memref<8192x16xf32, #tpu.memory_space<hbm>>
    tpu.wait_indirect_dma semaphore(%arg7 : memref<!tpu.dma_semaphore, #tpu.memory_space<semaphore_mem>>) src(%dma_wait3A_560 : memref<8192x16xf32, #tpu.memory_space<hbm>>) dst(%dma_wait3A_554 : memref<128x16xf32, #tpu.memory_space<vmem>>)
    %dma_wait3A_561 = arith.constant 16 : i32
    %dma_wait3A_562 = arith.constant 2048 : i32
    %dma_wait3A_563 = arith.constant 0 : i32
    %dma_wait3A_564 = tpu.memref_slice %arg6[%dma_wait3A_562, %dma_wait3A_563] : memref<5120x16xf32, #tpu.memory_space<vmem>> -> memref<128x16xf32, #tpu.memory_space<vmem>>
    %dma_wait3A_565 = arith.constant 0 : i32
    %dma_wait3A_566 = tpu.memref_slice %arg5[%dma_wait3A_561, %dma_wait3A_565] : memref<40x128xi32, #tpu.memory_space<vmem>> -> memref<1x128xi32, #tpu.memory_space<vmem>>
    %dma_wait3A_567 = tpu.memref_squeeze %dma_wait3A_566 : memref<1x128xi32, #tpu.memory_space<vmem>> -> memref<128xi32, #tpu.memory_space<vmem>>
    %dma_wait3A_568 = arith.constant 0 : i32
    %dma_wait3A_569 = arith.constant 0 : i32
    %dma_wait3A_570 = tpu.memref_slice %arg3[%dma_wait3A_568, %dma_wait3A_569] : memref<8192x16xf32, #tpu.memory_space<hbm>> -> memref<8192x16xf32, #tpu.memory_space<hbm>>
    tpu.wait_indirect_dma semaphore(%arg7 : memref<!tpu.dma_semaphore, #tpu.memory_space<semaphore_mem>>) src(%dma_wait3A_570 : memref<8192x16xf32, #tpu.memory_space<hbm>>) dst(%dma_wait3A_564 : memref<128x16xf32, #tpu.memory_space<vmem>>)
    %dma_wait3A_571 = arith.constant 17 : i32
    %dma_wait3A_572 = arith.constant 2176 : i32
    %dma_wait3A_573 = arith.constant 0 : i32
    %dma_wait3A_574 = tpu.memref_slice %arg6[%dma_wait3A_572, %dma_wait3A_573] : memref<5120x16xf32, #tpu.memory_space<vmem>> -> memref<128x16xf32, #tpu.memory_space<vmem>>
    %dma_wait3A_575 = arith.constant 0 : i32
    %dma_wait3A_576 = tpu.memref_slice %arg5[%dma_wait3A_571, %dma_wait3A_575] : memref<40x128xi32, #tpu.memory_space<vmem>> -> memref<1x128xi32, #tpu.memory_space<vmem>>
    %dma_wait3A_577 = tpu.memref_squeeze %dma_wait3A_576 : memref<1x128xi32, #tpu.memory_space<vmem>> -> memref<128xi32, #tpu.memory_space<vmem>>
    %dma_wait3A_578 = arith.constant 0 : i32
    %dma_wait3A_579 = arith.constant 0 : i32
    %dma_wait3A_580 = tpu.memref_slice %arg3[%dma_wait3A_578, %dma_wait3A_579] : memref<8192x16xf32, #tpu.memory_space<hbm>> -> memref<8192x16xf32, #tpu.memory_space<hbm>>
    tpu.wait_indirect_dma semaphore(%arg7 : memref<!tpu.dma_semaphore, #tpu.memory_space<semaphore_mem>>) src(%dma_wait3A_580 : memref<8192x16xf32, #tpu.memory_space<hbm>>) dst(%dma_wait3A_574 : memref<128x16xf32, #tpu.memory_space<vmem>>)
    %dma_wait3A_581 = arith.constant 18 : i32
    %dma_wait3A_582 = arith.constant 2304 : i32
    %dma_wait3A_583 = arith.constant 0 : i32
    %dma_wait3A_584 = tpu.memref_slice %arg6[%dma_wait3A_582, %dma_wait3A_583] : memref<5120x16xf32, #tpu.memory_space<vmem>> -> memref<128x16xf32, #tpu.memory_space<vmem>>
    %dma_wait3A_585 = arith.constant 0 : i32
    %dma_wait3A_586 = tpu.memref_slice %arg5[%dma_wait3A_581, %dma_wait3A_585] : memref<40x128xi32, #tpu.memory_space<vmem>> -> memref<1x128xi32, #tpu.memory_space<vmem>>
    %dma_wait3A_587 = tpu.memref_squeeze %dma_wait3A_586 : memref<1x128xi32, #tpu.memory_space<vmem>> -> memref<128xi32, #tpu.memory_space<vmem>>
    %dma_wait3A_588 = arith.constant 0 : i32
    %dma_wait3A_589 = arith.constant 0 : i32
    %dma_wait3A_590 = tpu.memref_slice %arg3[%dma_wait3A_588, %dma_wait3A_589] : memref<8192x16xf32, #tpu.memory_space<hbm>> -> memref<8192x16xf32, #tpu.memory_space<hbm>>
    tpu.wait_indirect_dma semaphore(%arg7 : memref<!tpu.dma_semaphore, #tpu.memory_space<semaphore_mem>>) src(%dma_wait3A_590 : memref<8192x16xf32, #tpu.memory_space<hbm>>) dst(%dma_wait3A_584 : memref<128x16xf32, #tpu.memory_space<vmem>>)
    %dma_wait3A_591 = arith.constant 19 : i32
    %dma_wait3A_592 = arith.constant 2432 : i32
    %dma_wait3A_593 = arith.constant 0 : i32
    %dma_wait3A_594 = tpu.memref_slice %arg6[%dma_wait3A_592, %dma_wait3A_593] : memref<5120x16xf32, #tpu.memory_space<vmem>> -> memref<128x16xf32, #tpu.memory_space<vmem>>
    %dma_wait3A_595 = arith.constant 0 : i32
    %dma_wait3A_596 = tpu.memref_slice %arg5[%dma_wait3A_591, %dma_wait3A_595] : memref<40x128xi32, #tpu.memory_space<vmem>> -> memref<1x128xi32, #tpu.memory_space<vmem>>
    %dma_wait3A_597 = tpu.memref_squeeze %dma_wait3A_596 : memref<1x128xi32, #tpu.memory_space<vmem>> -> memref<128xi32, #tpu.memory_space<vmem>>
    %dma_wait3A_598 = arith.constant 0 : i32
    %dma_wait3A_599 = arith.constant 0 : i32
    %dma_wait3A_600 = tpu.memref_slice %arg3[%dma_wait3A_598, %dma_wait3A_599] : memref<8192x16xf32, #tpu.memory_space<hbm>> -> memref<8192x16xf32, #tpu.memory_space<hbm>>
    tpu.wait_indirect_dma semaphore(%arg7 : memref<!tpu.dma_semaphore, #tpu.memory_space<semaphore_mem>>) src(%dma_wait3A_600 : memref<8192x16xf32, #tpu.memory_space<hbm>>) dst(%dma_wait3A_594 : memref<128x16xf32, #tpu.memory_space<vmem>>)
    %dma_wait3A_601 = arith.constant 20 : i32
    %dma_wait3A_602 = arith.constant 2560 : i32
    %dma_wait3A_603 = arith.constant 0 : i32
    %dma_wait3A_604 = tpu.memref_slice %arg6[%dma_wait3A_602, %dma_wait3A_603] : memref<5120x16xf32, #tpu.memory_space<vmem>> -> memref<128x16xf32, #tpu.memory_space<vmem>>
    %dma_wait3A_605 = arith.constant 0 : i32
    %dma_wait3A_606 = tpu.memref_slice %arg5[%dma_wait3A_601, %dma_wait3A_605] : memref<40x128xi32, #tpu.memory_space<vmem>> -> memref<1x128xi32, #tpu.memory_space<vmem>>
    %dma_wait3A_607 = tpu.memref_squeeze %dma_wait3A_606 : memref<1x128xi32, #tpu.memory_space<vmem>> -> memref<128xi32, #tpu.memory_space<vmem>>
    %dma_wait3A_608 = arith.constant 0 : i32
    %dma_wait3A_609 = arith.constant 0 : i32
    %dma_wait3A_610 = tpu.memref_slice %arg3[%dma_wait3A_608, %dma_wait3A_609] : memref<8192x16xf32, #tpu.memory_space<hbm>> -> memref<8192x16xf32, #tpu.memory_space<hbm>>
    tpu.wait_indirect_dma semaphore(%arg7 : memref<!tpu.dma_semaphore, #tpu.memory_space<semaphore_mem>>) src(%dma_wait3A_610 : memref<8192x16xf32, #tpu.memory_space<hbm>>) dst(%dma_wait3A_604 : memref<128x16xf32, #tpu.memory_space<vmem>>)
    %dma_wait3A_611 = arith.constant 21 : i32
    %dma_wait3A_612 = arith.constant 2688 : i32
    %dma_wait3A_613 = arith.constant 0 : i32
    %dma_wait3A_614 = tpu.memref_slice %arg6[%dma_wait3A_612, %dma_wait3A_613] : memref<5120x16xf32, #tpu.memory_space<vmem>> -> memref<128x16xf32, #tpu.memory_space<vmem>>
    %dma_wait3A_615 = arith.constant 0 : i32
    %dma_wait3A_616 = tpu.memref_slice %arg5[%dma_wait3A_611, %dma_wait3A_615] : memref<40x128xi32, #tpu.memory_space<vmem>> -> memref<1x128xi32, #tpu.memory_space<vmem>>
    %dma_wait3A_617 = tpu.memref_squeeze %dma_wait3A_616 : memref<1x128xi32, #tpu.memory_space<vmem>> -> memref<128xi32, #tpu.memory_space<vmem>>
    %dma_wait3A_618 = arith.constant 0 : i32
    %dma_wait3A_619 = arith.constant 0 : i32
    %dma_wait3A_620 = tpu.memref_slice %arg3[%dma_wait3A_618, %dma_wait3A_619] : memref<8192x16xf32, #tpu.memory_space<hbm>> -> memref<8192x16xf32, #tpu.memory_space<hbm>>
    tpu.wait_indirect_dma semaphore(%arg7 : memref<!tpu.dma_semaphore, #tpu.memory_space<semaphore_mem>>) src(%dma_wait3A_620 : memref<8192x16xf32, #tpu.memory_space<hbm>>) dst(%dma_wait3A_614 : memref<128x16xf32, #tpu.memory_space<vmem>>)
    %dma_wait3A_621 = arith.constant 22 : i32
    %dma_wait3A_622 = arith.constant 2816 : i32
    %dma_wait3A_623 = arith.constant 0 : i32
    %dma_wait3A_624 = tpu.memref_slice %arg6[%dma_wait3A_622, %dma_wait3A_623] : memref<5120x16xf32, #tpu.memory_space<vmem>> -> memref<128x16xf32, #tpu.memory_space<vmem>>
    %dma_wait3A_625 = arith.constant 0 : i32
    %dma_wait3A_626 = tpu.memref_slice %arg5[%dma_wait3A_621, %dma_wait3A_625] : memref<40x128xi32, #tpu.memory_space<vmem>> -> memref<1x128xi32, #tpu.memory_space<vmem>>
    %dma_wait3A_627 = tpu.memref_squeeze %dma_wait3A_626 : memref<1x128xi32, #tpu.memory_space<vmem>> -> memref<128xi32, #tpu.memory_space<vmem>>
    %dma_wait3A_628 = arith.constant 0 : i32
    %dma_wait3A_629 = arith.constant 0 : i32
    %dma_wait3A_630 = tpu.memref_slice %arg3[%dma_wait3A_628, %dma_wait3A_629] : memref<8192x16xf32, #tpu.memory_space<hbm>> -> memref<8192x16xf32, #tpu.memory_space<hbm>>
    tpu.wait_indirect_dma semaphore(%arg7 : memref<!tpu.dma_semaphore, #tpu.memory_space<semaphore_mem>>) src(%dma_wait3A_630 : memref<8192x16xf32, #tpu.memory_space<hbm>>) dst(%dma_wait3A_624 : memref<128x16xf32, #tpu.memory_space<vmem>>)
    %dma_wait3A_631 = arith.constant 23 : i32
    %dma_wait3A_632 = arith.constant 2944 : i32
    %dma_wait3A_633 = arith.constant 0 : i32
    %dma_wait3A_634 = tpu.memref_slice %arg6[%dma_wait3A_632, %dma_wait3A_633] : memref<5120x16xf32, #tpu.memory_space<vmem>> -> memref<128x16xf32, #tpu.memory_space<vmem>>
    %dma_wait3A_635 = arith.constant 0 : i32
    %dma_wait3A_636 = tpu.memref_slice %arg5[%dma_wait3A_631, %dma_wait3A_635] : memref<40x128xi32, #tpu.memory_space<vmem>> -> memref<1x128xi32, #tpu.memory_space<vmem>>
    %dma_wait3A_637 = tpu.memref_squeeze %dma_wait3A_636 : memref<1x128xi32, #tpu.memory_space<vmem>> -> memref<128xi32, #tpu.memory_space<vmem>>
    %dma_wait3A_638 = arith.constant 0 : i32
    %dma_wait3A_639 = arith.constant 0 : i32
    %dma_wait3A_640 = tpu.memref_slice %arg3[%dma_wait3A_638, %dma_wait3A_639] : memref<8192x16xf32, #tpu.memory_space<hbm>> -> memref<8192x16xf32, #tpu.memory_space<hbm>>
    tpu.wait_indirect_dma semaphore(%arg7 : memref<!tpu.dma_semaphore, #tpu.memory_space<semaphore_mem>>) src(%dma_wait3A_640 : memref<8192x16xf32, #tpu.memory_space<hbm>>) dst(%dma_wait3A_634 : memref<128x16xf32, #tpu.memory_space<vmem>>)
    %dma_wait3A_641 = arith.constant 24 : i32
    %dma_wait3A_642 = arith.constant 3072 : i32
    %dma_wait3A_643 = arith.constant 0 : i32
    %dma_wait3A_644 = tpu.memref_slice %arg6[%dma_wait3A_642, %dma_wait3A_643] : memref<5120x16xf32, #tpu.memory_space<vmem>> -> memref<128x16xf32, #tpu.memory_space<vmem>>
    %dma_wait3A_645 = arith.constant 0 : i32
    %dma_wait3A_646 = tpu.memref_slice %arg5[%dma_wait3A_641, %dma_wait3A_645] : memref<40x128xi32, #tpu.memory_space<vmem>> -> memref<1x128xi32, #tpu.memory_space<vmem>>
    %dma_wait3A_647 = tpu.memref_squeeze %dma_wait3A_646 : memref<1x128xi32, #tpu.memory_space<vmem>> -> memref<128xi32, #tpu.memory_space<vmem>>
    %dma_wait3A_648 = arith.constant 0 : i32
    %dma_wait3A_649 = arith.constant 0 : i32
    %dma_wait3A_650 = tpu.memref_slice %arg3[%dma_wait3A_648, %dma_wait3A_649] : memref<8192x16xf32, #tpu.memory_space<hbm>> -> memref<8192x16xf32, #tpu.memory_space<hbm>>
    tpu.wait_indirect_dma semaphore(%arg7 : memref<!tpu.dma_semaphore, #tpu.memory_space<semaphore_mem>>) src(%dma_wait3A_650 : memref<8192x16xf32, #tpu.memory_space<hbm>>) dst(%dma_wait3A_644 : memref<128x16xf32, #tpu.memory_space<vmem>>)
    %dma_wait3A_651 = arith.constant 25 : i32
    %dma_wait3A_652 = arith.constant 3200 : i32
    %dma_wait3A_653 = arith.constant 0 : i32
    %dma_wait3A_654 = tpu.memref_slice %arg6[%dma_wait3A_652, %dma_wait3A_653] : memref<5120x16xf32, #tpu.memory_space<vmem>> -> memref<128x16xf32, #tpu.memory_space<vmem>>
    %dma_wait3A_655 = arith.constant 0 : i32
    %dma_wait3A_656 = tpu.memref_slice %arg5[%dma_wait3A_651, %dma_wait3A_655] : memref<40x128xi32, #tpu.memory_space<vmem>> -> memref<1x128xi32, #tpu.memory_space<vmem>>
    %dma_wait3A_657 = tpu.memref_squeeze %dma_wait3A_656 : memref<1x128xi32, #tpu.memory_space<vmem>> -> memref<128xi32, #tpu.memory_space<vmem>>
    %dma_wait3A_658 = arith.constant 0 : i32
    %dma_wait3A_659 = arith.constant 0 : i32
    %dma_wait3A_660 = tpu.memref_slice %arg3[%dma_wait3A_658, %dma_wait3A_659] : memref<8192x16xf32, #tpu.memory_space<hbm>> -> memref<8192x16xf32, #tpu.memory_space<hbm>>
    tpu.wait_indirect_dma semaphore(%arg7 : memref<!tpu.dma_semaphore, #tpu.memory_space<semaphore_mem>>) src(%dma_wait3A_660 : memref<8192x16xf32, #tpu.memory_space<hbm>>) dst(%dma_wait3A_654 : memref<128x16xf32, #tpu.memory_space<vmem>>)
    %dma_wait3A_661 = arith.constant 26 : i32
    %dma_wait3A_662 = arith.constant 3328 : i32
    %dma_wait3A_663 = arith.constant 0 : i32
    %dma_wait3A_664 = tpu.memref_slice %arg6[%dma_wait3A_662, %dma_wait3A_663] : memref<5120x16xf32, #tpu.memory_space<vmem>> -> memref<128x16xf32, #tpu.memory_space<vmem>>
    %dma_wait3A_665 = arith.constant 0 : i32
    %dma_wait3A_666 = tpu.memref_slice %arg5[%dma_wait3A_661, %dma_wait3A_665] : memref<40x128xi32, #tpu.memory_space<vmem>> -> memref<1x128xi32, #tpu.memory_space<vmem>>
    %dma_wait3A_667 = tpu.memref_squeeze %dma_wait3A_666 : memref<1x128xi32, #tpu.memory_space<vmem>> -> memref<128xi32, #tpu.memory_space<vmem>>
    %dma_wait3A_668 = arith.constant 0 : i32
    %dma_wait3A_669 = arith.constant 0 : i32
    %dma_wait3A_670 = tpu.memref_slice %arg3[%dma_wait3A_668, %dma_wait3A_669] : memref<8192x16xf32, #tpu.memory_space<hbm>> -> memref<8192x16xf32, #tpu.memory_space<hbm>>
    tpu.wait_indirect_dma semaphore(%arg7 : memref<!tpu.dma_semaphore, #tpu.memory_space<semaphore_mem>>) src(%dma_wait3A_670 : memref<8192x16xf32, #tpu.memory_space<hbm>>) dst(%dma_wait3A_664 : memref<128x16xf32, #tpu.memory_space<vmem>>)
    %dma_wait3A_671 = arith.constant 27 : i32
    %dma_wait3A_672 = arith.constant 3456 : i32
    %dma_wait3A_673 = arith.constant 0 : i32
    %dma_wait3A_674 = tpu.memref_slice %arg6[%dma_wait3A_672, %dma_wait3A_673] : memref<5120x16xf32, #tpu.memory_space<vmem>> -> memref<128x16xf32, #tpu.memory_space<vmem>>
    %dma_wait3A_675 = arith.constant 0 : i32
    %dma_wait3A_676 = tpu.memref_slice %arg5[%dma_wait3A_671, %dma_wait3A_675] : memref<40x128xi32, #tpu.memory_space<vmem>> -> memref<1x128xi32, #tpu.memory_space<vmem>>
    %dma_wait3A_677 = tpu.memref_squeeze %dma_wait3A_676 : memref<1x128xi32, #tpu.memory_space<vmem>> -> memref<128xi32, #tpu.memory_space<vmem>>
    %dma_wait3A_678 = arith.constant 0 : i32
    %dma_wait3A_679 = arith.constant 0 : i32
    %dma_wait3A_680 = tpu.memref_slice %arg3[%dma_wait3A_678, %dma_wait3A_679] : memref<8192x16xf32, #tpu.memory_space<hbm>> -> memref<8192x16xf32, #tpu.memory_space<hbm>>
    tpu.wait_indirect_dma semaphore(%arg7 : memref<!tpu.dma_semaphore, #tpu.memory_space<semaphore_mem>>) src(%dma_wait3A_680 : memref<8192x16xf32, #tpu.memory_space<hbm>>) dst(%dma_wait3A_674 : memref<128x16xf32, #tpu.memory_space<vmem>>)
    %dma_wait3A_681 = arith.constant 28 : i32
    %dma_wait3A_682 = arith.constant 3584 : i32
    %dma_wait3A_683 = arith.constant 0 : i32
    %dma_wait3A_684 = tpu.memref_slice %arg6[%dma_wait3A_682, %dma_wait3A_683] : memref<5120x16xf32, #tpu.memory_space<vmem>> -> memref<128x16xf32, #tpu.memory_space<vmem>>
    %dma_wait3A_685 = arith.constant 0 : i32
    %dma_wait3A_686 = tpu.memref_slice %arg5[%dma_wait3A_681, %dma_wait3A_685] : memref<40x128xi32, #tpu.memory_space<vmem>> -> memref<1x128xi32, #tpu.memory_space<vmem>>
    %dma_wait3A_687 = tpu.memref_squeeze %dma_wait3A_686 : memref<1x128xi32, #tpu.memory_space<vmem>> -> memref<128xi32, #tpu.memory_space<vmem>>
    %dma_wait3A_688 = arith.constant 0 : i32
    %dma_wait3A_689 = arith.constant 0 : i32
    %dma_wait3A_690 = tpu.memref_slice %arg3[%dma_wait3A_688, %dma_wait3A_689] : memref<8192x16xf32, #tpu.memory_space<hbm>> -> memref<8192x16xf32, #tpu.memory_space<hbm>>
    tpu.wait_indirect_dma semaphore(%arg7 : memref<!tpu.dma_semaphore, #tpu.memory_space<semaphore_mem>>) src(%dma_wait3A_690 : memref<8192x16xf32, #tpu.memory_space<hbm>>) dst(%dma_wait3A_684 : memref<128x16xf32, #tpu.memory_space<vmem>>)
    %dma_wait3A_691 = arith.constant 29 : i32
    %dma_wait3A_692 = arith.constant 3712 : i32
    %dma_wait3A_693 = arith.constant 0 : i32
    %dma_wait3A_694 = tpu.memref_slice %arg6[%dma_wait3A_692, %dma_wait3A_693] : memref<5120x16xf32, #tpu.memory_space<vmem>> -> memref<128x16xf32, #tpu.memory_space<vmem>>
    %dma_wait3A_695 = arith.constant 0 : i32
    %dma_wait3A_696 = tpu.memref_slice %arg5[%dma_wait3A_691, %dma_wait3A_695] : memref<40x128xi32, #tpu.memory_space<vmem>> -> memref<1x128xi32, #tpu.memory_space<vmem>>
    %dma_wait3A_697 = tpu.memref_squeeze %dma_wait3A_696 : memref<1x128xi32, #tpu.memory_space<vmem>> -> memref<128xi32, #tpu.memory_space<vmem>>
    %dma_wait3A_698 = arith.constant 0 : i32
    %dma_wait3A_699 = arith.constant 0 : i32
    %dma_wait3A_700 = tpu.memref_slice %arg3[%dma_wait3A_698, %dma_wait3A_699] : memref<8192x16xf32, #tpu.memory_space<hbm>> -> memref<8192x16xf32, #tpu.memory_space<hbm>>
    tpu.wait_indirect_dma semaphore(%arg7 : memref<!tpu.dma_semaphore, #tpu.memory_space<semaphore_mem>>) src(%dma_wait3A_700 : memref<8192x16xf32, #tpu.memory_space<hbm>>) dst(%dma_wait3A_694 : memref<128x16xf32, #tpu.memory_space<vmem>>)
    %dma_wait3A_701 = arith.constant 30 : i32
    %dma_wait3A_702 = arith.constant 3840 : i32
    %dma_wait3A_703 = arith.constant 0 : i32
    %dma_wait3A_704 = tpu.memref_slice %arg6[%dma_wait3A_702, %dma_wait3A_703] : memref<5120x16xf32, #tpu.memory_space<vmem>> -> memref<128x16xf32, #tpu.memory_space<vmem>>
    %dma_wait3A_705 = arith.constant 0 : i32
    %dma_wait3A_706 = tpu.memref_slice %arg5[%dma_wait3A_701, %dma_wait3A_705] : memref<40x128xi32, #tpu.memory_space<vmem>> -> memref<1x128xi32, #tpu.memory_space<vmem>>
    %dma_wait3A_707 = tpu.memref_squeeze %dma_wait3A_706 : memref<1x128xi32, #tpu.memory_space<vmem>> -> memref<128xi32, #tpu.memory_space<vmem>>
    %dma_wait3A_708 = arith.constant 0 : i32
    %dma_wait3A_709 = arith.constant 0 : i32
    %dma_wait3A_710 = tpu.memref_slice %arg3[%dma_wait3A_708, %dma_wait3A_709] : memref<8192x16xf32, #tpu.memory_space<hbm>> -> memref<8192x16xf32, #tpu.memory_space<hbm>>
    tpu.wait_indirect_dma semaphore(%arg7 : memref<!tpu.dma_semaphore, #tpu.memory_space<semaphore_mem>>) src(%dma_wait3A_710 : memref<8192x16xf32, #tpu.memory_space<hbm>>) dst(%dma_wait3A_704 : memref<128x16xf32, #tpu.memory_space<vmem>>)
    %dma_wait3A_711 = arith.constant 31 : i32
    %dma_wait3A_712 = arith.constant 3968 : i32
    %dma_wait3A_713 = arith.constant 0 : i32
    %dma_wait3A_714 = tpu.memref_slice %arg6[%dma_wait3A_712, %dma_wait3A_713] : memref<5120x16xf32, #tpu.memory_space<vmem>> -> memref<128x16xf32, #tpu.memory_space<vmem>>
    %dma_wait3A_715 = arith.constant 0 : i32
    %dma_wait3A_716 = tpu.memref_slice %arg5[%dma_wait3A_711, %dma_wait3A_715] : memref<40x128xi32, #tpu.memory_space<vmem>> -> memref<1x128xi32, #tpu.memory_space<vmem>>
    %dma_wait3A_717 = tpu.memref_squeeze %dma_wait3A_716 : memref<1x128xi32, #tpu.memory_space<vmem>> -> memref<128xi32, #tpu.memory_space<vmem>>
    %dma_wait3A_718 = arith.constant 0 : i32
    %dma_wait3A_719 = arith.constant 0 : i32
    %dma_wait3A_720 = tpu.memref_slice %arg3[%dma_wait3A_718, %dma_wait3A_719] : memref<8192x16xf32, #tpu.memory_space<hbm>> -> memref<8192x16xf32, #tpu.memory_space<hbm>>
    tpu.wait_indirect_dma semaphore(%arg7 : memref<!tpu.dma_semaphore, #tpu.memory_space<semaphore_mem>>) src(%dma_wait3A_720 : memref<8192x16xf32, #tpu.memory_space<hbm>>) dst(%dma_wait3A_714 : memref<128x16xf32, #tpu.memory_space<vmem>>)
    %dma_wait3A_721 = arith.constant 32 : i32
    %dma_wait3A_722 = arith.constant 4096 : i32
    %dma_wait3A_723 = arith.constant 0 : i32
    %dma_wait3A_724 = tpu.memref_slice %arg6[%dma_wait3A_722, %dma_wait3A_723] : memref<5120x16xf32, #tpu.memory_space<vmem>> -> memref<128x16xf32, #tpu.memory_space<vmem>>
    %dma_wait3A_725 = arith.constant 0 : i32
    %dma_wait3A_726 = tpu.memref_slice %arg5[%dma_wait3A_721, %dma_wait3A_725] : memref<40x128xi32, #tpu.memory_space<vmem>> -> memref<1x128xi32, #tpu.memory_space<vmem>>
    %dma_wait3A_727 = tpu.memref_squeeze %dma_wait3A_726 : memref<1x128xi32, #tpu.memory_space<vmem>> -> memref<128xi32, #tpu.memory_space<vmem>>
    %dma_wait3A_728 = arith.constant 0 : i32
    %dma_wait3A_729 = arith.constant 0 : i32
    %dma_wait3A_730 = tpu.memref_slice %arg3[%dma_wait3A_728, %dma_wait3A_729] : memref<8192x16xf32, #tpu.memory_space<hbm>> -> memref<8192x16xf32, #tpu.memory_space<hbm>>
    tpu.wait_indirect_dma semaphore(%arg7 : memref<!tpu.dma_semaphore, #tpu.memory_space<semaphore_mem>>) src(%dma_wait3A_730 : memref<8192x16xf32, #tpu.memory_space<hbm>>) dst(%dma_wait3A_724 : memref<128x16xf32, #tpu.memory_space<vmem>>)
    %dma_wait3A_731 = arith.constant 33 : i32
    %dma_wait3A_732 = arith.constant 4224 : i32
    %dma_wait3A_733 = arith.constant 0 : i32
    %dma_wait3A_734 = tpu.memref_slice %arg6[%dma_wait3A_732, %dma_wait3A_733] : memref<5120x16xf32, #tpu.memory_space<vmem>> -> memref<128x16xf32, #tpu.memory_space<vmem>>
    %dma_wait3A_735 = arith.constant 0 : i32
    %dma_wait3A_736 = tpu.memref_slice %arg5[%dma_wait3A_731, %dma_wait3A_735] : memref<40x128xi32, #tpu.memory_space<vmem>> -> memref<1x128xi32, #tpu.memory_space<vmem>>
    %dma_wait3A_737 = tpu.memref_squeeze %dma_wait3A_736 : memref<1x128xi32, #tpu.memory_space<vmem>> -> memref<128xi32, #tpu.memory_space<vmem>>
    %dma_wait3A_738 = arith.constant 0 : i32
    %dma_wait3A_739 = arith.constant 0 : i32
    %dma_wait3A_740 = tpu.memref_slice %arg3[%dma_wait3A_738, %dma_wait3A_739] : memref<8192x16xf32, #tpu.memory_space<hbm>> -> memref<8192x16xf32, #tpu.memory_space<hbm>>
    tpu.wait_indirect_dma semaphore(%arg7 : memref<!tpu.dma_semaphore, #tpu.memory_space<semaphore_mem>>) src(%dma_wait3A_740 : memref<8192x16xf32, #tpu.memory_space<hbm>>) dst(%dma_wait3A_734 : memref<128x16xf32, #tpu.memory_space<vmem>>)
    %dma_wait3A_741 = arith.constant 34 : i32
    %dma_wait3A_742 = arith.constant 4352 : i32
    %dma_wait3A_743 = arith.constant 0 : i32
    %dma_wait3A_744 = tpu.memref_slice %arg6[%dma_wait3A_742, %dma_wait3A_743] : memref<5120x16xf32, #tpu.memory_space<vmem>> -> memref<128x16xf32, #tpu.memory_space<vmem>>
    %dma_wait3A_745 = arith.constant 0 : i32
    %dma_wait3A_746 = tpu.memref_slice %arg5[%dma_wait3A_741, %dma_wait3A_745] : memref<40x128xi32, #tpu.memory_space<vmem>> -> memref<1x128xi32, #tpu.memory_space<vmem>>
    %dma_wait3A_747 = tpu.memref_squeeze %dma_wait3A_746 : memref<1x128xi32, #tpu.memory_space<vmem>> -> memref<128xi32, #tpu.memory_space<vmem>>
    %dma_wait3A_748 = arith.constant 0 : i32
    %dma_wait3A_749 = arith.constant 0 : i32
    %dma_wait3A_750 = tpu.memref_slice %arg3[%dma_wait3A_748, %dma_wait3A_749] : memref<8192x16xf32, #tpu.memory_space<hbm>> -> memref<8192x16xf32, #tpu.memory_space<hbm>>
    tpu.wait_indirect_dma semaphore(%arg7 : memref<!tpu.dma_semaphore, #tpu.memory_space<semaphore_mem>>) src(%dma_wait3A_750 : memref<8192x16xf32, #tpu.memory_space<hbm>>) dst(%dma_wait3A_744 : memref<128x16xf32, #tpu.memory_space<vmem>>)
    %dma_wait3A_751 = arith.constant 35 : i32
    %dma_wait3A_752 = arith.constant 4480 : i32
    %dma_wait3A_753 = arith.constant 0 : i32
    %dma_wait3A_754 = tpu.memref_slice %arg6[%dma_wait3A_752, %dma_wait3A_753] : memref<5120x16xf32, #tpu.memory_space<vmem>> -> memref<128x16xf32, #tpu.memory_space<vmem>>
    %dma_wait3A_755 = arith.constant 0 : i32
    %dma_wait3A_756 = tpu.memref_slice %arg5[%dma_wait3A_751, %dma_wait3A_755] : memref<40x128xi32, #tpu.memory_space<vmem>> -> memref<1x128xi32, #tpu.memory_space<vmem>>
    %dma_wait3A_757 = tpu.memref_squeeze %dma_wait3A_756 : memref<1x128xi32, #tpu.memory_space<vmem>> -> memref<128xi32, #tpu.memory_space<vmem>>
    %dma_wait3A_758 = arith.constant 0 : i32
    %dma_wait3A_759 = arith.constant 0 : i32
    %dma_wait3A_760 = tpu.memref_slice %arg3[%dma_wait3A_758, %dma_wait3A_759] : memref<8192x16xf32, #tpu.memory_space<hbm>> -> memref<8192x16xf32, #tpu.memory_space<hbm>>
    tpu.wait_indirect_dma semaphore(%arg7 : memref<!tpu.dma_semaphore, #tpu.memory_space<semaphore_mem>>) src(%dma_wait3A_760 : memref<8192x16xf32, #tpu.memory_space<hbm>>) dst(%dma_wait3A_754 : memref<128x16xf32, #tpu.memory_space<vmem>>)
    %dma_wait3A_761 = arith.constant 36 : i32
    %dma_wait3A_762 = arith.constant 4608 : i32
    %dma_wait3A_763 = arith.constant 0 : i32
    %dma_wait3A_764 = tpu.memref_slice %arg6[%dma_wait3A_762, %dma_wait3A_763] : memref<5120x16xf32, #tpu.memory_space<vmem>> -> memref<128x16xf32, #tpu.memory_space<vmem>>
    %dma_wait3A_765 = arith.constant 0 : i32
    %dma_wait3A_766 = tpu.memref_slice %arg5[%dma_wait3A_761, %dma_wait3A_765] : memref<40x128xi32, #tpu.memory_space<vmem>> -> memref<1x128xi32, #tpu.memory_space<vmem>>
    %dma_wait3A_767 = tpu.memref_squeeze %dma_wait3A_766 : memref<1x128xi32, #tpu.memory_space<vmem>> -> memref<128xi32, #tpu.memory_space<vmem>>
    %dma_wait3A_768 = arith.constant 0 : i32
    %dma_wait3A_769 = arith.constant 0 : i32
    %dma_wait3A_770 = tpu.memref_slice %arg3[%dma_wait3A_768, %dma_wait3A_769] : memref<8192x16xf32, #tpu.memory_space<hbm>> -> memref<8192x16xf32, #tpu.memory_space<hbm>>
    tpu.wait_indirect_dma semaphore(%arg7 : memref<!tpu.dma_semaphore, #tpu.memory_space<semaphore_mem>>) src(%dma_wait3A_770 : memref<8192x16xf32, #tpu.memory_space<hbm>>) dst(%dma_wait3A_764 : memref<128x16xf32, #tpu.memory_space<vmem>>)
    %dma_wait3A_771 = arith.constant 37 : i32
    %dma_wait3A_772 = arith.constant 4736 : i32
    %dma_wait3A_773 = arith.constant 0 : i32
    %dma_wait3A_774 = tpu.memref_slice %arg6[%dma_wait3A_772, %dma_wait3A_773] : memref<5120x16xf32, #tpu.memory_space<vmem>> -> memref<128x16xf32, #tpu.memory_space<vmem>>
    %dma_wait3A_775 = arith.constant 0 : i32
    %dma_wait3A_776 = tpu.memref_slice %arg5[%dma_wait3A_771, %dma_wait3A_775] : memref<40x128xi32, #tpu.memory_space<vmem>> -> memref<1x128xi32, #tpu.memory_space<vmem>>
    %dma_wait3A_777 = tpu.memref_squeeze %dma_wait3A_776 : memref<1x128xi32, #tpu.memory_space<vmem>> -> memref<128xi32, #tpu.memory_space<vmem>>
    %dma_wait3A_778 = arith.constant 0 : i32
    %dma_wait3A_779 = arith.constant 0 : i32
    %dma_wait3A_780 = tpu.memref_slice %arg3[%dma_wait3A_778, %dma_wait3A_779] : memref<8192x16xf32, #tpu.memory_space<hbm>> -> memref<8192x16xf32, #tpu.memory_space<hbm>>
    tpu.wait_indirect_dma semaphore(%arg7 : memref<!tpu.dma_semaphore, #tpu.memory_space<semaphore_mem>>) src(%dma_wait3A_780 : memref<8192x16xf32, #tpu.memory_space<hbm>>) dst(%dma_wait3A_774 : memref<128x16xf32, #tpu.memory_space<vmem>>)
    %dma_wait3A_781 = arith.constant 38 : i32
    %dma_wait3A_782 = arith.constant 4864 : i32
    %dma_wait3A_783 = arith.constant 0 : i32
    %dma_wait3A_784 = tpu.memref_slice %arg6[%dma_wait3A_782, %dma_wait3A_783] : memref<5120x16xf32, #tpu.memory_space<vmem>> -> memref<128x16xf32, #tpu.memory_space<vmem>>
    %dma_wait3A_785 = arith.constant 0 : i32
    %dma_wait3A_786 = tpu.memref_slice %arg5[%dma_wait3A_781, %dma_wait3A_785] : memref<40x128xi32, #tpu.memory_space<vmem>> -> memref<1x128xi32, #tpu.memory_space<vmem>>
    %dma_wait3A_787 = tpu.memref_squeeze %dma_wait3A_786 : memref<1x128xi32, #tpu.memory_space<vmem>> -> memref<128xi32, #tpu.memory_space<vmem>>
    %dma_wait3A_788 = arith.constant 0 : i32
    %dma_wait3A_789 = arith.constant 0 : i32
    %dma_wait3A_790 = tpu.memref_slice %arg3[%dma_wait3A_788, %dma_wait3A_789] : memref<8192x16xf32, #tpu.memory_space<hbm>> -> memref<8192x16xf32, #tpu.memory_space<hbm>>
    tpu.wait_indirect_dma semaphore(%arg7 : memref<!tpu.dma_semaphore, #tpu.memory_space<semaphore_mem>>) src(%dma_wait3A_790 : memref<8192x16xf32, #tpu.memory_space<hbm>>) dst(%dma_wait3A_784 : memref<128x16xf32, #tpu.memory_space<vmem>>)
    %dma_wait3A_791 = arith.constant 39 : i32
    %dma_wait3A_792 = arith.constant 4992 : i32
    %dma_wait3A_793 = arith.constant 0 : i32
    %dma_wait3A_794 = tpu.memref_slice %arg6[%dma_wait3A_792, %dma_wait3A_793] : memref<5120x16xf32, #tpu.memory_space<vmem>> -> memref<128x16xf32, #tpu.memory_space<vmem>>
    %dma_wait3A_795 = arith.constant 0 : i32
    %dma_wait3A_796 = tpu.memref_slice %arg5[%dma_wait3A_791, %dma_wait3A_795] : memref<40x128xi32, #tpu.memory_space<vmem>> -> memref<1x128xi32, #tpu.memory_space<vmem>>
    %dma_wait3A_797 = tpu.memref_squeeze %dma_wait3A_796 : memref<1x128xi32, #tpu.memory_space<vmem>> -> memref<128xi32, #tpu.memory_space<vmem>>
    %dma_wait3A_798 = arith.constant 0 : i32
    %dma_wait3A_799 = arith.constant 0 : i32
    %dma_wait3A_800 = tpu.memref_slice %arg3[%dma_wait3A_798, %dma_wait3A_799] : memref<8192x16xf32, #tpu.memory_space<hbm>> -> memref<8192x16xf32, #tpu.memory_space<hbm>>
    tpu.wait_indirect_dma semaphore(%arg7 : memref<!tpu.dma_semaphore, #tpu.memory_space<semaphore_mem>>) src(%dma_wait3A_800 : memref<8192x16xf32, #tpu.memory_space<hbm>>) dst(%dma_wait3A_794 : memref<128x16xf32, #tpu.memory_space<vmem>>)
    %mul3A_801 = arith.constant 5120 : i32
    %mul3A_802 = arith.muli %add3A, %mul3A_801 : i32
    "tpu.region"() ({
      %run_scoped3A = tpu.sem_alloc : memref<!tpu.dma_semaphore, #tpu.memory_space<semaphore_mem>>
      %dma_start3A_803 = arith.constant 0 : i32
      %dma_start3A_804 = tpu.memref_slice %arg4[%mul3A_802, %dma_start3A_803] : memref<163840x16xf32, #tpu.memory_space<hbm>> -> memref<5120x16xf32, #tpu.memory_space<hbm>>
      %dma_start3A_805 = arith.constant 0 : i32
      %dma_start3A_806 = tpu.memref_slice %arg4[%mul3A_802, %dma_start3A_805] : memref<163840x16xf32, #tpu.memory_space<hbm>> -> memref<5120x16xf32, #tpu.memory_space<hbm>>
      tpu.enqueue_dma source(%arg6 : memref<5120x16xf32, #tpu.memory_space<vmem>>) target(%dma_start3A_806 : memref<5120x16xf32, #tpu.memory_space<hbm>>) target_semaphore(%run_scoped3A : memref<!tpu.dma_semaphore, #tpu.memory_space<semaphore_mem>>)
      %dma_wait3A_807 = arith.constant 0 : i32
      %dma_wait3A_808 = tpu.memref_slice %arg4[%mul3A_802, %dma_wait3A_807] : memref<163840x16xf32, #tpu.memory_space<hbm>> -> memref<5120x16xf32, #tpu.memory_space<hbm>>
      %dma_wait3A_809 = arith.constant 0 : i32
      %dma_wait3A_810 = tpu.memref_slice %arg4[%mul3A_802, %dma_wait3A_809] : memref<163840x16xf32, #tpu.memory_space<hbm>> -> memref<5120x16xf32, #tpu.memory_space<hbm>>
      tpu.wait_dma2 semaphore(%run_scoped3A : memref<!tpu.dma_semaphore, #tpu.memory_space<semaphore_mem>>) src(%arg6 : memref<5120x16xf32, #tpu.memory_space<vmem>>) dst(%dma_wait3A_810 : memref<5120x16xf32, #tpu.memory_space<hbm>>)
      tpu.yield
    }) : () -> ()
    return
  }
}

module attributes {stable_mosaic.version = 14 : i64} {
  func.func @_knn_body(%arg0: i32, %arg1: i32, %arg2: memref<1x8x2048xf32, #tpu.memory_space<vmem>>, %arg3: memref<1x8x512xf32, #tpu.memory_space<vmem>>, %arg4: memref<1x20x512xi32, #tpu.memory_space<vmem>>, %arg5: memref<1x512x16xf32, #tpu.memory_space<vmem>>) attributes {dimension_semantics = [#tpu.dimension_semantics<arbitrary>, #tpu.dimension_semantics<arbitrary>], iteration_bounds = array<i64: 4, 4>, scalar_prefetch = 0 : i64, scratch_operands = 0 : i64, tpu.core_type = #tpu.core_type<tc>, window_params = [{transform_indices = @transform_0, window_bounds = array<i64: 1, 8, 2048>}, {transform_indices = @transform_1, window_bounds = array<i64: 1, 8, 512>}, {transform_indices = @transform_2, window_bounds = array<i64: 1, 20, 512>}, {transform_indices = @transform_3, window_bounds = array<i64: 1, 512, 16>}]} {
    %get3A = arith.constant 0 : index
    %get3A_0 = arith.constant 0 : index
    %get3A_1 = arith.constant 0 : index
    %get3A_2 = vector.load %arg2[%get3A, %get3A_0, %get3A_1] : memref<1x8x2048xf32, #tpu.memory_space<vmem>>, vector<1x8x2048xf32>
    %get3A_3 = vector.shape_cast %get3A_2 : vector<1x8x2048xf32> to vector<8x2048xf32>
    %get3A_4 = arith.constant 0 : index
    %get3A_5 = arith.constant 0 : index
    %get3A_6 = arith.constant 0 : index
    %get3A_7 = vector.load %arg3[%get3A_4, %get3A_5, %get3A_6] : memref<1x8x512xf32, #tpu.memory_space<vmem>>, vector<1x8x512xf32>
    %get3A_8 = vector.shape_cast %get3A_7 : vector<1x8x512xf32> to vector<8x512xf32>
    %transpose3A = tpu.transpose %get3A_8, [1, 0] : vector<8x512xf32> -> vector<512x8xf32>
    %broadcast_in_dim3A = arith.constant 0.000000e+00 : f32
    %broadcast_in_dim3A_9 = vector.broadcast %broadcast_in_dim3A : f32 to vector<512x8xf32>
    %concatenate3A = tpu.concatenate %transpose3A, %broadcast_in_dim3A_9 in 1 : vector<512x8xf32>, vector<512x8xf32> -> vector<512x16xf32>
    %swap3A = arith.constant 0 : index
    %swap3A_10 = arith.constant 0 : index
    %swap3A_11 = arith.constant 0 : index
    %swap3A_12 = vector.load %arg5[%swap3A, %swap3A_10, %swap3A_11] : memref<1x512x16xf32, #tpu.memory_space<vmem>>, vector<1x512x16xf32>
    %swap3A_13 = vector.shape_cast %swap3A_12 : vector<1x512x16xf32> to vector<512x16xf32>
    %swap3A_14 = vector.shape_cast %concatenate3A : vector<512x16xf32> to vector<1x512x16xf32>
    tpu.vector_store %arg5[%swap3A, %swap3A_10, %swap3A_11], %swap3A_14 {strides = array<i32>} : memref<1x512x16xf32, #tpu.memory_space<vmem>>, vector<1x512x16xf32>,
    %mul3A = arith.mulf %transpose3A, %transpose3A : vector<512x8xf32>
    %reduce_sum3A = arith.constant dense<0.000000e+00> : vector<512xf32>
    %reduce_sum3A_15 = vector.multi_reduction <add>, %mul3A, %reduce_sum3A [1] : vector<512x8xf32> to vector<512xf32>
    %broadcast_in_dim3A_16 = vector.shape_cast %reduce_sum3A_15 : vector<512xf32> to vector<512x1xf32>
    %mul3A_17 = arith.mulf %get3A_3, %get3A_3 : vector<8x2048xf32>
    %reduce_sum3A_18 = arith.constant dense<0.000000e+00> : vector<2048xf32>
    %reduce_sum3A_19 = vector.multi_reduction <add>, %mul3A_17, %reduce_sum3A_18 [0] : vector<8x2048xf32> to vector<2048xf32>
    %broadcast_in_dim3A_20 = vector.shape_cast %reduce_sum3A_19 : vector<2048xf32> to vector<1x2048xf32>
    %dot_general3A = arith.constant dense<0.000000e+00> : vector<512x2048xf32>
    %dot_general3A_21 = tpu.matmul %transpose3A, %get3A_3, %dot_general3A {dimension_numbers = #tpu.dot_dimension_numbers<[1], [0], [0], [1], [0, 0, 1, 1], [], []>, transpose_lhs_hint = false} : vector<512x8xf32>, vector<8x2048xf32>, vector<512x2048xf32> -> vector<512x2048xf32>
    %add3A = vector.broadcast %broadcast_in_dim3A_16 : vector<512x1xf32> to vector<512x2048xf32>
    %add3A_22 = vector.broadcast %broadcast_in_dim3A_20 : vector<1x2048xf32> to vector<512x2048xf32>
    %add3A_23 = arith.addf %add3A, %add3A_22 : vector<512x2048xf32>
    %mul3A_24 = arith.constant 2.000000e+00 : f32
    %mul3A_25 = vector.broadcast %mul3A_24 : f32 to vector<512x2048xf32>
    %mul3A_26 = arith.mulf %mul3A_25, %dot_general3A_21 : vector<512x2048xf32>
    %sub3A = arith.subf %add3A_23, %mul3A_26 : vector<512x2048xf32>
    %iota3A = tpu.iota {dimensions = array<i32: 1>} : vector<512x2048xi32>
    %argmin3A = tpu.reduce_index %sub3A {axis = 1 : i32, kind = #tpu.reduction_kind<arg_min>} : vector<512x2048xf32> -> vector<512xi32>
    %broadcast_in_dim3A_27 = vector.shape_cast %argmin3A : vector<512xi32> to vector<512x1xi32>
    %eq3A = vector.broadcast %broadcast_in_dim3A_27 : vector<512x1xi32> to vector<512x2048xi32>
    %eq3A_28 = arith.cmpi eq, %iota3A, %eq3A : vector<512x2048xi32>
    %jit3A = arith.constant 0x7F800000 : f32
    %broadcast_in_dim3A_29 = vector.broadcast %jit3A : f32 to vector<512x2048xf32>
    %select_n3A = arith.select %eq3A_28, %broadcast_in_dim3A_29, %sub3A : vector<512x2048xi1>, vector<512x2048xf32>
    %argmin3A_30 = tpu.reduce_index %select_n3A {axis = 1 : i32, kind = #tpu.reduction_kind<arg_min>} : vector<512x2048xf32> -> vector<512xi32>
    %broadcast_in_dim3A_31 = vector.shape_cast %argmin3A_30 : vector<512xi32> to vector<512x1xi32>
    %eq3A_32 = vector.broadcast %broadcast_in_dim3A_31 : vector<512x1xi32> to vector<512x2048xi32>
    %eq3A_33 = arith.cmpi eq, %iota3A, %eq3A_32 : vector<512x2048xi32>
    %jit3A_34 = arith.constant 0x7F800000 : f32
    %broadcast_in_dim3A_35 = vector.broadcast %jit3A_34 : f32 to vector<512x2048xf32>
    %select_n3A_36 = arith.select %eq3A_33, %broadcast_in_dim3A_35, %select_n3A : vector<512x2048xi1>, vector<512x2048xf32>
    %argmin3A_37 = tpu.reduce_index %select_n3A_36 {axis = 1 : i32, kind = #tpu.reduction_kind<arg_min>} : vector<512x2048xf32> -> vector<512xi32>
    %broadcast_in_dim3A_38 = vector.shape_cast %argmin3A_37 : vector<512xi32> to vector<512x1xi32>
    %eq3A_39 = vector.broadcast %broadcast_in_dim3A_38 : vector<512x1xi32> to vector<512x2048xi32>
    %eq3A_40 = arith.cmpi eq, %iota3A, %eq3A_39 : vector<512x2048xi32>
    %jit3A_41 = arith.constant 0x7F800000 : f32
    %broadcast_in_dim3A_42 = vector.broadcast %jit3A_41 : f32 to vector<512x2048xf32>
    %select_n3A_43 = arith.select %eq3A_40, %broadcast_in_dim3A_42, %select_n3A_36 : vector<512x2048xi1>, vector<512x2048xf32>
    %argmin3A_44 = tpu.reduce_index %select_n3A_43 {axis = 1 : i32, kind = #tpu.reduction_kind<arg_min>} : vector<512x2048xf32> -> vector<512xi32>
    %broadcast_in_dim3A_45 = vector.shape_cast %argmin3A_44 : vector<512xi32> to vector<512x1xi32>
    %eq3A_46 = vector.broadcast %broadcast_in_dim3A_45 : vector<512x1xi32> to vector<512x2048xi32>
    %eq3A_47 = arith.cmpi eq, %iota3A, %eq3A_46 : vector<512x2048xi32>
    %jit3A_48 = arith.constant 0x7F800000 : f32
    %broadcast_in_dim3A_49 = vector.broadcast %jit3A_48 : f32 to vector<512x2048xf32>
    %select_n3A_50 = arith.select %eq3A_47, %broadcast_in_dim3A_49, %select_n3A_43 : vector<512x2048xi1>, vector<512x2048xf32>
    %argmin3A_51 = tpu.reduce_index %select_n3A_50 {axis = 1 : i32, kind = #tpu.reduction_kind<arg_min>} : vector<512x2048xf32> -> vector<512xi32>
    %broadcast_in_dim3A_52 = vector.shape_cast %argmin3A_51 : vector<512xi32> to vector<512x1xi32>
    %eq3A_53 = vector.broadcast %broadcast_in_dim3A_52 : vector<512x1xi32> to vector<512x2048xi32>
    %eq3A_54 = arith.cmpi eq, %iota3A, %eq3A_53 : vector<512x2048xi32>
    %jit3A_55 = arith.constant 0x7F800000 : f32
    %broadcast_in_dim3A_56 = vector.broadcast %jit3A_55 : f32 to vector<512x2048xf32>
    %select_n3A_57 = arith.select %eq3A_54, %broadcast_in_dim3A_56, %select_n3A_50 : vector<512x2048xi1>, vector<512x2048xf32>
    %argmin3A_58 = tpu.reduce_index %select_n3A_57 {axis = 1 : i32, kind = #tpu.reduction_kind<arg_min>} : vector<512x2048xf32> -> vector<512xi32>
    %broadcast_in_dim3A_59 = vector.shape_cast %argmin3A_58 : vector<512xi32> to vector<512x1xi32>
    %eq3A_60 = vector.broadcast %broadcast_in_dim3A_59 : vector<512x1xi32> to vector<512x2048xi32>
    %eq3A_61 = arith.cmpi eq, %iota3A, %eq3A_60 : vector<512x2048xi32>
    %jit3A_62 = arith.constant 0x7F800000 : f32
    %broadcast_in_dim3A_63 = vector.broadcast %jit3A_62 : f32 to vector<512x2048xf32>
    %select_n3A_64 = arith.select %eq3A_61, %broadcast_in_dim3A_63, %select_n3A_57 : vector<512x2048xi1>, vector<512x2048xf32>
    %argmin3A_65 = tpu.reduce_index %select_n3A_64 {axis = 1 : i32, kind = #tpu.reduction_kind<arg_min>} : vector<512x2048xf32> -> vector<512xi32>
    %broadcast_in_dim3A_66 = vector.shape_cast %argmin3A_65 : vector<512xi32> to vector<512x1xi32>
    %eq3A_67 = vector.broadcast %broadcast_in_dim3A_66 : vector<512x1xi32> to vector<512x2048xi32>
    %eq3A_68 = arith.cmpi eq, %iota3A, %eq3A_67 : vector<512x2048xi32>
    %jit3A_69 = arith.constant 0x7F800000 : f32
    %broadcast_in_dim3A_70 = vector.broadcast %jit3A_69 : f32 to vector<512x2048xf32>
    %select_n3A_71 = arith.select %eq3A_68, %broadcast_in_dim3A_70, %select_n3A_64 : vector<512x2048xi1>, vector<512x2048xf32>
    %argmin3A_72 = tpu.reduce_index %select_n3A_71 {axis = 1 : i32, kind = #tpu.reduction_kind<arg_min>} : vector<512x2048xf32> -> vector<512xi32>
    %broadcast_in_dim3A_73 = vector.shape_cast %argmin3A_72 : vector<512xi32> to vector<512x1xi32>
    %eq3A_74 = vector.broadcast %broadcast_in_dim3A_73 : vector<512x1xi32> to vector<512x2048xi32>
    %eq3A_75 = arith.cmpi eq, %iota3A, %eq3A_74 : vector<512x2048xi32>
    %jit3A_76 = arith.constant 0x7F800000 : f32
    %broadcast_in_dim3A_77 = vector.broadcast %jit3A_76 : f32 to vector<512x2048xf32>
    %select_n3A_78 = arith.select %eq3A_75, %broadcast_in_dim3A_77, %select_n3A_71 : vector<512x2048xi1>, vector<512x2048xf32>
    %argmin3A_79 = tpu.reduce_index %select_n3A_78 {axis = 1 : i32, kind = #tpu.reduction_kind<arg_min>} : vector<512x2048xf32> -> vector<512xi32>
    %broadcast_in_dim3A_80 = vector.shape_cast %argmin3A_79 : vector<512xi32> to vector<512x1xi32>
    %eq3A_81 = vector.broadcast %broadcast_in_dim3A_80 : vector<512x1xi32> to vector<512x2048xi32>
    %eq3A_82 = arith.cmpi eq, %iota3A, %eq3A_81 : vector<512x2048xi32>
    %jit3A_83 = arith.constant 0x7F800000 : f32
    %broadcast_in_dim3A_84 = vector.broadcast %jit3A_83 : f32 to vector<512x2048xf32>
    %select_n3A_85 = arith.select %eq3A_82, %broadcast_in_dim3A_84, %select_n3A_78 : vector<512x2048xi1>, vector<512x2048xf32>
    %argmin3A_86 = tpu.reduce_index %select_n3A_85 {axis = 1 : i32, kind = #tpu.reduction_kind<arg_min>} : vector<512x2048xf32> -> vector<512xi32>
    %broadcast_in_dim3A_87 = vector.shape_cast %argmin3A_86 : vector<512xi32> to vector<512x1xi32>
    %eq3A_88 = vector.broadcast %broadcast_in_dim3A_87 : vector<512x1xi32> to vector<512x2048xi32>
    %eq3A_89 = arith.cmpi eq, %iota3A, %eq3A_88 : vector<512x2048xi32>
    %jit3A_90 = arith.constant 0x7F800000 : f32
    %broadcast_in_dim3A_91 = vector.broadcast %jit3A_90 : f32 to vector<512x2048xf32>
    %select_n3A_92 = arith.select %eq3A_89, %broadcast_in_dim3A_91, %select_n3A_85 : vector<512x2048xi1>, vector<512x2048xf32>
    %argmin3A_93 = tpu.reduce_index %select_n3A_92 {axis = 1 : i32, kind = #tpu.reduction_kind<arg_min>} : vector<512x2048xf32> -> vector<512xi32>
    %broadcast_in_dim3A_94 = vector.shape_cast %argmin3A_93 : vector<512xi32> to vector<512x1xi32>
    %eq3A_95 = vector.broadcast %broadcast_in_dim3A_94 : vector<512x1xi32> to vector<512x2048xi32>
    %eq3A_96 = arith.cmpi eq, %iota3A, %eq3A_95 : vector<512x2048xi32>
    %jit3A_97 = arith.constant 0x7F800000 : f32
    %broadcast_in_dim3A_98 = vector.broadcast %jit3A_97 : f32 to vector<512x2048xf32>
    %select_n3A_99 = arith.select %eq3A_96, %broadcast_in_dim3A_98, %select_n3A_92 : vector<512x2048xi1>, vector<512x2048xf32>
    %argmin3A_100 = tpu.reduce_index %select_n3A_99 {axis = 1 : i32, kind = #tpu.reduction_kind<arg_min>} : vector<512x2048xf32> -> vector<512xi32>
    %broadcast_in_dim3A_101 = vector.shape_cast %argmin3A_100 : vector<512xi32> to vector<512x1xi32>
    %eq3A_102 = vector.broadcast %broadcast_in_dim3A_101 : vector<512x1xi32> to vector<512x2048xi32>
    %eq3A_103 = arith.cmpi eq, %iota3A, %eq3A_102 : vector<512x2048xi32>
    %jit3A_104 = arith.constant 0x7F800000 : f32
    %broadcast_in_dim3A_105 = vector.broadcast %jit3A_104 : f32 to vector<512x2048xf32>
    %select_n3A_106 = arith.select %eq3A_103, %broadcast_in_dim3A_105, %select_n3A_99 : vector<512x2048xi1>, vector<512x2048xf32>
    %argmin3A_107 = tpu.reduce_index %select_n3A_106 {axis = 1 : i32, kind = #tpu.reduction_kind<arg_min>} : vector<512x2048xf32> -> vector<512xi32>
    %broadcast_in_dim3A_108 = vector.shape_cast %argmin3A_107 : vector<512xi32> to vector<512x1xi32>
    %eq3A_109 = vector.broadcast %broadcast_in_dim3A_108 : vector<512x1xi32> to vector<512x2048xi32>
    %eq3A_110 = arith.cmpi eq, %iota3A, %eq3A_109 : vector<512x2048xi32>
    %jit3A_111 = arith.constant 0x7F800000 : f32
    %broadcast_in_dim3A_112 = vector.broadcast %jit3A_111 : f32 to vector<512x2048xf32>
    %select_n3A_113 = arith.select %eq3A_110, %broadcast_in_dim3A_112, %select_n3A_106 : vector<512x2048xi1>, vector<512x2048xf32>
    %argmin3A_114 = tpu.reduce_index %select_n3A_113 {axis = 1 : i32, kind = #tpu.reduction_kind<arg_min>} : vector<512x2048xf32> -> vector<512xi32>
    %broadcast_in_dim3A_115 = vector.shape_cast %argmin3A_114 : vector<512xi32> to vector<512x1xi32>
    %eq3A_116 = vector.broadcast %broadcast_in_dim3A_115 : vector<512x1xi32> to vector<512x2048xi32>
    %eq3A_117 = arith.cmpi eq, %iota3A, %eq3A_116 : vector<512x2048xi32>
    %jit3A_118 = arith.constant 0x7F800000 : f32
    %broadcast_in_dim3A_119 = vector.broadcast %jit3A_118 : f32 to vector<512x2048xf32>
    %select_n3A_120 = arith.select %eq3A_117, %broadcast_in_dim3A_119, %select_n3A_113 : vector<512x2048xi1>, vector<512x2048xf32>
    %argmin3A_121 = tpu.reduce_index %select_n3A_120 {axis = 1 : i32, kind = #tpu.reduction_kind<arg_min>} : vector<512x2048xf32> -> vector<512xi32>
    %broadcast_in_dim3A_122 = vector.shape_cast %argmin3A_121 : vector<512xi32> to vector<512x1xi32>
    %eq3A_123 = vector.broadcast %broadcast_in_dim3A_122 : vector<512x1xi32> to vector<512x2048xi32>
    %eq3A_124 = arith.cmpi eq, %iota3A, %eq3A_123 : vector<512x2048xi32>
    %jit3A_125 = arith.constant 0x7F800000 : f32
    %broadcast_in_dim3A_126 = vector.broadcast %jit3A_125 : f32 to vector<512x2048xf32>
    %select_n3A_127 = arith.select %eq3A_124, %broadcast_in_dim3A_126, %select_n3A_120 : vector<512x2048xi1>, vector<512x2048xf32>
    %argmin3A_128 = tpu.reduce_index %select_n3A_127 {axis = 1 : i32, kind = #tpu.reduction_kind<arg_min>} : vector<512x2048xf32> -> vector<512xi32>
    %broadcast_in_dim3A_129 = vector.shape_cast %argmin3A_128 : vector<512xi32> to vector<512x1xi32>
    %eq3A_130 = vector.broadcast %broadcast_in_dim3A_129 : vector<512x1xi32> to vector<512x2048xi32>
    %eq3A_131 = arith.cmpi eq, %iota3A, %eq3A_130 : vector<512x2048xi32>
    %jit3A_132 = arith.constant 0x7F800000 : f32
    %broadcast_in_dim3A_133 = vector.broadcast %jit3A_132 : f32 to vector<512x2048xf32>
    %select_n3A_134 = arith.select %eq3A_131, %broadcast_in_dim3A_133, %select_n3A_127 : vector<512x2048xi1>, vector<512x2048xf32>
    %argmin3A_135 = tpu.reduce_index %select_n3A_134 {axis = 1 : i32, kind = #tpu.reduction_kind<arg_min>} : vector<512x2048xf32> -> vector<512xi32>
    %broadcast_in_dim3A_136 = vector.shape_cast %argmin3A_135 : vector<512xi32> to vector<512x1xi32>
    %eq3A_137 = vector.broadcast %broadcast_in_dim3A_136 : vector<512x1xi32> to vector<512x2048xi32>
    %eq3A_138 = arith.cmpi eq, %iota3A, %eq3A_137 : vector<512x2048xi32>
    %jit3A_139 = arith.constant 0x7F800000 : f32
    %broadcast_in_dim3A_140 = vector.broadcast %jit3A_139 : f32 to vector<512x2048xf32>
    %select_n3A_141 = arith.select %eq3A_138, %broadcast_in_dim3A_140, %select_n3A_134 : vector<512x2048xi1>, vector<512x2048xf32>
    %argmin3A_142 = tpu.reduce_index %select_n3A_141 {axis = 1 : i32, kind = #tpu.reduction_kind<arg_min>} : vector<512x2048xf32> -> vector<512xi32>
    %broadcast_in_dim3A_143 = vector.shape_cast %argmin3A_142 : vector<512xi32> to vector<512x1xi32>
    %eq3A_144 = vector.broadcast %broadcast_in_dim3A_143 : vector<512x1xi32> to vector<512x2048xi32>
    %eq3A_145 = arith.cmpi eq, %iota3A, %eq3A_144 : vector<512x2048xi32>
    %jit3A_146 = arith.constant 0x7F800000 : f32
    %broadcast_in_dim3A_147 = vector.broadcast %jit3A_146 : f32 to vector<512x2048xf32>
    %select_n3A_148 = arith.select %eq3A_145, %broadcast_in_dim3A_147, %select_n3A_141 : vector<512x2048xi1>, vector<512x2048xf32>
    %argmin3A_149 = tpu.reduce_index %select_n3A_148 {axis = 1 : i32, kind = #tpu.reduction_kind<arg_min>} : vector<512x2048xf32> -> vector<512xi32>
    %broadcast_in_dim3A_150 = vector.shape_cast %argmin3A_149 : vector<512xi32> to vector<512x1xi32>
    %eq3A_151 = vector.broadcast %broadcast_in_dim3A_150 : vector<512x1xi32> to vector<512x2048xi32>
    %eq3A_152 = arith.cmpi eq, %iota3A, %eq3A_151 : vector<512x2048xi32>
    %jit3A_153 = arith.constant 0x7F800000 : f32
    %broadcast_in_dim3A_154 = vector.broadcast %jit3A_153 : f32 to vector<512x2048xf32>
    %select_n3A_155 = arith.select %eq3A_152, %broadcast_in_dim3A_154, %select_n3A_148 : vector<512x2048xi1>, vector<512x2048xf32>
    %argmin3A_156 = tpu.reduce_index %select_n3A_155 {axis = 1 : i32, kind = #tpu.reduction_kind<arg_min>} : vector<512x2048xf32> -> vector<512xi32>
    %broadcast_in_dim3A_157 = vector.shape_cast %argmin3A_156 : vector<512xi32> to vector<512x1xi32>
    %concatenate3A_158 = tpu.concatenate %broadcast_in_dim3A_27, %broadcast_in_dim3A_31, %broadcast_in_dim3A_38, %broadcast_in_dim3A_45, %broadcast_in_dim3A_52, %broadcast_in_dim3A_59, %broadcast_in_dim3A_66, %broadcast_in_dim3A_73, %broadcast_in_dim3A_80, %broadcast_in_dim3A_87, %broadcast_in_dim3A_94, %broadcast_in_dim3A_101, %broadcast_in_dim3A_108, %broadcast_in_dim3A_115, %broadcast_in_dim3A_122, %broadcast_in_dim3A_129, %broadcast_in_dim3A_136, %broadcast_in_dim3A_143, %broadcast_in_dim3A_150, %broadcast_in_dim3A_157 in 1 : vector<512x1xi32>, vector<512x1xi32>, vector<512x1xi32>, vector<512x1xi32>, vector<512x1xi32>, vector<512x1xi32>, vector<512x1xi32>, vector<512x1xi32>, vector<512x1xi32>, vector<512x1xi32>, vector<512x1xi32>, vector<512x1xi32>, vector<512x1xi32>, vector<512x1xi32>, vector<512x1xi32>, vector<512x1xi32>, vector<512x1xi32>, vector<512x1xi32>, vector<512x1xi32>, vector<512x1xi32> -> vector<512x20xi32>
    %transpose3A_159 = tpu.transpose %concatenate3A_158, [1, 0] : vector<512x20xi32> -> vector<20x512xi32>
    %mul3A_160 = arith.constant 2048 : i32
    %mul3A_161 = arith.muli %arg0, %mul3A_160 : i32
    %add3A_162 = vector.broadcast %mul3A_161 : i32 to vector<20x512xi32>
    %add3A_163 = arith.addi %transpose3A_159, %add3A_162 : vector<20x512xi32>
    %swap3A_164 = arith.constant 0 : index
    %swap3A_165 = arith.constant 0 : index
    %swap3A_166 = arith.constant 0 : index
    %swap3A_167 = vector.load %arg4[%swap3A_164, %swap3A_165, %swap3A_166] : memref<1x20x512xi32, #tpu.memory_space<vmem>>, vector<1x20x512xi32>
    %swap3A_168 = vector.shape_cast %swap3A_167 : vector<1x20x512xi32> to vector<20x512xi32>
    %swap3A_169 = vector.shape_cast %add3A_163 : vector<20x512xi32> to vector<1x20x512xi32>
    tpu.vector_store %arg4[%swap3A_164, %swap3A_165, %swap3A_166], %swap3A_169 {strides = array<i32>} : memref<1x20x512xi32, #tpu.memory_space<vmem>>, vector<1x20x512xi32>,
    return
  }
  func.func @transform_0(%arg0: i32, %arg1: i32) -> (i32, i32, i32) {
    %c0_i32 = arith.constant 0 : i32
    %c0_i32_0 = arith.constant 0 : i32
    %c0_i32_1 = arith.constant 0 : i32
    return %arg0, %c0_i32, %c0_i32_0 : i32, i32, i32
  }
  func.func @transform_1(%arg0: i32, %arg1: i32) -> (i32, i32, i32) {
    %c0_i32 = arith.constant 0 : i32
    %c0_i32_0 = arith.constant 0 : i32
    return %arg0, %c0_i32, %arg1 : i32, i32, i32
  }
  func.func @transform_2(%arg0: i32, %arg1: i32) -> (i32, i32, i32) {
    %c0_i32 = arith.constant 0 : i32
    %c0_i32_0 = arith.constant 0 : i32
    return %arg0, %c0_i32, %arg1 : i32, i32, i32
  }
  func.func @transform_3(%arg0: i32, %arg1: i32) -> (i32, i32, i32) {
    %c0_i32 = arith.constant 0 : i32
    %c0_i32_0 = arith.constant 0 : i32
    return %arg0, %arg1, %c0_i32 : i32, i32, i32
  }
}

module attributes {stable_mosaic.version = 14 : i64} {
  func.func @_pool_body(%arg0: i32, %arg1: i32, %arg2: memref<1x20x512x16xf32, #tpu.memory_space<vmem>>, %arg3: memref<1x8x512xf32, #tpu.memory_space<vmem>>, %arg4: memref<16x256xf32, #tpu.memory_space<vmem>>, %arg5: memref<8x256xf32, #tpu.memory_space<vmem>>, %arg6: memref<1x256xf32, #tpu.memory_space<vmem>>, %arg7: memref<1x256xf32, #tpu.memory_space<vmem>>, %arg8: memref<1x512x256xf32, #tpu.memory_space<vmem>>, %arg9: memref<1x1x2x256xf32, #tpu.memory_space<vmem>>) attributes {dimension_semantics = [#tpu.dimension_semantics<arbitrary>, #tpu.dimension_semantics<arbitrary>], iteration_bounds = array<i64: 4, 4>, scalar_prefetch = 0 : i64, scratch_operands = 0 : i64, tpu.core_type = #tpu.core_type<tc>, window_params = [{transform_indices = @transform_0, window_bounds = array<i64: 1, 20, 512, 16>}, {transform_indices = @transform_1, window_bounds = array<i64: 1, 8, 512>}, {pipeline_mode = #tpu.pipeline_mode<synchronous>, transform_indices = @transform_2, window_bounds = array<i64: 16, 256>}, {pipeline_mode = #tpu.pipeline_mode<synchronous>, transform_indices = @transform_3, window_bounds = array<i64: 8, 256>}, {pipeline_mode = #tpu.pipeline_mode<synchronous>, transform_indices = @transform_4, window_bounds = array<i64: 1, 256>}, {pipeline_mode = #tpu.pipeline_mode<synchronous>, transform_indices = @transform_5, window_bounds = array<i64: 1, 256>}, {transform_indices = @transform_6, window_bounds = array<i64: 1, 512, 256>}, {transform_indices = @transform_7, window_bounds = array<i64: 1, 1, 2, 256>}]} {
    %get3A = arith.constant 0 : index
    %get3A_0 = arith.constant 0 : index
    %get3A_1 = vector.load %arg4[%get3A, %get3A_0] : memref<16x256xf32, #tpu.memory_space<vmem>>, vector<16x256xf32>
    %get3A_2 = arith.constant 0 : index
    %get3A_3 = arith.constant 0 : index
    %get3A_4 = arith.constant 0 : index
    %get3A_5 = arith.constant 0 : index
    %get3A_6 = vector.load %arg2[%get3A_2, %get3A_3, %get3A_4, %get3A_5] : memref<1x20x512x16xf32, #tpu.memory_space<vmem>>, vector<1x1x512x16xf32>
    %get3A_7 = vector.shape_cast %get3A_6 : vector<1x1x512x16xf32> to vector<512x16xf32>
    %dot_general3A = arith.constant dense<0.000000e+00> : vector<512x256xf32>
    %dot_general3A_8 = tpu.matmul %get3A_7, %get3A_1, %dot_general3A {dimension_numbers = #tpu.dot_dimension_numbers<[1], [0], [0], [1], [0, 0, 1, 1], [], []>, transpose_lhs_hint = false} : vector<512x16xf32>, vector<16x256xf32>, vector<512x256xf32> -> vector<512x256xf32>
    %mul3A = arith.mulf %dot_general3A_8, %dot_general3A_8 : vector<512x256xf32>
    %get3A_9 = arith.constant 0 : index
    %get3A_10 = arith.constant 1 : index
    %get3A_11 = arith.constant 0 : index
    %get3A_12 = arith.constant 0 : index
    %get3A_13 = vector.load %arg2[%get3A_9, %get3A_10, %get3A_11, %get3A_12] : memref<1x20x512x16xf32, #tpu.memory_space<vmem>>, vector<1x1x512x16xf32>
    %get3A_14 = vector.shape_cast %get3A_13 : vector<1x1x512x16xf32> to vector<512x16xf32>
    %dot_general3A_15 = arith.constant dense<0.000000e+00> : vector<512x256xf32>
    %dot_general3A_16 = tpu.matmul %get3A_14, %get3A_1, %dot_general3A_15 {dimension_numbers = #tpu.dot_dimension_numbers<[1], [0], [0], [1], [0, 0, 1, 1], [], []>, transpose_lhs_hint = false} : vector<512x16xf32>, vector<16x256xf32>, vector<512x256xf32> -> vector<512x256xf32>
    %max3A = arith.maximumf %dot_general3A_8, %dot_general3A_16 : vector<512x256xf32>
    %add3A = arith.addf %dot_general3A_8, %dot_general3A_16 : vector<512x256xf32>
    %mul3A_17 = arith.mulf %dot_general3A_16, %dot_general3A_16 : vector<512x256xf32>
    %add3A_18 = arith.addf %mul3A, %mul3A_17 : vector<512x256xf32>
    %get3A_19 = arith.constant 0 : index
    %get3A_20 = arith.constant 2 : index
    %get3A_21 = arith.constant 0 : index
    %get3A_22 = arith.constant 0 : index
    %get3A_23 = vector.load %arg2[%get3A_19, %get3A_20, %get3A_21, %get3A_22] : memref<1x20x512x16xf32, #tpu.memory_space<vmem>>, vector<1x1x512x16xf32>
    %get3A_24 = vector.shape_cast %get3A_23 : vector<1x1x512x16xf32> to vector<512x16xf32>
    %dot_general3A_25 = arith.constant dense<0.000000e+00> : vector<512x256xf32>
    %dot_general3A_26 = tpu.matmul %get3A_24, %get3A_1, %dot_general3A_25 {dimension_numbers = #tpu.dot_dimension_numbers<[1], [0], [0], [1], [0, 0, 1, 1], [], []>, transpose_lhs_hint = false} : vector<512x16xf32>, vector<16x256xf32>, vector<512x256xf32> -> vector<512x256xf32>
    %max3A_27 = arith.maximumf %max3A, %dot_general3A_26 : vector<512x256xf32>
    %add3A_28 = arith.addf %add3A, %dot_general3A_26 : vector<512x256xf32>
    %mul3A_29 = arith.mulf %dot_general3A_26, %dot_general3A_26 : vector<512x256xf32>
    %add3A_30 = arith.addf %add3A_18, %mul3A_29 : vector<512x256xf32>
    %get3A_31 = arith.constant 0 : index
    %get3A_32 = arith.constant 3 : index
    %get3A_33 = arith.constant 0 : index
    %get3A_34 = arith.constant 0 : index
    %get3A_35 = vector.load %arg2[%get3A_31, %get3A_32, %get3A_33, %get3A_34] : memref<1x20x512x16xf32, #tpu.memory_space<vmem>>, vector<1x1x512x16xf32>
    %get3A_36 = vector.shape_cast %get3A_35 : vector<1x1x512x16xf32> to vector<512x16xf32>
    %dot_general3A_37 = arith.constant dense<0.000000e+00> : vector<512x256xf32>
    %dot_general3A_38 = tpu.matmul %get3A_36, %get3A_1, %dot_general3A_37 {dimension_numbers = #tpu.dot_dimension_numbers<[1], [0], [0], [1], [0, 0, 1, 1], [], []>, transpose_lhs_hint = false} : vector<512x16xf32>, vector<16x256xf32>, vector<512x256xf32> -> vector<512x256xf32>
    %max3A_39 = arith.maximumf %max3A_27, %dot_general3A_38 : vector<512x256xf32>
    %add3A_40 = arith.addf %add3A_28, %dot_general3A_38 : vector<512x256xf32>
    %mul3A_41 = arith.mulf %dot_general3A_38, %dot_general3A_38 : vector<512x256xf32>
    %add3A_42 = arith.addf %add3A_30, %mul3A_41 : vector<512x256xf32>
    %get3A_43 = arith.constant 0 : index
    %get3A_44 = arith.constant 4 : index
    %get3A_45 = arith.constant 0 : index
    %get3A_46 = arith.constant 0 : index
    %get3A_47 = vector.load %arg2[%get3A_43, %get3A_44, %get3A_45, %get3A_46] : memref<1x20x512x16xf32, #tpu.memory_space<vmem>>, vector<1x1x512x16xf32>
    %get3A_48 = vector.shape_cast %get3A_47 : vector<1x1x512x16xf32> to vector<512x16xf32>
    %dot_general3A_49 = arith.constant dense<0.000000e+00> : vector<512x256xf32>
    %dot_general3A_50 = tpu.matmul %get3A_48, %get3A_1, %dot_general3A_49 {dimension_numbers = #tpu.dot_dimension_numbers<[1], [0], [0], [1], [0, 0, 1, 1], [], []>, transpose_lhs_hint = false} : vector<512x16xf32>, vector<16x256xf32>, vector<512x256xf32> -> vector<512x256xf32>
    %max3A_51 = arith.maximumf %max3A_39, %dot_general3A_50 : vector<512x256xf32>
    %add3A_52 = arith.addf %add3A_40, %dot_general3A_50 : vector<512x256xf32>
    %mul3A_53 = arith.mulf %dot_general3A_50, %dot_general3A_50 : vector<512x256xf32>
    %add3A_54 = arith.addf %add3A_42, %mul3A_53 : vector<512x256xf32>
    %get3A_55 = arith.constant 0 : index
    %get3A_56 = arith.constant 5 : index
    %get3A_57 = arith.constant 0 : index
    %get3A_58 = arith.constant 0 : index
    %get3A_59 = vector.load %arg2[%get3A_55, %get3A_56, %get3A_57, %get3A_58] : memref<1x20x512x16xf32, #tpu.memory_space<vmem>>, vector<1x1x512x16xf32>
    %get3A_60 = vector.shape_cast %get3A_59 : vector<1x1x512x16xf32> to vector<512x16xf32>
    %dot_general3A_61 = arith.constant dense<0.000000e+00> : vector<512x256xf32>
    %dot_general3A_62 = tpu.matmul %get3A_60, %get3A_1, %dot_general3A_61 {dimension_numbers = #tpu.dot_dimension_numbers<[1], [0], [0], [1], [0, 0, 1, 1], [], []>, transpose_lhs_hint = false} : vector<512x16xf32>, vector<16x256xf32>, vector<512x256xf32> -> vector<512x256xf32>
    %max3A_63 = arith.maximumf %max3A_51, %dot_general3A_62 : vector<512x256xf32>
    %add3A_64 = arith.addf %add3A_52, %dot_general3A_62 : vector<512x256xf32>
    %mul3A_65 = arith.mulf %dot_general3A_62, %dot_general3A_62 : vector<512x256xf32>
    %add3A_66 = arith.addf %add3A_54, %mul3A_65 : vector<512x256xf32>
    %get3A_67 = arith.constant 0 : index
    %get3A_68 = arith.constant 6 : index
    %get3A_69 = arith.constant 0 : index
    %get3A_70 = arith.constant 0 : index
    %get3A_71 = vector.load %arg2[%get3A_67, %get3A_68, %get3A_69, %get3A_70] : memref<1x20x512x16xf32, #tpu.memory_space<vmem>>, vector<1x1x512x16xf32>
    %get3A_72 = vector.shape_cast %get3A_71 : vector<1x1x512x16xf32> to vector<512x16xf32>
    %dot_general3A_73 = arith.constant dense<0.000000e+00> : vector<512x256xf32>
    %dot_general3A_74 = tpu.matmul %get3A_72, %get3A_1, %dot_general3A_73 {dimension_numbers = #tpu.dot_dimension_numbers<[1], [0], [0], [1], [0, 0, 1, 1], [], []>, transpose_lhs_hint = false} : vector<512x16xf32>, vector<16x256xf32>, vector<512x256xf32> -> vector<512x256xf32>
    %max3A_75 = arith.maximumf %max3A_63, %dot_general3A_74 : vector<512x256xf32>
    %add3A_76 = arith.addf %add3A_64, %dot_general3A_74 : vector<512x256xf32>
    %mul3A_77 = arith.mulf %dot_general3A_74, %dot_general3A_74 : vector<512x256xf32>
    %add3A_78 = arith.addf %add3A_66, %mul3A_77 : vector<512x256xf32>
    %get3A_79 = arith.constant 0 : index
    %get3A_80 = arith.constant 7 : index
    %get3A_81 = arith.constant 0 : index
    %get3A_82 = arith.constant 0 : index
    %get3A_83 = vector.load %arg2[%get3A_79, %get3A_80, %get3A_81, %get3A_82] : memref<1x20x512x16xf32, #tpu.memory_space<vmem>>, vector<1x1x512x16xf32>
    %get3A_84 = vector.shape_cast %get3A_83 : vector<1x1x512x16xf32> to vector<512x16xf32>
    %dot_general3A_85 = arith.constant dense<0.000000e+00> : vector<512x256xf32>
    %dot_general3A_86 = tpu.matmul %get3A_84, %get3A_1, %dot_general3A_85 {dimension_numbers = #tpu.dot_dimension_numbers<[1], [0], [0], [1], [0, 0, 1, 1], [], []>, transpose_lhs_hint = false} : vector<512x16xf32>, vector<16x256xf32>, vector<512x256xf32> -> vector<512x256xf32>
    %max3A_87 = arith.maximumf %max3A_75, %dot_general3A_86 : vector<512x256xf32>
    %add3A_88 = arith.addf %add3A_76, %dot_general3A_86 : vector<512x256xf32>
    %mul3A_89 = arith.mulf %dot_general3A_86, %dot_general3A_86 : vector<512x256xf32>
    %add3A_90 = arith.addf %add3A_78, %mul3A_89 : vector<512x256xf32>
    %get3A_91 = arith.constant 0 : index
    %get3A_92 = arith.constant 8 : index
    %get3A_93 = arith.constant 0 : index
    %get3A_94 = arith.constant 0 : index
    %get3A_95 = vector.load %arg2[%get3A_91, %get3A_92, %get3A_93, %get3A_94] : memref<1x20x512x16xf32, #tpu.memory_space<vmem>>, vector<1x1x512x16xf32>
    %get3A_96 = vector.shape_cast %get3A_95 : vector<1x1x512x16xf32> to vector<512x16xf32>
    %dot_general3A_97 = arith.constant dense<0.000000e+00> : vector<512x256xf32>
    %dot_general3A_98 = tpu.matmul %get3A_96, %get3A_1, %dot_general3A_97 {dimension_numbers = #tpu.dot_dimension_numbers<[1], [0], [0], [1], [0, 0, 1, 1], [], []>, transpose_lhs_hint = false} : vector<512x16xf32>, vector<16x256xf32>, vector<512x256xf32> -> vector<512x256xf32>
    %max3A_99 = arith.maximumf %max3A_87, %dot_general3A_98 : vector<512x256xf32>
    %add3A_100 = arith.addf %add3A_88, %dot_general3A_98 : vector<512x256xf32>
    %mul3A_101 = arith.mulf %dot_general3A_98, %dot_general3A_98 : vector<512x256xf32>
    %add3A_102 = arith.addf %add3A_90, %mul3A_101 : vector<512x256xf32>
    %get3A_103 = arith.constant 0 : index
    %get3A_104 = arith.constant 9 : index
    %get3A_105 = arith.constant 0 : index
    %get3A_106 = arith.constant 0 : index
    %get3A_107 = vector.load %arg2[%get3A_103, %get3A_104, %get3A_105, %get3A_106] : memref<1x20x512x16xf32, #tpu.memory_space<vmem>>, vector<1x1x512x16xf32>
    %get3A_108 = vector.shape_cast %get3A_107 : vector<1x1x512x16xf32> to vector<512x16xf32>
    %dot_general3A_109 = arith.constant dense<0.000000e+00> : vector<512x256xf32>
    %dot_general3A_110 = tpu.matmul %get3A_108, %get3A_1, %dot_general3A_109 {dimension_numbers = #tpu.dot_dimension_numbers<[1], [0], [0], [1], [0, 0, 1, 1], [], []>, transpose_lhs_hint = false} : vector<512x16xf32>, vector<16x256xf32>, vector<512x256xf32> -> vector<512x256xf32>
    %max3A_111 = arith.maximumf %max3A_99, %dot_general3A_110 : vector<512x256xf32>
    %add3A_112 = arith.addf %add3A_100, %dot_general3A_110 : vector<512x256xf32>
    %mul3A_113 = arith.mulf %dot_general3A_110, %dot_general3A_110 : vector<512x256xf32>
    %add3A_114 = arith.addf %add3A_102, %mul3A_113 : vector<512x256xf32>
    %get3A_115 = arith.constant 0 : index
    %get3A_116 = arith.constant 10 : index
    %get3A_117 = arith.constant 0 : index
    %get3A_118 = arith.constant 0 : index
    %get3A_119 = vector.load %arg2[%get3A_115, %get3A_116, %get3A_117, %get3A_118] : memref<1x20x512x16xf32, #tpu.memory_space<vmem>>, vector<1x1x512x16xf32>
    %get3A_120 = vector.shape_cast %get3A_119 : vector<1x1x512x16xf32> to vector<512x16xf32>
    %dot_general3A_121 = arith.constant dense<0.000000e+00> : vector<512x256xf32>
    %dot_general3A_122 = tpu.matmul %get3A_120, %get3A_1, %dot_general3A_121 {dimension_numbers = #tpu.dot_dimension_numbers<[1], [0], [0], [1], [0, 0, 1, 1], [], []>, transpose_lhs_hint = false} : vector<512x16xf32>, vector<16x256xf32>, vector<512x256xf32> -> vector<512x256xf32>
    %max3A_123 = arith.maximumf %max3A_111, %dot_general3A_122 : vector<512x256xf32>
    %add3A_124 = arith.addf %add3A_112, %dot_general3A_122 : vector<512x256xf32>
    %mul3A_125 = arith.mulf %dot_general3A_122, %dot_general3A_122 : vector<512x256xf32>
    %add3A_126 = arith.addf %add3A_114, %mul3A_125 : vector<512x256xf32>
    %get3A_127 = arith.constant 0 : index
    %get3A_128 = arith.constant 11 : index
    %get3A_129 = arith.constant 0 : index
    %get3A_130 = arith.constant 0 : index
    %get3A_131 = vector.load %arg2[%get3A_127, %get3A_128, %get3A_129, %get3A_130] : memref<1x20x512x16xf32, #tpu.memory_space<vmem>>, vector<1x1x512x16xf32>
    %get3A_132 = vector.shape_cast %get3A_131 : vector<1x1x512x16xf32> to vector<512x16xf32>
    %dot_general3A_133 = arith.constant dense<0.000000e+00> : vector<512x256xf32>
    %dot_general3A_134 = tpu.matmul %get3A_132, %get3A_1, %dot_general3A_133 {dimension_numbers = #tpu.dot_dimension_numbers<[1], [0], [0], [1], [0, 0, 1, 1], [], []>, transpose_lhs_hint = false} : vector<512x16xf32>, vector<16x256xf32>, vector<512x256xf32> -> vector<512x256xf32>
    %max3A_135 = arith.maximumf %max3A_123, %dot_general3A_134 : vector<512x256xf32>
    %add3A_136 = arith.addf %add3A_124, %dot_general3A_134 : vector<512x256xf32>
    %mul3A_137 = arith.mulf %dot_general3A_134, %dot_general3A_134 : vector<512x256xf32>
    %add3A_138 = arith.addf %add3A_126, %mul3A_137 : vector<512x256xf32>
    %get3A_139 = arith.constant 0 : index
    %get3A_140 = arith.constant 12 : index
    %get3A_141 = arith.constant 0 : index
    %get3A_142 = arith.constant 0 : index
    %get3A_143 = vector.load %arg2[%get3A_139, %get3A_140, %get3A_141, %get3A_142] : memref<1x20x512x16xf32, #tpu.memory_space<vmem>>, vector<1x1x512x16xf32>
    %get3A_144 = vector.shape_cast %get3A_143 : vector<1x1x512x16xf32> to vector<512x16xf32>
    %dot_general3A_145 = arith.constant dense<0.000000e+00> : vector<512x256xf32>
    %dot_general3A_146 = tpu.matmul %get3A_144, %get3A_1, %dot_general3A_145 {dimension_numbers = #tpu.dot_dimension_numbers<[1], [0], [0], [1], [0, 0, 1, 1], [], []>, transpose_lhs_hint = false} : vector<512x16xf32>, vector<16x256xf32>, vector<512x256xf32> -> vector<512x256xf32>
    %max3A_147 = arith.maximumf %max3A_135, %dot_general3A_146 : vector<512x256xf32>
    %add3A_148 = arith.addf %add3A_136, %dot_general3A_146 : vector<512x256xf32>
    %mul3A_149 = arith.mulf %dot_general3A_146, %dot_general3A_146 : vector<512x256xf32>
    %add3A_150 = arith.addf %add3A_138, %mul3A_149 : vector<512x256xf32>
    %get3A_151 = arith.constant 0 : index
    %get3A_152 = arith.constant 13 : index
    %get3A_153 = arith.constant 0 : index
    %get3A_154 = arith.constant 0 : index
    %get3A_155 = vector.load %arg2[%get3A_151, %get3A_152, %get3A_153, %get3A_154] : memref<1x20x512x16xf32, #tpu.memory_space<vmem>>, vector<1x1x512x16xf32>
    %get3A_156 = vector.shape_cast %get3A_155 : vector<1x1x512x16xf32> to vector<512x16xf32>
    %dot_general3A_157 = arith.constant dense<0.000000e+00> : vector<512x256xf32>
    %dot_general3A_158 = tpu.matmul %get3A_156, %get3A_1, %dot_general3A_157 {dimension_numbers = #tpu.dot_dimension_numbers<[1], [0], [0], [1], [0, 0, 1, 1], [], []>, transpose_lhs_hint = false} : vector<512x16xf32>, vector<16x256xf32>, vector<512x256xf32> -> vector<512x256xf32>
    %max3A_159 = arith.maximumf %max3A_147, %dot_general3A_158 : vector<512x256xf32>
    %add3A_160 = arith.addf %add3A_148, %dot_general3A_158 : vector<512x256xf32>
    %mul3A_161 = arith.mulf %dot_general3A_158, %dot_general3A_158 : vector<512x256xf32>
    %add3A_162 = arith.addf %add3A_150, %mul3A_161 : vector<512x256xf32>
    %get3A_163 = arith.constant 0 : index
    %get3A_164 = arith.constant 14 : index
    %get3A_165 = arith.constant 0 : index
    %get3A_166 = arith.constant 0 : index
    %get3A_167 = vector.load %arg2[%get3A_163, %get3A_164, %get3A_165, %get3A_166] : memref<1x20x512x16xf32, #tpu.memory_space<vmem>>, vector<1x1x512x16xf32>
    %get3A_168 = vector.shape_cast %get3A_167 : vector<1x1x512x16xf32> to vector<512x16xf32>
    %dot_general3A_169 = arith.constant dense<0.000000e+00> : vector<512x256xf32>
    %dot_general3A_170 = tpu.matmul %get3A_168, %get3A_1, %dot_general3A_169 {dimension_numbers = #tpu.dot_dimension_numbers<[1], [0], [0], [1], [0, 0, 1, 1], [], []>, transpose_lhs_hint = false} : vector<512x16xf32>, vector<16x256xf32>, vector<512x256xf32> -> vector<512x256xf32>
    %max3A_171 = arith.maximumf %max3A_159, %dot_general3A_170 : vector<512x256xf32>
    %add3A_172 = arith.addf %add3A_160, %dot_general3A_170 : vector<512x256xf32>
    %mul3A_173 = arith.mulf %dot_general3A_170, %dot_general3A_170 : vector<512x256xf32>
    %add3A_174 = arith.addf %add3A_162, %mul3A_173 : vector<512x256xf32>
    %get3A_175 = arith.constant 0 : index
    %get3A_176 = arith.constant 15 : index
    %get3A_177 = arith.constant 0 : index
    %get3A_178 = arith.constant 0 : index
    %get3A_179 = vector.load %arg2[%get3A_175, %get3A_176, %get3A_177, %get3A_178] : memref<1x20x512x16xf32, #tpu.memory_space<vmem>>, vector<1x1x512x16xf32>
    %get3A_180 = vector.shape_cast %get3A_179 : vector<1x1x512x16xf32> to vector<512x16xf32>
    %dot_general3A_181 = arith.constant dense<0.000000e+00> : vector<512x256xf32>
    %dot_general3A_182 = tpu.matmul %get3A_180, %get3A_1, %dot_general3A_181 {dimension_numbers = #tpu.dot_dimension_numbers<[1], [0], [0], [1], [0, 0, 1, 1], [], []>, transpose_lhs_hint = false} : vector<512x16xf32>, vector<16x256xf32>, vector<512x256xf32> -> vector<512x256xf32>
    %max3A_183 = arith.maximumf %max3A_171, %dot_general3A_182 : vector<512x256xf32>
    %add3A_184 = arith.addf %add3A_172, %dot_general3A_182 : vector<512x256xf32>
    %mul3A_185 = arith.mulf %dot_general3A_182, %dot_general3A_182 : vector<512x256xf32>
    %add3A_186 = arith.addf %add3A_174, %mul3A_185 : vector<512x256xf32>
    %get3A_187 = arith.constant 0 : index
    %get3A_188 = arith.constant 16 : index
    %get3A_189 = arith.constant 0 : index
    %get3A_190 = arith.constant 0 : index
    %get3A_191 = vector.load %arg2[%get3A_187, %get3A_188, %get3A_189, %get3A_190] : memref<1x20x512x16xf32, #tpu.memory_space<vmem>>, vector<1x1x512x16xf32>
    %get3A_192 = vector.shape_cast %get3A_191 : vector<1x1x512x16xf32> to vector<512x16xf32>
    %dot_general3A_193 = arith.constant dense<0.000000e+00> : vector<512x256xf32>
    %dot_general3A_194 = tpu.matmul %get3A_192, %get3A_1, %dot_general3A_193 {dimension_numbers = #tpu.dot_dimension_numbers<[1], [0], [0], [1], [0, 0, 1, 1], [], []>, transpose_lhs_hint = false} : vector<512x16xf32>, vector<16x256xf32>, vector<512x256xf32> -> vector<512x256xf32>
    %max3A_195 = arith.maximumf %max3A_183, %dot_general3A_194 : vector<512x256xf32>
    %add3A_196 = arith.addf %add3A_184, %dot_general3A_194 : vector<512x256xf32>
    %mul3A_197 = arith.mulf %dot_general3A_194, %dot_general3A_194 : vector<512x256xf32>
    %add3A_198 = arith.addf %add3A_186, %mul3A_197 : vector<512x256xf32>
    %get3A_199 = arith.constant 0 : index
    %get3A_200 = arith.constant 17 : index
    %get3A_201 = arith.constant 0 : index
    %get3A_202 = arith.constant 0 : index
    %get3A_203 = vector.load %arg2[%get3A_199, %get3A_200, %get3A_201, %get3A_202] : memref<1x20x512x16xf32, #tpu.memory_space<vmem>>, vector<1x1x512x16xf32>
    %get3A_204 = vector.shape_cast %get3A_203 : vector<1x1x512x16xf32> to vector<512x16xf32>
    %dot_general3A_205 = arith.constant dense<0.000000e+00> : vector<512x256xf32>
    %dot_general3A_206 = tpu.matmul %get3A_204, %get3A_1, %dot_general3A_205 {dimension_numbers = #tpu.dot_dimension_numbers<[1], [0], [0], [1], [0, 0, 1, 1], [], []>, transpose_lhs_hint = false} : vector<512x16xf32>, vector<16x256xf32>, vector<512x256xf32> -> vector<512x256xf32>
    %max3A_207 = arith.maximumf %max3A_195, %dot_general3A_206 : vector<512x256xf32>
    %add3A_208 = arith.addf %add3A_196, %dot_general3A_206 : vector<512x256xf32>
    %mul3A_209 = arith.mulf %dot_general3A_206, %dot_general3A_206 : vector<512x256xf32>
    %add3A_210 = arith.addf %add3A_198, %mul3A_209 : vector<512x256xf32>
    %get3A_211 = arith.constant 0 : index
    %get3A_212 = arith.constant 18 : index
    %get3A_213 = arith.constant 0 : index
    %get3A_214 = arith.constant 0 : index
    %get3A_215 = vector.load %arg2[%get3A_211, %get3A_212, %get3A_213, %get3A_214] : memref<1x20x512x16xf32, #tpu.memory_space<vmem>>, vector<1x1x512x16xf32>
    %get3A_216 = vector.shape_cast %get3A_215 : vector<1x1x512x16xf32> to vector<512x16xf32>
    %dot_general3A_217 = arith.constant dense<0.000000e+00> : vector<512x256xf32>
    %dot_general3A_218 = tpu.matmul %get3A_216, %get3A_1, %dot_general3A_217 {dimension_numbers = #tpu.dot_dimension_numbers<[1], [0], [0], [1], [0, 0, 1, 1], [], []>, transpose_lhs_hint = false} : vector<512x16xf32>, vector<16x256xf32>, vector<512x256xf32> -> vector<512x256xf32>
    %max3A_219 = arith.maximumf %max3A_207, %dot_general3A_218 : vector<512x256xf32>
    %add3A_220 = arith.addf %add3A_208, %dot_general3A_218 : vector<512x256xf32>
    %mul3A_221 = arith.mulf %dot_general3A_218, %dot_general3A_218 : vector<512x256xf32>
    %add3A_222 = arith.addf %add3A_210, %mul3A_221 : vector<512x256xf32>
    %get3A_223 = arith.constant 0 : index
    %get3A_224 = arith.constant 19 : index
    %get3A_225 = arith.constant 0 : index
    %get3A_226 = arith.constant 0 : index
    %get3A_227 = vector.load %arg2[%get3A_223, %get3A_224, %get3A_225, %get3A_226] : memref<1x20x512x16xf32, #tpu.memory_space<vmem>>, vector<1x1x512x16xf32>
    %get3A_228 = vector.shape_cast %get3A_227 : vector<1x1x512x16xf32> to vector<512x16xf32>
    %dot_general3A_229 = arith.constant dense<0.000000e+00> : vector<512x256xf32>
    %dot_general3A_230 = tpu.matmul %get3A_228, %get3A_1, %dot_general3A_229 {dimension_numbers = #tpu.dot_dimension_numbers<[1], [0], [0], [1], [0, 0, 1, 1], [], []>, transpose_lhs_hint = false} : vector<512x16xf32>, vector<16x256xf32>, vector<512x256xf32> -> vector<512x256xf32>
    %max3A_231 = arith.maximumf %max3A_219, %dot_general3A_230 : vector<512x256xf32>
    %add3A_232 = arith.addf %add3A_220, %dot_general3A_230 : vector<512x256xf32>
    %mul3A_233 = arith.mulf %dot_general3A_230, %dot_general3A_230 : vector<512x256xf32>
    %add3A_234 = arith.addf %add3A_222, %mul3A_233 : vector<512x256xf32>
    %get3A_235 = arith.constant 0 : index
    %get3A_236 = arith.constant 0 : index
    %get3A_237 = vector.load %arg6[%get3A_235, %get3A_236] : memref<1x256xf32, #tpu.memory_space<vmem>>, vector<1x256xf32>
    %add3A_238 = vector.broadcast %get3A_237 : vector<1x256xf32> to vector<512x256xf32>
    %add3A_239 = arith.addf %max3A_231, %add3A_238 : vector<512x256xf32>
    %mul3A_240 = arith.constant 2.000000e+01 : f32
    %mul3A_241 = vector.broadcast %mul3A_240 : f32 to vector<1x256xf32>
    %mul3A_242 = arith.mulf %mul3A_241, %get3A_237 : vector<1x256xf32>
    %add3A_243 = vector.broadcast %mul3A_242 : vector<1x256xf32> to vector<512x256xf32>
    %add3A_244 = arith.addf %add3A_232, %add3A_243 : vector<512x256xf32>
    %mul3A_245 = arith.constant 2.000000e+00 : f32
    %mul3A_246 = vector.broadcast %mul3A_245 : f32 to vector<1x256xf32>
    %mul3A_247 = arith.mulf %mul3A_246, %get3A_237 : vector<1x256xf32>
    %mul3A_248 = vector.broadcast %mul3A_247 : vector<1x256xf32> to vector<512x256xf32>
    %mul3A_249 = arith.mulf %mul3A_248, %add3A_232 : vector<512x256xf32>
    %add3A_250 = arith.addf %add3A_234, %mul3A_249 : vector<512x256xf32>
    %mul3A_251 = arith.constant 2.000000e+01 : f32
    %mul3A_252 = vector.broadcast %mul3A_251 : f32 to vector<1x256xf32>
    %mul3A_253 = arith.mulf %mul3A_252, %get3A_237 : vector<1x256xf32>
    %mul3A_254 = arith.mulf %mul3A_253, %get3A_237 : vector<1x256xf32>
    %add3A_255 = vector.broadcast %mul3A_254 : vector<1x256xf32> to vector<512x256xf32>
    %add3A_256 = arith.addf %add3A_250, %add3A_255 : vector<512x256xf32>
    %get3A_257 = arith.constant 0 : index
    %get3A_258 = arith.constant 0 : index
    %get3A_259 = arith.constant 0 : index
    %get3A_260 = vector.load %arg3[%get3A_257, %get3A_258, %get3A_259] : memref<1x8x512xf32, #tpu.memory_space<vmem>>, vector<1x8x512xf32>
    %get3A_261 = vector.shape_cast %get3A_260 : vector<1x8x512xf32> to vector<8x512xf32>
    %get3A_262 = arith.constant 0 : index
    %get3A_263 = arith.constant 0 : index
    %get3A_264 = vector.load %arg5[%get3A_262, %get3A_263] : memref<8x256xf32, #tpu.memory_space<vmem>>, vector<8x256xf32>
    %dot_general3A_265 = arith.constant dense<0.000000e+00> : vector<512x256xf32>
    %dot_general3A_266 = tpu.matmul %get3A_261, %get3A_264, %dot_general3A_265 {dimension_numbers = #tpu.dot_dimension_numbers<[0], [0], [1], [1], [0, 1, 1, 1], [], []>, transpose_lhs_hint = false} : vector<8x512xf32>, vector<8x256xf32>, vector<512x256xf32> -> vector<512x256xf32>
    %get3A_267 = arith.constant 0 : index
    %get3A_268 = arith.constant 0 : index
    %get3A_269 = vector.load %arg7[%get3A_267, %get3A_268] : memref<1x256xf32, #tpu.memory_space<vmem>>, vector<1x256xf32>
    %add3A_270 = vector.broadcast %get3A_269 : vector<1x256xf32> to vector<512x256xf32>
    %add3A_271 = arith.addf %dot_general3A_266, %add3A_270 : vector<512x256xf32>
    %add3A_272 = arith.addf %add3A_239, %add3A_271 : vector<512x256xf32>
    %swap3A = arith.constant 0 : index
    %swap3A_273 = arith.constant 0 : index
    %swap3A_274 = arith.constant 0 : index
    %swap3A_275 = vector.load %arg8[%swap3A, %swap3A_273, %swap3A_274] : memref<1x512x256xf32, #tpu.memory_space<vmem>>, vector<1x512x256xf32>
    %swap3A_276 = vector.shape_cast %swap3A_275 : vector<1x512x256xf32> to vector<512x256xf32>
    %swap3A_277 = vector.shape_cast %add3A_272 : vector<512x256xf32> to vector<1x512x256xf32>
    tpu.vector_store %arg8[%swap3A, %swap3A_273, %swap3A_274], %swap3A_277 {strides = array<i32>} : memref<1x512x256xf32, #tpu.memory_space<vmem>>, vector<1x512x256xf32>,
    %mul3A_278 = arith.constant 2.000000e+01 : f32
    %mul3A_279 = vector.broadcast %mul3A_278 : f32 to vector<512x256xf32>
    %mul3A_280 = arith.mulf %mul3A_279, %add3A_271 : vector<512x256xf32>
    %add3A_281 = arith.addf %add3A_244, %mul3A_280 : vector<512x256xf32>
    %mul3A_282 = arith.constant 2.000000e+00 : f32
    %mul3A_283 = vector.broadcast %mul3A_282 : f32 to vector<512x256xf32>
    %mul3A_284 = arith.mulf %mul3A_283, %add3A_244 : vector<512x256xf32>
    %mul3A_285 = arith.mulf %mul3A_284, %add3A_271 : vector<512x256xf32>
    %add3A_286 = arith.addf %add3A_256, %mul3A_285 : vector<512x256xf32>
    %mul3A_287 = arith.constant 2.000000e+01 : f32
    %mul3A_288 = vector.broadcast %mul3A_287 : f32 to vector<512x256xf32>
    %mul3A_289 = arith.mulf %mul3A_288, %add3A_271 : vector<512x256xf32>
    %mul3A_290 = arith.mulf %mul3A_289, %add3A_271 : vector<512x256xf32>
    %add3A_291 = arith.addf %add3A_286, %mul3A_290 : vector<512x256xf32>
    %reduce_sum3A = arith.constant dense<0.000000e+00> : vector<256xf32>
    %reduce_sum3A_292 = vector.multi_reduction <add>, %add3A_281, %reduce_sum3A [0] : vector<512x256xf32> to vector<256xf32>
    %broadcast_in_dim3A = vector.shape_cast %reduce_sum3A_292 : vector<256xf32> to vector<1x256xf32>
    %swap3A_293 = arith.constant 0 : index
    %swap3A_294 = arith.constant 0 : index
    %swap3A_295 = arith.constant 0 : index
    %swap3A_296 = arith.constant 0 : index
    %swap3A_297 = vector.load %arg9[%swap3A_293, %swap3A_294, %swap3A_295, %swap3A_296] : memref<1x1x2x256xf32, #tpu.memory_space<vmem>>, vector<1x1x1x256xf32>
    %swap3A_298 = vector.shape_cast %swap3A_297 : vector<1x1x1x256xf32> to vector<1x256xf32>
    %swap3A_299 = vector.shape_cast %broadcast_in_dim3A : vector<1x256xf32> to vector<1x1x1x256xf32>
    tpu.vector_store %arg9[%swap3A_293, %swap3A_294, %swap3A_295, %swap3A_296], %swap3A_299 {strides = array<i32>} : memref<1x1x2x256xf32, #tpu.memory_space<vmem>>, vector<1x1x1x256xf32>,
    %reduce_sum3A_300 = arith.constant dense<0.000000e+00> : vector<256xf32>
    %reduce_sum3A_301 = vector.multi_reduction <add>, %add3A_291, %reduce_sum3A_300 [0] : vector<512x256xf32> to vector<256xf32>
    %broadcast_in_dim3A_302 = vector.shape_cast %reduce_sum3A_301 : vector<256xf32> to vector<1x256xf32>
    %swap3A_303 = arith.constant 0 : index
    %swap3A_304 = arith.constant 0 : index
    %swap3A_305 = arith.constant 1 : index
    %swap3A_306 = arith.constant 0 : index
    %swap3A_307 = vector.load %arg9[%swap3A_303, %swap3A_304, %swap3A_305, %swap3A_306] : memref<1x1x2x256xf32, #tpu.memory_space<vmem>>, vector<1x1x1x256xf32>
    %swap3A_308 = vector.shape_cast %swap3A_307 : vector<1x1x1x256xf32> to vector<1x256xf32>
    %swap3A_309 = vector.shape_cast %broadcast_in_dim3A_302 : vector<1x256xf32> to vector<1x1x1x256xf32>
    tpu.vector_store %arg9[%swap3A_303, %swap3A_304, %swap3A_305, %swap3A_306], %swap3A_309 {strides = array<i32>} : memref<1x1x2x256xf32, #tpu.memory_space<vmem>>, vector<1x1x1x256xf32>,
    return
  }
  func.func @transform_0(%arg0: i32, %arg1: i32) -> (i32, i32, i32, i32) {
    %c0_i32 = arith.constant 0 : i32
    %c0_i32_0 = arith.constant 0 : i32
    %c0_i32_1 = arith.constant 0 : i32
    return %arg0, %c0_i32, %arg1, %c0_i32_0 : i32, i32, i32, i32
  }
  func.func @transform_1(%arg0: i32, %arg1: i32) -> (i32, i32, i32) {
    %c0_i32 = arith.constant 0 : i32
    %c0_i32_0 = arith.constant 0 : i32
    return %arg0, %c0_i32, %arg1 : i32, i32, i32
  }
  func.func @transform_2(%arg0: i32, %arg1: i32) -> (i32, i32) {
    %c0_i32 = arith.constant 0 : i32
    %c0_i32_0 = arith.constant 0 : i32
    %c0_i32_1 = arith.constant 0 : i32
    return %c0_i32, %c0_i32_0 : i32, i32
  }
  func.func @transform_3(%arg0: i32, %arg1: i32) -> (i32, i32) {
    %c0_i32 = arith.constant 0 : i32
    %c0_i32_0 = arith.constant 0 : i32
    %c0_i32_1 = arith.constant 0 : i32
    return %c0_i32, %c0_i32_0 : i32, i32
  }
  func.func @transform_4(%arg0: i32, %arg1: i32) -> (i32, i32) {
    %c0_i32 = arith.constant 0 : i32
    %c0_i32_0 = arith.constant 0 : i32
    %c0_i32_1 = arith.constant 0 : i32
    return %c0_i32, %c0_i32_0 : i32, i32
  }
  func.func @transform_5(%arg0: i32, %arg1: i32) -> (i32, i32) {
    %c0_i32 = arith.constant 0 : i32
    %c0_i32_0 = arith.constant 0 : i32
    %c0_i32_1 = arith.constant 0 : i32
    return %c0_i32, %c0_i32_0 : i32, i32
  }
  func.func @transform_6(%arg0: i32, %arg1: i32) -> (i32, i32, i32) {
    %c0_i32 = arith.constant 0 : i32
    %c0_i32_0 = arith.constant 0 : i32
    return %arg0, %arg1, %c0_i32 : i32, i32, i32
  }
  func.func @transform_7(%arg0: i32, %arg1: i32) -> (i32, i32, i32, i32) {
    %c0_i32 = arith.constant 0 : i32
    %c0_i32_0 = arith.constant 0 : i32
    %c0_i32_1 = arith.constant 0 : i32
    return %arg0, %arg1, %c0_i32, %c0_i32_0 : i32, i32, i32, i32
  }
}

module attributes {stable_mosaic.version = 14 : i64} {
  func.func @_out_body(%arg0: i32, %arg1: i32, %arg2: memref<1x512x256xf32, #tpu.memory_space<vmem>>, %arg3: memref<1x4x2x256xf32, #tpu.memory_space<vmem>>, %arg4: memref<256x256xf32, #tpu.memory_space<vmem>>, %arg5: memref<1x256xf32, #tpu.memory_space<vmem>>, %arg6: memref<1x256xf32, #tpu.memory_space<vmem>>, %arg7: memref<256x256xf32, #tpu.memory_space<vmem>>, %arg8: memref<1x256xf32, #tpu.memory_space<vmem>>, %arg9: memref<1x256x512xf32, #tpu.memory_space<vmem>>) attributes {dimension_semantics = [#tpu.dimension_semantics<arbitrary>, #tpu.dimension_semantics<arbitrary>], iteration_bounds = array<i64: 4, 4>, scalar_prefetch = 0 : i64, scratch_operands = 0 : i64, tpu.core_type = #tpu.core_type<tc>, window_params = [{transform_indices = @transform_0, window_bounds = array<i64: 1, 512, 256>}, {transform_indices = @transform_1, window_bounds = array<i64: 1, 4, 2, 256>}, {pipeline_mode = #tpu.pipeline_mode<synchronous>, transform_indices = @transform_2, window_bounds = array<i64: 256, 256>}, {pipeline_mode = #tpu.pipeline_mode<synchronous>, transform_indices = @transform_3, window_bounds = array<i64: 1, 256>}, {pipeline_mode = #tpu.pipeline_mode<synchronous>, transform_indices = @transform_4, window_bounds = array<i64: 1, 256>}, {pipeline_mode = #tpu.pipeline_mode<synchronous>, transform_indices = @transform_5, window_bounds = array<i64: 256, 256>}, {pipeline_mode = #tpu.pipeline_mode<synchronous>, transform_indices = @transform_6, window_bounds = array<i64: 1, 256>}, {transform_indices = @transform_7, window_bounds = array<i64: 1, 256, 512>}]} {
    %get3A = arith.constant 0 : index
    %get3A_0 = arith.constant 0 : index
    %get3A_1 = arith.constant 0 : index
    %get3A_2 = arith.constant 0 : index
    %get3A_3 = vector.load %arg3[%get3A, %get3A_0, %get3A_1, %get3A_2] : memref<1x4x2x256xf32, #tpu.memory_space<vmem>>, vector<1x4x2x256xf32>
    %get3A_4 = vector.shape_cast %get3A_3 : vector<1x4x2x256xf32> to vector<4x2x256xf32>
    %reduce_sum3A = arith.constant dense<0.000000e+00> : vector<2x256xf32>
    %reduce_sum3A_5 = vector.multi_reduction <add>, %get3A_4, %reduce_sum3A [0] : vector<4x2x256xf32> to vector<2x256xf32>
    %slice3A = vector.extract_strided_slice %reduce_sum3A_5 {offsets = [0, 0], sizes = [1, 256], strides = [1, 1]} : vector<2x256xf32> to vector<1x256xf32>
    %slice3A_6 = vector.extract_strided_slice %reduce_sum3A_5 {offsets = [1, 0], sizes = [1, 256], strides = [1, 1]} : vector<2x256xf32> to vector<1x256xf32>
    %get3A_7 = arith.constant 0 : index
    %get3A_8 = arith.constant 0 : index
    %get3A_9 = vector.load %arg4[%get3A_7, %get3A_8] : memref<256x256xf32, #tpu.memory_space<vmem>>, vector<256x256xf32>
    %dot_general3A = arith.constant dense<0.000000e+00> : vector<1x256xf32>
    %dot_general3A_10 = tpu.matmul %slice3A, %get3A_9, %dot_general3A {dimension_numbers = #tpu.dot_dimension_numbers<[1], [0], [0], [1], [0, 0, 1, 1], [], []>, transpose_lhs_hint = false} : vector<1x256xf32>, vector<256x256xf32>, vector<1x256xf32> -> vector<1x256xf32>
    %get3A_11 = arith.constant 0 : index
    %get3A_12 = arith.constant 0 : index
    %get3A_13 = vector.load %arg4[%get3A_11, %get3A_12] : memref<256x256xf32, #tpu.memory_space<vmem>>, vector<256x256xf32>
    %dot_general3A_14 = arith.constant dense<0.000000e+00> : vector<1x256xf32>
    %dot_general3A_15 = tpu.matmul %slice3A_6, %get3A_13, %dot_general3A_14 {dimension_numbers = #tpu.dot_dimension_numbers<[1], [0], [0], [1], [0, 0, 1, 1], [], []>, transpose_lhs_hint = false} : vector<1x256xf32>, vector<256x256xf32>, vector<1x256xf32> -> vector<1x256xf32>
    %div3A = arith.constant 2.621440e+06 : f32
    %div3A_16 = vector.broadcast %div3A : f32 to vector<1x256xf32>
    %div3A_17 = arith.divf %dot_general3A_10, %div3A_16 : vector<1x256xf32>
    %div3A_18 = arith.constant 2.621440e+06 : f32
    %div3A_19 = vector.broadcast %div3A_18 : f32 to vector<1x256xf32>
    %div3A_20 = arith.divf %dot_general3A_15, %div3A_19 : vector<1x256xf32>
    %mul3A = arith.mulf %div3A_17, %div3A_17 : vector<1x256xf32>
    %sub3A = arith.subf %div3A_20, %mul3A : vector<1x256xf32>
    %add3A = arith.constant 9.99999974E-6 : f32
    %add3A_21 = vector.broadcast %add3A : f32 to vector<1x256xf32>
    %add3A_22 = arith.addf %sub3A, %add3A_21 : vector<1x256xf32>
    %rsqrt3A = math.rsqrt %add3A_22 : vector<1x256xf32>
    %get3A_23 = arith.constant 0 : index
    %get3A_24 = arith.constant 0 : index
    %get3A_25 = arith.constant 0 : index
    %get3A_26 = vector.load %arg2[%get3A_23, %get3A_24, %get3A_25] : memref<1x512x256xf32, #tpu.memory_space<vmem>>, vector<1x512x256xf32>
    %get3A_27 = vector.shape_cast %get3A_26 : vector<1x512x256xf32> to vector<512x256xf32>
    %sub3A_28 = vector.broadcast %div3A_17 : vector<1x256xf32> to vector<512x256xf32>
    %sub3A_29 = arith.subf %get3A_27, %sub3A_28 : vector<512x256xf32>
    %mul3A_30 = vector.broadcast %rsqrt3A : vector<1x256xf32> to vector<512x256xf32>
    %mul3A_31 = arith.mulf %sub3A_29, %mul3A_30 : vector<512x256xf32>
    %get3A_32 = arith.constant 0 : index
    %get3A_33 = arith.constant 0 : index
    %get3A_34 = vector.load %arg5[%get3A_32, %get3A_33] : memref<1x256xf32, #tpu.memory_space<vmem>>, vector<1x256xf32>
    %mul3A_35 = vector.broadcast %get3A_34 : vector<1x256xf32> to vector<512x256xf32>
    %mul3A_36 = arith.mulf %mul3A_31, %mul3A_35 : vector<512x256xf32>
    %get3A_37 = arith.constant 0 : index
    %get3A_38 = arith.constant 0 : index
    %get3A_39 = vector.load %arg6[%get3A_37, %get3A_38] : memref<1x256xf32, #tpu.memory_space<vmem>>, vector<1x256xf32>
    %add3A_40 = vector.broadcast %get3A_39 : vector<1x256xf32> to vector<512x256xf32>
    %add3A_41 = arith.addf %mul3A_36, %add3A_40 : vector<512x256xf32>
    %ge3A = arith.constant 0.000000e+00 : f32
    %ge3A_42 = vector.broadcast %ge3A : f32 to vector<512x256xf32>
    %ge3A_43 = arith.cmpf oge, %add3A_41, %ge3A_42 : vector<512x256xf32>
    %mul3A_44 = arith.constant 2.000000e-01 : f32
    %mul3A_45 = vector.broadcast %mul3A_44 : f32 to vector<512x256xf32>
    %mul3A_46 = arith.mulf %mul3A_45, %add3A_41 : vector<512x256xf32>
    %select_n3A = arith.select %ge3A_43, %add3A_41, %mul3A_46 : vector<512x256xi1>, vector<512x256xf32>
    %get3A_47 = arith.constant 0 : index
    %get3A_48 = arith.constant 0 : index
    %get3A_49 = vector.load %arg7[%get3A_47, %get3A_48] : memref<256x256xf32, #tpu.memory_space<vmem>>, vector<256x256xf32>
    %dot_general3A_50 = arith.constant dense<0.000000e+00> : vector<512x256xf32>
    %dot_general3A_51 = tpu.matmul %select_n3A, %get3A_49, %dot_general3A_50 {dimension_numbers = #tpu.dot_dimension_numbers<[1], [0], [0], [1], [0, 0, 1, 1], [], []>, transpose_lhs_hint = false} : vector<512x256xf32>, vector<256x256xf32>, vector<512x256xf32> -> vector<512x256xf32>
    %get3A_52 = arith.constant 0 : index
    %get3A_53 = arith.constant 0 : index
    %get3A_54 = vector.load %arg8[%get3A_52, %get3A_53] : memref<1x256xf32, #tpu.memory_space<vmem>>, vector<1x256xf32>
    %add3A_55 = vector.broadcast %get3A_54 : vector<1x256xf32> to vector<512x256xf32>
    %add3A_56 = arith.addf %dot_general3A_51, %add3A_55 : vector<512x256xf32>
    %transpose3A = tpu.transpose %add3A_56, [1, 0] : vector<512x256xf32> -> vector<256x512xf32>
    %swap3A = arith.constant 0 : index
    %swap3A_57 = arith.constant 0 : index
    %swap3A_58 = arith.constant 0 : index
    %swap3A_59 = vector.load %arg9[%swap3A, %swap3A_57, %swap3A_58] : memref<1x256x512xf32, #tpu.memory_space<vmem>>, vector<1x256x512xf32>
    %swap3A_60 = vector.shape_cast %swap3A_59 : vector<1x256x512xf32> to vector<256x512xf32>
    %swap3A_61 = vector.shape_cast %transpose3A : vector<256x512xf32> to vector<1x256x512xf32>
    tpu.vector_store %arg9[%swap3A, %swap3A_57, %swap3A_58], %swap3A_61 {strides = array<i32>} : memref<1x256x512xf32, #tpu.memory_space<vmem>>, vector<1x256x512xf32>,
    return
  }
  func.func @transform_0(%arg0: i32, %arg1: i32) -> (i32, i32, i32) {
    %c0_i32 = arith.constant 0 : i32
    %c0_i32_0 = arith.constant 0 : i32
    return %arg0, %arg1, %c0_i32 : i32, i32, i32
  }
  func.func @transform_1(%arg0: i32, %arg1: i32) -> (i32, i32, i32, i32) {
    %c0_i32 = arith.constant 0 : i32
    %c0_i32_0 = arith.constant 0 : i32
    %c0_i32_1 = arith.constant 0 : i32
    %c0_i32_2 = arith.constant 0 : i32
    return %arg0, %c0_i32, %c0_i32_0, %c0_i32_1 : i32, i32, i32, i32
  }
  func.func @transform_2(%arg0: i32, %arg1: i32) -> (i32, i32) {
    %c0_i32 = arith.constant 0 : i32
    %c0_i32_0 = arith.constant 0 : i32
    %c0_i32_1 = arith.constant 0 : i32
    return %c0_i32, %c0_i32_0 : i32, i32
  }
  func.func @transform_3(%arg0: i32, %arg1: i32) -> (i32, i32) {
    %c0_i32 = arith.constant 0 : i32
    %c0_i32_0 = arith.constant 0 : i32
    %c0_i32_1 = arith.constant 0 : i32
    return %c0_i32, %c0_i32_0 : i32, i32
  }
  func.func @transform_4(%arg0: i32, %arg1: i32) -> (i32, i32) {
    %c0_i32 = arith.constant 0 : i32
    %c0_i32_0 = arith.constant 0 : i32
    %c0_i32_1 = arith.constant 0 : i32
    return %c0_i32, %c0_i32_0 : i32, i32
  }
  func.func @transform_5(%arg0: i32, %arg1: i32) -> (i32, i32) {
    %c0_i32 = arith.constant 0 : i32
    %c0_i32_0 = arith.constant 0 : i32
    %c0_i32_1 = arith.constant 0 : i32
    return %c0_i32, %c0_i32_0 : i32, i32
  }
  func.func @transform_6(%arg0: i32, %arg1: i32) -> (i32, i32) {
    %c0_i32 = arith.constant 0 : i32
    %c0_i32_0 = arith.constant 0 : i32
    %c0_i32_1 = arith.constant 0 : i32
    return %c0_i32, %c0_i32_0 : i32, i32
  }
  func.func @transform_7(%arg0: i32, %arg1: i32) -> (i32, i32, i32) {
    %c0_i32 = arith.constant 0 : i32
    %c0_i32_0 = arith.constant 0 : i32
    return %arg0, %c0_i32, %arg1 : i32, i32, i32
  }
}

</mosaic_0001>

<sc_bundles>
// kernel: kernel.6.cloned.1.call-start
scs
__scs_entry_jumppad:
0x0: {  	(pc) =	sbr.rel $0x88, $3  }
0x1: {  	(tag) =	ssettag $0x0;
	lr =	simm.s32 $0x1  }
0x2: {  	[smem:$0x3F99] =	sst lr;
	_ =	strace $0xD0000000  }
0x3: {  	_ = 	snop  }
0x4: {  	_ = 	snop  }
0x5: {  	_ = 	snop  }
0x6: {  	_ = 	snop  }
0x7: {  	_ = 	snop  }
__scs_overlays_trampoline_lowered:
0x8: {  	[smem:$0x3FA8] =	sst s0  }
0x9: {  	[smem:$0x3FA9] =	sst s1  }
0xa: {  	[smem:$0x3FAA] =	sst s2  }
0xb: {  	[smem:$0x3FAB] =	sst s3  }
0xc: {  	[smem:$0x3FAC] =	sst s4  }
0xd: {  	[smem:$0x3FAD] =	sst s5  }
0xe: {  	[smem:$0x3FAE] =	sst s6  }
0xf: {  	[smem:$0x3FAF] =	sst s7  }
0x10: {  	[smem:$0x3FB0] =	sst s8  }
0x11: {  	[smem:$0x3FB1] =	sst s9;
	s0 =	simm.s32 @!p0 $0x0  }
0x12: {  	s1 =	sld [smem:$0x3F97];
	s0 =	simm.s32 @p0 $0x1  }
0x13: {  	[smem:$0x3FB2] =	sst s0;
	s0 =	simm.s32 @!p1 $0x0  }
0x14: {  	s2 =	sld [smem:$0x3F96];
	s0 =	simm.s32 @p1 $0x1  }
0x15: {  	[smem:$0x3FB3] =	sst s0;
	s0 =	simm.s32 @!p2 $0x0  }
0x16: {  	s3 =	sld [smem:$0x3FDB];
	s0 =	simm.s32 @p2 $0x1  }
0x17: {  	s4 =	simm.s32 $0x1BF5;
	[smem:$0x3FB5] =	sst s0  }
0x18: {  	s0 =	sld [smem:$0x3F98];
	_ =	swait.ge [sflag:s4], $0x0  }
0x19: {  	s7 =	sld [smem:$0x3F99]  }
0x1a: {  	s8 =	sadd.s32 $0xFFFFE003, lr  }
0x1b: {  	s9 =	sadd.s32 $0xFFFFFEF7, lr;
	s5 =	simm.s32 $0xFFFFFFFF;
	p2 =	slt.u32 s8, $0xFFFFF086  }
0x1c: {  	p1 =	slt.u32 s9, $0xF7A;
	s5 =	simm.s32 @!p2 $0x0  }
0x1d: {  	s5 =	simm.s32 @p1 $0x1;
	p0 =	seq.s32 s7, s2  }
0x1e: {  	s7 =	smul.u32 @!p0 $0xF7A, s2;
	p2 =	seq.s32 @!p0 s5, $0x0  }
0x1f: {  	s9 =	smul.u32 $0xF7A, s1;
	s8 =	simm.s32 @!p0 $0x1BF5;
	p2 =	por !p2, p0  }
0x20: {  	[sflag:s8] =	ssyncset.s32 @!p0 $0xFFFFF086;
	s6 =	sadd.s32 @!p0 s3, s7;
	s7 =	simm.s32 @!p0 $0x108  }
0x21: {  	s3 =	sadd.s32 s3, s9;
	s6 =	sadd.s32 @!p0 $0x88, s6;
	s7 =	simm.s32 @p2 $0x1082  }
0x22: {  	[simem:s7], [sflag:s8] =	dma.local @!p0 [hbm:s6], $0xF7A  }
0x23: {  	s9 =	sor.u32 $0xD0000000, s2;
	s6 =	simm.s32 $0x108;
	_ =	swait.ge @!p0 [sflag:s8], $0x0  }
0x24: {  	s3 =	sadd.s32 $0x88, s3;
	s6 =	simm.s32 @!p1 $0x1082;
	[sflag:s4] =	ssyncset.s32 $0xFFFFF086  }
0x25: {  	[simem:s6], [sflag:s4] =	dma.local [hbm:s3], $0xF7A  }
0x26: {  	[smem:$0x3F99] =	sst s1;
	(tag) =	ssettag s2;
	_ =	strace s9  }
0x27: {  	s1 =	sld [smem:$0x3FA9]  }
0x28: {  	s2 =	sld [smem:$0x3FAA]  }
0x29: {  	s4 =	sld [smem:$0x3FAC]  }
0x2a: {  	p0 =	seq.s32 s5, $0x0;
	s5 =	sld [smem:$0x3FAD]  }
0x2b: {  	s6 =	sld [smem:$0x3FAE]  }
0x2c: {  	s7 =	sld [smem:$0x3FAF]  }
0x2d: {  	s3 =	simm.s32 $0x108;
	s8 =	sld [smem:$0x3FB0]  }
0x2e: {  	s3 =	simm.s32 @!p0 $0x1082;
	s9 =	sld [smem:$0x3FB1]  }
0x2f: {  	lr =	sadd.s32 s0, s3;
	s0 =	sld [smem:$0x3FA8]  }
0x30: {  	s3 =	sld [smem:$0x3FAB]  }
0x31: {  	[smem:$0x3FB4] =	sst s10  }
0x32: {  	s10 =	sld [smem:$0x3FB2];
	_ =	sdelay $0x3  }
0x33: {  	p0 =	seq.s32 s10, $0x1;
	s10 =	sld [smem:$0x3FB4];
	_ =	sdelay $0x3  }
0x34: {  	[smem:$0x3FB4] =	sst s10  }
0x35: {  	s10 =	sld [smem:$0x3FB3];
	_ =	sdelay $0x3  }
0x36: {  	p1 =	seq.s32 s10, $0x1;
	s10 =	sld [smem:$0x3FB4];
	_ =	sdelay $0x3  }
0x37: {  	[smem:$0x3FB4] =	sst s10  }
0x38: {  	s10 =	sld [smem:$0x3FB5]  }
0x39: {  	_ = 	snop;
	(pc) =	sbr.ind lr, $3  }
0x3a: {  	_ = 	snop  }
0x3b: {  	_ = 	snop  }
0x3c: {  	p2 =	seq.s32 s10, $0x1;
	s10 =	sld [smem:$0x3FB4]  }
0x3d: {  	_ =	shalt  }
0x3e: {  	_ =	shalt  }
0x3f: {  	_ =	shalt  }
0x40: {  	_ =	shalt  }
0x41: {  	_ =	shalt  }
0x42: {  	_ =	shalt  }
0x43: {  	_ =	shalt  }
0x44: {  	_ =	shalt  }
0x45: {  	_ =	shalt  }
0x46: {  	_ =	shalt  }
0x47: {  	_ =	shalt  }
0x48: {  	_ =	shalt  }
0x49: {  	_ =	shalt  }
0x4a: {  	_ =	shalt  }
0x4b: {  	_ =	shalt  }
0x4c: {  	_ =	shalt  }
0x4d: {  	_ =	shalt  }
0x4e: {  	_ =	shalt  }
0x4f: {  	_ =	shalt  }
0x50: {  	_ =	shalt  }
0x51: {  	_ =	shalt  }
0x52: {  	_ =	shalt  }
0x53: {  	_ =	shalt  }
0x54: {  	_ =	shalt  }
0x55: {  	_ =	shalt  }
0x56: {  	_ =	shalt  }
0x57: {  	_ =	shalt  }
0x58: {  	_ =	shalt  }
0x59: {  	_ =	shalt  }
0x5a: {  	_ =	shalt  }
0x5b: {  	_ =	shalt  }
0x5c: {  	_ =	shalt  }
0x5d: {  	_ =	shalt  }
0x5e: {  	_ =	shalt  }
0x5f: {  	_ =	shalt  }
0x60: {  	_ =	shalt  }
0x61: {  	_ =	shalt  }
0x62: {  	_ =	shalt  }
0x63: {  	_ =	shalt  }
0x64: {  	_ =	shalt  }
0x65: {  	_ =	shalt  }
0x66: {  	_ =	shalt  }
0x67: {  	_ =	shalt  }
0x68: {  	_ =	shalt  }
0x69: {  	_ =	shalt  }
0x6a: {  	_ =	shalt  }
0x6b: {  	_ =	shalt  }
0x6c: {  	_ =	shalt  }
0x6d: {  	_ =	shalt  }
0x6e: {  	_ =	shalt  }
0x6f: {  	_ =	shalt  }
0x70: {  	_ =	shalt  }
0x71: {  	_ =	shalt  }
0x72: {  	_ =	shalt  }
0x73: {  	_ =	shalt  }
0x74: {  	_ =	shalt  }
0x75: {  	_ =	shalt  }
0x76: {  	_ =	shalt  }
0x77: {  	_ =	shalt  }
0x78: {  	_ =	shalt  }
0x79: {  	_ =	shalt  }
0x7a: {  	_ =	shalt  }
0x7b: {  	_ =	shalt  }
0x7c: {  	_ =	shalt  }
0x7d: {  	_ =	shalt  }
0x7e: {  	_ =	shalt  }
0x7f: {  	_ =	shalt  }
0x80: {  	_ =	shalt  }
0x81: {  	_ =	shalt  }
0x82: {  	_ =	shalt  }
0x83: {  	_ =	shalt  }
0x84: {  	_ =	shalt  }
0x85: {  	_ =	shalt  }
0x86: {  	_ =	shalt  }
0x87: {  	_ =	shalt  }
.Lfunc_end0:
.L_simem_size_0:
called_computation_lowered:
.L_overlay_start_0:
0x88: {  	s2 =	sld [smem:$0x3FD9]  }
0x89: {  	s3 =	sld [smem:$0x3FFE];
	_ =	sdelay $0x1  }
0x8a: {  	s1 =	srdreg.scid  }
0x8b: {  	s0 =	sand.u32 $0x1, s1  }
0x8c: {  	s17 =	sshll.u32 s0, $0xA;
	s2 =	sadd.s32 s3, s2  }
0x8d: {  	s2 =	sadd.s32 s2, s17  }
0x8e: {  	[smem:$0x3FC0] =	sst s2  }
0x8f: {  	_ = 	snop  }
0x90: {  	s2 =	sld [smem:$0x3FD0];
	(tm) =	ssettm $0x1  }
0x91: {  	s18 =	sld [smem:$0x3FFB];
	_ =	sdelay $0x3  }
0x92: {  	_ =	strace s18  }
0x93: {  	s3 =	sld [smem:$0x3FFC];
	_ =	sdelay $0x3  }
0x94: {  	_ =	strace s3  }
0x95: {  	s3 =	sld [smem:$0x3FFD];
	_ =	sdelay $0x3  }
0x96: {  	_ =	strace s3  }
0x97: {  	_ =	strace $0x8FFFFFFF  }
0x98: {  	s19 =	sld [smem:$0x3FDB];
	_ =	sdelay $0x1  }
0x99: {  	s4 =	simm.s32 $_scs_section_size  }
0x9a: {  	s5 =	simm.s32 $_size__tile_overlayer_lowered;
	s6 =	simm.s32 $_tile_overlayer_lowered  }
0x9b: {  	s22 =	simm.s32 $0x1BFF;
	s21 =	sshll.u32 s6, $0x1;
	s3 =	sadd.s32 s4, s19  }
0x9c: {  	s7 =	simm.s32 $0x0;
	s20 =	sshll.u32 s5, $0x1;
	s5 =	sadd.s32 s21, s3  }
0x9d: {  	[timem:s7], [sflag:s22] =	dma.local [hbm:s5], s20  }
0x9e: {  	_ =	swait.ge [sflag:s22], s20  }
0x9f: {  	s4 =	ssub.s32 $0x0, s20;
	[sflag:s22] =	ssyncset.done $0x0  }
0xa0: {  	[sflag:s22] =	ssyncadd.s32 s4;
	_ =	sdelay $0x1  }
0xa1: {  	s23 =	simm.s32 $0x1B8B  }
0xa2: {  	_ =	swait.ge [sflag:s23], $0x1  }
0xa3: {  	[sflag:s23] =	ssyncset.done $0x0  }
0xa4: {  	s25 =	simm.s32 $0x1B8E;
	s24 =	sld [smem:$0x3FFE];
	[sflag:s23] =	ssyncadd.s32 $0xFFFFFFFF  }
0xa5: {  	s26 =	simm.s32 $execute0_lowered;
	[smem:$0x3FD2] =	sst s25  }
0xa6: {  	s5 =	sshll.u32 s26, $0x1;
	_ =	strace $0x80000046;
	[dreg:$0x1] =	wrdreg $0xFFFFFFFF  }
0xa7: {  	s28 =	simm.s32 $_size_execute0_lowered;
	s3 =	sadd.s32 s3, s5;
	[dreg:$0x0] =	wrdreg $0x0  }
0xa8: {  	s5 =	sshll.u32 s28, $0x1;
	[dreg:$0x2] =	wrdreg s3  }
0xa9: {  	[dreg:$0x3] =	wrdreg s5  }
0xaa: {  	[dreg:$0x4] =	wrdreg $0xC0  }
0xab: {  	_ =	task [dreg:s7], $0x5FFFF  }
0xac: {  	[dreg:$0x1] =	wrdreg $0xFFFFFFFF  }
0xad: {  	[dreg:$0x0] =	wrdreg $0x60  }
0xae: {  	[dreg:$0x2] =	wrdreg s2  }
0xaf: {  	[dreg:$0x3] =	wrdreg s24  }
0xb0: {  	[dreg:$0x4] =	wrdreg $0x9  }
0xb1: {  	_ =	task.clear_ibuf [dreg:s7], $0x5FFFF;
	_ =	strace $0x90000046  }
0xb2: {  	s29 =	simm.s32 $0x9;
	_ =	strace $0x80000048  }
0xb3: {  	_ =	swait.ge [sflag:s29], $0x1  }
0xb4: {  	[sflag:s29] =	ssyncadd.s32 $0xFFFFFFFF  }
0xb5: {  	_ =	strace $0x90000048  }
0xb6: {  	_ =	sfence  }
0xb7: {  	s30 =	sld [smem:$0x0];
	_ =	sdelay $0x2  }
0xb8: {  	s31 =	sshll.u32 s1, $0xD;
	s1 =	sshrl.u32 s1, $0x2  }
0xb9: {  	s3 =	sand.u32 $0x4000, s31;
	s1 =	sadd.s32 s1, s30  }
0xba: {  	s0 =	sor.u32 s3, s0;
	s1 =	sshll.u32 s1, $0x11  }
0xbb: {  	s0 =	sor.u32 s1, s0  }
0xbc: {  	s0 =	sadd.s32 $0x8F2B, s0  }
0xbd: {  	[sflag:s0] =	ssyncadd.remote.s32 $0x1  }
0xbe: {  	_ =	sfence.sel $0xFFFF  }
0xbf: {  	[dreg:$0x0] =	wrdreg $0xFFFFFFFF;
	(pc) =	sbr.abs _section_cstart, $3  }
0xc0: {  	[dreg:$0x1] =	wrdreg $0xFFFFFFFF  }
0xc1: {  	_ =	task.clear_ibuf [dreg:s7], $0x2FFFF;
	_ =	strace $0x9FFFFFFF  }
0xc2: {  	(tm) =	ssettm $0x7FFFFFFF  }
0xc3: {  	_ =	shalt  }
tec
execute0_lowered:
.L_overlay_start_1:
0x0: {  	(tag) =	ssettag $0x1  }
0x1: {  	s0 =	srdreg.scid  }
0x2: {  	s2 =	stileid.u32;
	s3 =	rddreg [dreg:$0x0];
	s1 =	sand.u32 $0x1, s0  }
0x3: {  	s25 =	sshll.u32 s2, $0x1;
	s0 =	rddreg [dreg:$0x1];
	s2 =	simm.s32 $0x0  }
0x4: {  	s28 =	simm.s32 $0x1C00;
	[smem:$0x7FF] =	sst s2  }
0x5: {  	s29 =	simm.s32 $0x100;
	_ =	strace $0x80000047;
	[dreg:$0x5] =	wrdreg s28  }
0x6: {  	s30 =	simm.s32 $0x2400;
	[dreg:$0x6] =	wrdreg s29  }
0x7: {  	s31 =	simm.s32 $0x180;
	[dreg:$0x7] =	wrdreg s30  }
0x8: {  	s6 =	simm.s32 $0x3400;
	[dreg:$0x8] =	wrdreg s31  }
0x9: {  	s7 =	simm.s32 $0x280;
	[dreg:$0xb] =	wrdreg s6  }
0xa: {  	s8 =	simm.s32 $0x3C00;
	[dreg:$0xc] =	wrdreg s7  }
0xb: {  	s9 =	simm.s32 $0x300;
	[dreg:$0xd] =	wrdreg s8  }
0xc: {  	s10 =	simm.s32 $0x4400;
	[dreg:$0xe] =	wrdreg s9  }
0xd: {  	s11 =	simm.s32 $0x380;
	[dreg:$0xf] =	wrdreg s10  }
0xe: {  	s12 =	simm.s32 $0x4C00;
	[dreg:$0x10] =	wrdreg s11  }
0xf: {  	s13 =	simm.s32 $0x400;
	[dreg:$0x11] =	wrdreg s12  }
0x10: {  	s14 =	simm.s32 $0x5400;
	[dreg:$0x12] =	wrdreg s13  }
0x11: {  	s15 =	simm.s32 $0x480;
	[dreg:$0x13] =	wrdreg s14  }
0x12: {  	s16 =	simm.s32 $0x5C00;
	[dreg:$0x14] =	wrdreg s15  }
0x13: {  	s17 =	simm.s32 $0x500;
	[dreg:$0x15] =	wrdreg s16  }
0x14: {  	s18 =	simm.s32 $0x6400;
	[dreg:$0x16] =	wrdreg s17  }
0x15: {  	s19 =	simm.s32 $0x580;
	[dreg:$0x17] =	wrdreg s18  }
0x16: {  	s20 =	simm.s32 $0x6C00;
	[dreg:$0x18] =	wrdreg s19  }
0x17: {  	s21 =	simm.s32 $0x600;
	[dreg:$0x19] =	wrdreg s20  }
0x18: {  	s22 =	simm.s32 $0x7400;
	[dreg:$0x1a] =	wrdreg s21  }
0x19: {  	s23 =	simm.s32 $0x680;
	[dreg:$0x1b] =	wrdreg s22  }
0x1a: {  	s24 =	simm.s32 $0x7C00;
	[dreg:$0x1c] =	wrdreg s23  }
0x1b: {  	s4 =	sor.u32 s1, s25;
	s25 =	simm.s32 $0x700;
	[dreg:$0x1d] =	wrdreg s24  }
0x1c: {  	[dreg:$0x1e] =	wrdreg s25;
	s28 =	simm.s32 $0x780  }
0x1d: {  	s29 =	simm.s32 $0x8C00;
	[smem:$0x7F0] =	sst s28  }
0x1e: {  	s30 =	simm.s32 $0x800;
	[smem:$0x7EF] =	sst s29  }
0x1f: {  	s31 =	simm.s32 $0x9400;
	[smem:$0x7F1] =	sst s30  }
0x20: {  	s6 =	simm.s32 $0x900;
	[smem:$0x7EE] =	sst s31  }
0x21: {  	s7 =	simm.s32 $0xA400;
	[smem:$0x7F3] =	sst s6  }
0x22: {  	s8 =	simm.s32 $0x980;
	[smem:$0x7EC] =	sst s7  }
0x23: {  	s9 =	simm.s32 $0xAC00;
	[smem:$0x7F4] =	sst s8  }
0x24: {  	s10 =	simm.s32 $0xA00;
	[smem:$0x7EB] =	sst s9  }
0x25: {  	s11 =	simm.s32 $0xB400;
	[smem:$0x7F5] =	sst s10  }
0x26: {  	s12 =	simm.s32 $0xA80;
	[smem:$0x7EA] =	sst s11  }
0x27: {  	s13 =	simm.s32 $0xBC00;
	[smem:$0x7F6] =	sst s12  }
0x28: {  	s14 =	simm.s32 $0xB00;
	[smem:$0x7E9] =	sst s13  }
0x29: {  	s15 =	simm.s32 $0xC400;
	[smem:$0x7F7] =	sst s14  }
0x2a: {  	s16 =	simm.s32 $0xB80;
	[smem:$0x7E8] =	sst s15  }
0x2b: {  	s17 =	simm.s32 $0xCC00;
	[smem:$0x7F8] =	sst s16  }
0x2c: {  	s18 =	simm.s32 $0xC00;
	[smem:$0x7E7] =	sst s17  }
0x2d: {  	s19 =	simm.s32 $0xD400;
	[smem:$0x7F9] =	sst s18  }
0x2e: {  	s20 =	simm.s32 $0xC80;
	[smem:$0x7E6] =	sst s19  }
0x2f: {  	s21 =	simm.s32 $0xDC00;
	[smem:$0x7FA] =	sst s20  }
0x30: {  	s22 =	simm.s32 $0xD00;
	[smem:$0x7E5] =	sst s21  }
0x31: {  	s23 =	simm.s32 $0xE400;
	[smem:$0x7FB] =	sst s22  }
0x32: {  	s5 =	smul.u32 $0x2800, s4;
	s24 =	simm.s32 $0xD80;
	[smem:$0x7E4] =	sst s23  }
0x33: {  	s4 =	smul.u32 $0x280, s4;
	s25 =	simm.s32 $0xEC00;
	[smem:$0x7FC] =	sst s24  }
0x34: {  	[smem:$0x7E3] =	sst s25;
	s28 =	simm.s32 $0xE00  }
0x35: {  	s3 =	sadd.s32 s3, s4;
	[smem:$0x7FD] =	sst s28  }
0x36: {  	s5 =	sadd.s32 s5, s0;
	s4 =	simm.s32 $0x2C00;
	[dreg:$0x3] =	wrdreg s3  }
0x37: {  	s26 =	sadd.s32 $0x5600, s5;
	[dreg:$0x9] =	wrdreg s4  }
0x38: {  	s5 =	simm.s32 $0x200;
	[dreg:$0x4] =	wrdreg s26  }
0x39: {  	s4 =	simm.s32 $0x880;
	[dreg:$0xa] =	wrdreg s5  }
0x3a: {  	s26 =	simm.s32 $0x8400;
	[smem:$0x7F2] =	sst s4  }
0x3b: {  	s5 =	simm.s32 $0x9C00;
	[dreg:$0x1f] =	wrdreg s26  }
0x3c: {  	[smem:$0x7ED] =	sst s5  }
0x3d: {  	s29 =	simm.s32 $0x2;
	s26 =	rddreg [dreg:$0x3]  }
0x3e: {  	[tilespmem:s2], [sflag:$0x2] =	stream.linear.gather [hbm4b:s26+s2], $0x1400, $0x38;
	[tilespmem:$0x15400] =	vst v63  }
0x3f: {  	_ =	swait.ge [sflag:s29], $0x1400  }
0x40: {  	s7 =	sld [smem:$0x7E3]  }
0x41: {  	s8 =	sld [smem:$0x7E4]  }
0x42: {  	s9 =	sld [smem:$0x7E5]  }
0x43: {  	s10 =	sld [smem:$0x7E6]  }
0x44: {  	s11 =	sld [smem:$0x7E7]  }
0x45: {  	s12 =	sld [smem:$0x7E8]  }
0x46: {  	s13 =	sld [smem:$0x7E9]  }
0x47: {  	s14 =	sld [smem:$0x7EA]  }
0x48: {  	s15 =	sld [smem:$0x7EB]  }
0x49: {  	s16 =	sld [smem:$0x7EC]  }
0x4a: {  	s17 =	sld [smem:$0x7ED]  }
0x4b: {  	s18 =	sld [smem:$0x7EE]  }
0x4c: {  	s19 =	sld [smem:$0x7EF]  }
0x4d: {  	s20 =	rddreg [dreg:$0x1f]  }
0x4e: {  	s30 =	rddreg [dreg:$0x6]  }
0x4f: {  	s21 =	rddreg [dreg:$0x5]  }
0x50: {  	s22 =	rddreg [dreg:$0x7]  }
0x51: {  	s23 =	rddreg [dreg:$0x9]  }
0x52: {  	s3 =	rddreg [dreg:$0xb]  }
0x53: {  	s4 =	rddreg [dreg:$0xa]  }
0x54: {  	s24 =	rddreg [dreg:$0xd]  }
0x55: {  	s25 =	rddreg [dreg:$0xc]  }
0x56: {  	s6 =	simm.s32 $0x80;
	s26 =	rddreg [dreg:$0xf]  }
0x57: {  	s31 =	simm.s32 $0x1400;
	[sflag:s29] =	ssyncset.done $0x0;
	s28 =	rddreg [dreg:$0xe]  }
0x58: {  	s5 =	sadd.s32 $0x1600, s0;
	[sflag:s29] =	ssyncadd.s32 $0xFFFFEC00;
	s29 =	rddreg [dreg:$0x11]  }
0x59: {  	[tilespmem:s31], [sflag:$0x1] =	stream.indirect.gather [hbm4b:s5+s6], $0x10, s2, s6, $0xb8;
	[tilespmem:$0x15400] =	vst v63  }
0x5a: {  	s2 =	rddreg [dreg:$0x8]  }
0x5b: {  	[tilespmem:s21], [sflag:$0x1] =	stream.indirect.gather [hbm4b:s5+s6], $0x10, s6, s6, $0xb8;
	[tilespmem:$0x15400] =	vst v63  }
0x5c: {  	s31 =	rddreg [dreg:$0x13]  }
0x5d: {  	[tilespmem:s22], [sflag:$0x1] =	stream.indirect.gather [hbm4b:s5+s6], $0x10, s30, s6, $0xb8;
	[tilespmem:$0x15400] =	vst v63  }
0x5e: {  	s30 =	rddreg [dreg:$0x10]  }
0x5f: {  	[tilespmem:s23], [sflag:$0x1] =	stream.indirect.gather [hbm4b:s5+s6], $0x10, s2, s6, $0xb8;
	[tilespmem:$0x15400] =	vst v63  }
0x60: {  	s2 =	rddreg [dreg:$0x12]  }
0x61: {  	[tilespmem:s3], [sflag:$0x1] =	stream.indirect.gather [hbm4b:s5+s6], $0x10, s4, s6, $0xb8;
	[tilespmem:$0x15400] =	vst v63  }
0x62: {  	s3 =	rddreg [dreg:$0x15]  }
0x63: {  	s4 =	rddreg [dreg:$0x14]  }
0x64: {  	[tilespmem:s24], [sflag:$0x1] =	stream.indirect.gather [hbm4b:s5+s6], $0x10, s25, s6, $0xb8;
	[tilespmem:$0x15400] =	vst v63  }
0x65: {  	s24 =	rddreg [dreg:$0x17]  }
0x66: {  	s25 =	rddreg [dreg:$0x16]  }
0x67: {  	[tilespmem:s26], [sflag:$0x1] =	stream.indirect.gather [hbm4b:s5+s6], $0x10, s28, s6, $0xb8;
	[tilespmem:$0x15400] =	vst v63  }
0x68: {  	s26 =	rddreg [dreg:$0x19]  }
0x69: {  	[tilespmem:s29], [sflag:$0x1] =	stream.indirect.gather [hbm4b:s5+s6], $0x10, s30, s6, $0xb8;
	[tilespmem:$0x15400] =	vst v63  }
0x6a: {  	s28 =	rddreg [dreg:$0x18]  }
0x6b: {  	[tilespmem:s31], [sflag:$0x1] =	stream.indirect.gather [hbm4b:s5+s6], $0x10, s2, s6, $0xb8;
	[tilespmem:$0x15400] =	vst v63  }
0x6c: {  	s29 =	rddreg [dreg:$0x1b]  }
0x6d: {  	[tilespmem:s3], [sflag:$0x1] =	stream.indirect.gather [hbm4b:s5+s6], $0x10, s4, s6, $0xb8;
	[tilespmem:$0x15400] =	vst v63  }
0x6e: {  	s30 =	rddreg [dreg:$0x1a]  }
0x6f: {  	[tilespmem:s24], [sflag:$0x1] =	stream.indirect.gather [hbm4b:s5+s6], $0x10, s25, s6, $0xb8;
	[tilespmem:$0x15400] =	vst v63  }
0x70: {  	s31 =	rddreg [dreg:$0x1d]  }
0x71: {  	[tilespmem:s26], [sflag:$0x1] =	stream.indirect.gather [hbm4b:s5+s6], $0x10, s28, s6, $0xb8;
	[tilespmem:$0x15400] =	vst v63  }
0x72: {  	s2 =	rddreg [dreg:$0x1c]  }
0x73: {  	[tilespmem:s29], [sflag:$0x1] =	stream.indirect.gather [hbm4b:s5+s6], $0x10, s30, s6, $0xb8;
	[tilespmem:$0x15400] =	vst v63  }
0x74: {  	s3 =	rddreg [dreg:$0x1e]  }
0x75: {  	[tilespmem:s31], [sflag:$0x1] =	stream.indirect.gather [hbm4b:s5+s6], $0x10, s2, s6, $0xb8;
	[tilespmem:$0x15400] =	vst v63  }
0x76: {  	s4 =	sld [smem:$0x7F0]  }
0x77: {  	[tilespmem:s20], [sflag:$0x1] =	stream.indirect.gather [hbm4b:s5+s6], $0x10, s3, s6, $0xb8;
	[tilespmem:$0x15400] =	vst v63  }
0x78: {  	s20 =	sld [smem:$0x7F1]  }
0x79: {  	[tilespmem:s19], [sflag:$0x1] =	stream.indirect.gather [hbm4b:s5+s6], $0x10, s4, s6, $0xb8;
	[tilespmem:$0x15400] =	vst v63  }
0x7a: {  	s22 =	sld [smem:$0x7F2]  }
0x7b: {  	[tilespmem:s18], [sflag:$0x1] =	stream.indirect.gather [hbm4b:s5+s6], $0x10, s20, s6, $0xb8;
	[tilespmem:$0x15400] =	vst v63  }
0x7c: {  	s23 =	sld [smem:$0x7F3]  }
0x7d: {  	[tilespmem:s17], [sflag:$0x1] =	stream.indirect.gather [hbm4b:s5+s6], $0x10, s22, s6, $0xb8;
	[tilespmem:$0x15400] =	vst v63  }
0x7e: {  	s24 =	sld [smem:$0x7F4]  }
0x7f: {  	[tilespmem:s16], [sflag:$0x1] =	stream.indirect.gather [hbm4b:s5+s6], $0x10, s23, s6, $0xb8;
	[tilespmem:$0x15400] =	vst v63  }
0x80: {  	s25 =	sld [smem:$0x7F5]  }
0x81: {  	[tilespmem:s15], [sflag:$0x1] =	stream.indirect.gather [hbm4b:s5+s6], $0x10, s24, s6, $0xb8;
	[tilespmem:$0x15400] =	vst v63  }
0x82: {  	s26 =	sld [smem:$0x7F6]  }
0x83: {  	[tilespmem:s14], [sflag:$0x1] =	stream.indirect.gather [hbm4b:s5+s6], $0x10, s25, s6, $0xb8;
	[tilespmem:$0x15400] =	vst v63  }
0x84: {  	s28 =	sld [smem:$0x7F7]  }
0x85: {  	[tilespmem:s13], [sflag:$0x1] =	stream.indirect.gather [hbm4b:s5+s6], $0x10, s26, s6, $0xb8;
	[tilespmem:$0x15400] =	vst v63  }
0x86: {  	s29 =	sld [smem:$0x7F8]  }
0x87: {  	[tilespmem:s12], [sflag:$0x1] =	stream.indirect.gather [hbm4b:s5+s6], $0x10, s28, s6, $0xb8;
	[tilespmem:$0x15400] =	vst v63  }
0x88: {  	s30 =	sld [smem:$0x7F9]  }
0x89: {  	[tilespmem:s11], [sflag:$0x1] =	stream.indirect.gather [hbm4b:s5+s6], $0x10, s29, s6, $0xb8;
	[tilespmem:$0x15400] =	vst v63  }
0x8a: {  	s31 =	sld [smem:$0x7FA]  }
0x8b: {  	[tilespmem:s10], [sflag:$0x1] =	stream.indirect.gather [hbm4b:s5+s6], $0x10, s30, s6, $0xb8;
	[tilespmem:$0x15400] =	vst v63  }
0x8c: {  	s2 =	sld [smem:$0x7FB]  }
0x8d: {  	[tilespmem:s9], [sflag:$0x1] =	stream.indirect.gather [hbm4b:s5+s6], $0x10, s31, s6, $0xb8;
	[tilespmem:$0x15400] =	vst v63  }
0x8e: {  	s3 =	sld [smem:$0x7FC]  }
0x8f: {  	[tilespmem:s8], [sflag:$0x1] =	stream.indirect.gather [hbm4b:s5+s6], $0x10, s2, s6, $0xb8;
	[tilespmem:$0x15400] =	vst v63  }
0x90: {  	s4 =	sld [smem:$0x7FD]  }
0x91: {  	[tilespmem:s7], [sflag:$0x1] =	stream.indirect.gather [hbm4b:s5+s6], $0x10, s3, s6, $0xb8;
	[tilespmem:$0x15400] =	vst v63  }
0x92: {  	s7 =	simm.s32 $0xF400  }
0x93: {  	[tilespmem:s7], [sflag:$0x1] =	stream.indirect.gather [hbm4b:s5+s6], $0x10, s4, s6, $0xb8;
	[tilespmem:$0x15400] =	vst v63  }
0x94: {  	s9 =	simm.s32 $0xFC00;
	s8 =	simm.s32 $0xE80  }
0x95: {  	[tilespmem:s9], [sflag:$0x1] =	stream.indirect.gather [hbm4b:s5+s6], $0x10, s8, s6, $0xb8;
	[tilespmem:$0x15400] =	vst v63  }
0x96: {  	s11 =	simm.s32 $0x10400;
	s10 =	simm.s32 $0xF00  }
0x97: {  	[tilespmem:s11], [sflag:$0x1] =	stream.indirect.gather [hbm4b:s5+s6], $0x10, s10, s6, $0xb8;
	[tilespmem:$0x15400] =	vst v63  }
0x98: {  	s13 =	simm.s32 $0x10C00;
	s12 =	simm.s32 $0xF80  }
0x99: {  	[tilespmem:s13], [sflag:$0x1] =	stream.indirect.gather [hbm4b:s5+s6], $0x10, s12, s6, $0xb8;
	[tilespmem:$0x15400] =	vst v63  }
0x9a: {  	s15 =	simm.s32 $0x11400;
	s14 =	simm.s32 $0x1000  }
0x9b: {  	[tilespmem:s15], [sflag:$0x1] =	stream.indirect.gather [hbm4b:s5+s6], $0x10, s14, s6, $0xb8;
	[tilespmem:$0x15400] =	vst v63  }
0x9c: {  	s17 =	simm.s32 $0x11C00;
	s16 =	simm.s32 $0x1080  }
0x9d: {  	[tilespmem:s17], [sflag:$0x1] =	stream.indirect.gather [hbm4b:s5+s6], $0x10, s16, s6, $0xb8;
	[tilespmem:$0x15400] =	vst v63  }
0x9e: {  	s19 =	simm.s32 $0x12400;
	s18 =	simm.s32 $0x1100  }
0x9f: {  	[tilespmem:s19], [sflag:$0x1] =	stream.indirect.gather [hbm4b:s5+s6], $0x10, s18, s6, $0xb8;
	[tilespmem:$0x15400] =	vst v63  }
0xa0: {  	s21 =	simm.s32 $0x12C00;
	s20 =	simm.s32 $0x1180  }
0xa1: {  	[tilespmem:s21], [sflag:$0x1] =	stream.indirect.gather [hbm4b:s5+s6], $0x10, s20, s6, $0xb8;
	[tilespmem:$0x15400] =	vst v63  }
0xa2: {  	s22 =	simm.s32 $0x1200;
	s23 =	simm.s32 $0x13400  }
0xa3: {  	[tilespmem:s23], [sflag:$0x1] =	stream.indirect.gather [hbm4b:s5+s6], $0x10, s22, s6, $0xb8;
	[tilespmem:$0x15400] =	vst v63  }
0xa4: {  	s24 =	simm.s32 $0x1280;
	s25 =	simm.s32 $0x13C00  }
0xa5: {  	[tilespmem:s25], [sflag:$0x1] =	stream.indirect.gather [hbm4b:s5+s6], $0x10, s24, s6, $0xb8;
	[tilespmem:$0x15400] =	vst v63  }
0xa6: {  	s26 =	simm.s32 $0x1300;
	s28 =	simm.s32 $0x14400  }
0xa7: {  	[tilespmem:s28], [sflag:$0x1] =	stream.indirect.gather [hbm4b:s5+s6], $0x10, s26, s6, $0xb8;
	[tilespmem:$0x15400] =	vst v63  }
0xa8: {  	s29 =	simm.s32 $0x1380;
	s30 =	simm.s32 $0x14C00;
	s15 =	simm.s32 $0x1  }
0xa9: {  	[tilespmem:s30], [sflag:$0x1] =	stream.indirect.gather [hbm4b:s5+s6], $0x10, s29, s6, $0xb8;
	[tilespmem:$0x15400] =	vst v63  }
0xaa: {  	_ =	swait.ge [sflag:s15], $0x800  }
0xab: {  	[sflag:s15] =	ssyncset.done $0x0  }
0xac: {  	[sflag:s15] =	ssyncadd.s32 $0xFFFFF800  }
0xad: {  	_ =	swait.ge [sflag:s15], $0x800  }
0xae: {  	[sflag:s15] =	ssyncset.done $0x0  }
0xaf: {  	[sflag:s15] =	ssyncadd.s32 $0xFFFFF800  }
0xb0: {  	_ =	swait.ge [sflag:s15], $0x800  }
0xb1: {  	[sflag:s15] =	ssyncset.done $0x0  }
0xb2: {  	[sflag:s15] =	ssyncadd.s32 $0xFFFFF800  }
0xb3: {  	_ =	swait.ge [sflag:s15], $0x800  }
0xb4: {  	[sflag:s15] =	ssyncset.done $0x0  }
0xb5: {  	[sflag:s15] =	ssyncadd.s32 $0xFFFFF800  }
0xb6: {  	_ =	swait.ge [sflag:s15], $0x800  }
0xb7: {  	[sflag:s15] =	ssyncset.done $0x0  }
0xb8: {  	[sflag:s15] =	ssyncadd.s32 $0xFFFFF800  }
0xb9: {  	_ =	swait.ge [sflag:s15], $0x800  }
0xba: {  	[sflag:s15] =	ssyncset.done $0x0  }
0xbb: {  	[sflag:s15] =	ssyncadd.s32 $0xFFFFF800  }
0xbc: {  	_ =	swait.ge [sflag:s15], $0x800  }
0xbd: {  	[sflag:s15] =	ssyncset.done $0x0  }
0xbe: {  	[sflag:s15] =	ssyncadd.s32 $0xFFFFF800  }
0xbf: {  	_ =	swait.ge [sflag:s15], $0x800  }
0xc0: {  	[sflag:s15] =	ssyncset.done $0x0  }
0xc1: {  	[sflag:s15] =	ssyncadd.s32 $0xFFFFF800  }
0xc2: {  	_ =	swait.ge [sflag:s15], $0x800  }
0xc3: {  	[sflag:s15] =	ssyncset.done $0x0  }
0xc4: {  	[sflag:s15] =	ssyncadd.s32 $0xFFFFF800  }
0xc5: {  	_ =	swait.ge [sflag:s15], $0x800  }
0xc6: {  	[sflag:s15] =	ssyncset.done $0x0  }
0xc7: {  	[sflag:s15] =	ssyncadd.s32 $0xFFFFF800  }
0xc8: {  	_ =	swait.ge [sflag:s15], $0x800  }
0xc9: {  	[sflag:s15] =	ssyncset.done $0x0  }
0xca: {  	[sflag:s15] =	ssyncadd.s32 $0xFFFFF800  }
0xcb: {  	_ =	swait.ge [sflag:s15], $0x800  }
0xcc: {  	[sflag:s15] =	ssyncset.done $0x0  }
0xcd: {  	[sflag:s15] =	ssyncadd.s32 $0xFFFFF800  }
0xce: {  	_ =	swait.ge [sflag:s15], $0x800  }
0xcf: {  	[sflag:s15] =	ssyncset.done $0x0  }
0xd0: {  	[sflag:s15] =	ssyncadd.s32 $0xFFFFF800  }
0xd1: {  	_ =	swait.ge [sflag:s15], $0x800  }
0xd2: {  	[sflag:s15] =	ssyncset.done $0x0  }
0xd3: {  	[sflag:s15] =	ssyncadd.s32 $0xFFFFF800  }
0xd4: {  	_ =	swait.ge [sflag:s15], $0x800  }
0xd5: {  	[sflag:s15] =	ssyncset.done $0x0  }
0xd6: {  	[sflag:s15] =	ssyncadd.s32 $0xFFFFF800  }
0xd7: {  	_ =	swait.ge [sflag:s15], $0x800  }
0xd8: {  	[sflag:s15] =	ssyncset.done $0x0  }
0xd9: {  	[sflag:s15] =	ssyncadd.s32 $0xFFFFF800  }
0xda: {  	_ =	swait.ge [sflag:s15], $0x800  }
0xdb: {  	[sflag:s15] =	ssyncset.done $0x0  }
0xdc: {  	[sflag:s15] =	ssyncadd.s32 $0xFFFFF800  }
0xdd: {  	_ =	swait.ge [sflag:s15], $0x800  }
0xde: {  	[sflag:s15] =	ssyncset.done $0x0  }
0xdf: {  	[sflag:s15] =	ssyncadd.s32 $0xFFFFF800  }
0xe0: {  	_ =	swait.ge [sflag:s15], $0x800  }
0xe1: {  	[sflag:s15] =	ssyncset.done $0x0  }
0xe2: {  	[sflag:s15] =	ssyncadd.s32 $0xFFFFF800  }
0xe3: {  	_ =	swait.ge [sflag:s15], $0x800  }
0xe4: {  	[sflag:s15] =	ssyncset.done $0x0  }
0xe5: {  	[sflag:s15] =	ssyncadd.s32 $0xFFFFF800  }
0xe6: {  	_ =	swait.ge [sflag:s15], $0x800  }
0xe7: {  	[sflag:s15] =	ssyncset.done $0x0  }
0xe8: {  	[sflag:s15] =	ssyncadd.s32 $0xFFFFF800  }
0xe9: {  	_ =	swait.ge [sflag:s15], $0x800  }
0xea: {  	[sflag:s15] =	ssyncset.done $0x0  }
0xeb: {  	[sflag:s15] =	ssyncadd.s32 $0xFFFFF800  }
0xec: {  	_ =	swait.ge [sflag:s15], $0x800  }
0xed: {  	[sflag:s15] =	ssyncset.done $0x0  }
0xee: {  	[sflag:s15] =	ssyncadd.s32 $0xFFFFF800  }
0xef: {  	_ =	swait.ge [sflag:s15], $0x800  }
0xf0: {  	[sflag:s15] =	ssyncset.done $0x0  }
0xf1: {  	[sflag:s15] =	ssyncadd.s32 $0xFFFFF800  }
0xf2: {  	_ =	swait.ge [sflag:s15], $0x800  }
0xf3: {  	[sflag:s15] =	ssyncset.done $0x0  }
0xf4: {  	[sflag:s15] =	ssyncadd.s32 $0xFFFFF800  }
0xf5: {  	_ =	swait.ge [sflag:s15], $0x800  }
0xf6: {  	[sflag:s15] =	ssyncset.done $0x0  }
0xf7: {  	[sflag:s15] =	ssyncadd.s32 $0xFFFFF800  }
0xf8: {  	_ =	swait.ge [sflag:s15], $0x800  }
0xf9: {  	[sflag:s15] =	ssyncset.done $0x0  }
0xfa: {  	[sflag:s15] =	ssyncadd.s32 $0xFFFFF800  }
0xfb: {  	_ =	swait.ge [sflag:s15], $0x800  }
0xfc: {  	[sflag:s15] =	ssyncset.done $0x0  }
0xfd: {  	[sflag:s15] =	ssyncadd.s32 $0xFFFFF800  }
0xfe: {  	_ =	swait.ge [sflag:s15], $0x800  }
0xff: {  	[sflag:s15] =	ssyncset.done $0x0  }
0x100: {  	[sflag:s15] =	ssyncadd.s32 $0xFFFFF800  }
0x101: {  	_ =	swait.ge [sflag:s15], $0x800  }
0x102: {  	s31 =	ssub.s32 $0x2, s1;
	[sflag:s15] =	ssyncset.done $0x0  }
0x103: {  	s1 =	sshrl.u32 s31, $0x1;
	[sflag:s15] =	ssyncadd.s32 $0xFFFFF800  }
0x104: {  	s0 =	ssub.s32 s31, s1;
	_ =	swait.ge [sflag:s15], $0x800  }
0x105: {  	s0 =	smax.u32 s0, $0x1;
	[sflag:s15] =	ssyncset.done $0x0  }
0x106: {  	p0 =	sne.s32 s0, $0x1;
	[sflag:s15] =	ssyncadd.s32 $0xFFFFF800  }
.Ltmp0:
0x107: {  	_ =	swait.ge [sflag:s15], $0x800;
	(pc) =	sbr.rel @!p0 .LBB2_3-.Ltmp0, $4  }
0x108: {  	[sflag:s15] =	ssyncset.done $0x0  }
0x109: {  	[sflag:s15] =	ssyncadd.s32 $0xFFFFF800  }
0x10a: {  	_ =	swait.ge [sflag:s15], $0x800  }
0x10b: {  	s8 =	sadd.s32 $0xFFFFFFFF, s0;
	[sflag:s15] =	ssyncset.done $0x0  }
0x10c: {  	s7 =	simm.s32 $0x1400  }
.LBB2_2:
0x10d: {  	[sflag:s15] =	ssyncadd.s32 $0xFFFFF800  }
0x10e: {  	_ =	swait.ge [sflag:s15], $0x800  }
0x10f: {  	[sflag:s15] =	ssyncset.done $0x0  }
0x110: {  	[sflag:s15] =	ssyncadd.s32 $0xFFFFF800  }
0x111: {  	_ =	swait.ge [sflag:s15], $0x800  }
0x112: {  	[sflag:s15] =	ssyncset.done $0x0  }
0x113: {  	[sflag:s15] =	ssyncadd.s32 $0xFFFFF800  }
0x114: {  	_ =	swait.ge [sflag:s15], $0x800  }
0x115: {  	[sflag:s15] =	ssyncset.done $0x0  }
0x116: {  	[sflag:s15] =	ssyncadd.s32 $0xFFFFF800  }
0x117: {  	_ =	swait.ge [sflag:s15], $0x800  }
0x118: {  	[sflag:s15] =	ssyncset.done $0x0  }
0x119: {  	[sflag:s15] =	ssyncadd.s32 $0xFFFFF800  }
0x11a: {  	_ =	swait.ge [sflag:s15], $0x800  }
0x11b: {  	[sflag:s15] =	ssyncset.done $0x0  }
0x11c: {  	[sflag:s15] =	ssyncadd.s32 $0xFFFFF800  }
0x11d: {  	_ =	swait.ge [sflag:s15], $0x800  }
0x11e: {  	[sflag:s15] =	ssyncset.done $0x0  }
0x11f: {  	[sflag:s15] =	ssyncadd.s32 $0xFFFFF800  }
0x120: {  	_ =	swait.ge [sflag:s15], $0x800  }
0x121: {  	s1 =	simm.s32 $0x0;
	[sflag:s15] =	ssyncset.done $0x0  }
0x122: {  	s3 =	simm.s32 $0x2;
	s0 =	rddreg [dreg:$0x4];
	[sflag:s15] =	ssyncadd.s32 $0xFFFFF800  }
0x123: {  	[hbm4b:s0+s1] =	stream.linear.scatter [tilespmem:s7], [sflag:$0x2], $0x14000, $0x38;
	[tilespmem:$0x15400] =	vst v63  }
0x124: {  	_ =	swait.ge [sflag:s3], $0x14000  }
0x125: {  	[sflag:s3] =	ssyncset.done $0x0  }
0x126: {  	s28 =	rddreg [dreg:$0x3];
	[sflag:s3] =	ssyncadd.s32 $0xFFFEC000  }
0x127: {  	[tilespmem:s1], [sflag:$0x2] =	stream.linear.gather [hbm4b:s28+s1], $0x1400, $0x38;
	[tilespmem:$0x15400] =	vst v63  }
0x128: {  	_ =	swait.ge [sflag:s3], $0x1400  }
0x129: {  	s29 =	sld [smem:$0x7E3]  }
0x12a: {  	s30 =	sld [smem:$0x7E4]  }
0x12b: {  	s31 =	sld [smem:$0x7E5]  }
0x12c: {  	s9 =	sld [smem:$0x7E6]  }
0x12d: {  	s10 =	sld [smem:$0x7E7]  }
0x12e: {  	s11 =	sld [smem:$0x7E8]  }
0x12f: {  	s12 =	sld [smem:$0x7E9]  }
0x130: {  	s13 =	sld [smem:$0x7EA]  }
0x131: {  	s14 =	sld [smem:$0x7EB]  }
0x132: {  	s16 =	sld [smem:$0x7EC]  }
0x133: {  	s17 =	sld [smem:$0x7ED]  }
0x134: {  	s18 =	sld [smem:$0x7EE]  }
0x135: {  	s19 =	sld [smem:$0x7EF]  }
0x136: {  	s20 =	rddreg [dreg:$0x1f]  }
0x137: {  	s21 =	rddreg [dreg:$0x1d]  }
0x138: {  	s22 =	rddreg [dreg:$0x1b]  }
0x139: {  	s23 =	rddreg [dreg:$0x19]  }
0x13a: {  	s24 =	rddreg [dreg:$0x17]  }
0x13b: {  	s25 =	rddreg [dreg:$0x15]  }
0x13c: {  	s26 =	rddreg [dreg:$0x13]  }
0x13d: {  	s28 =	rddreg [dreg:$0x11]  }
0x13e: {  	s4 =	rddreg [dreg:$0x6]  }
0x13f: {  	s2 =	rddreg [dreg:$0x5]  }
0x140: {  	[sflag:s3] =	ssyncset.done $0x0;
	s0 =	rddreg [dreg:$0x9]  }
0x141: {  	[sflag:s3] =	ssyncadd.s32 $0xFFFFEC00;
	s3 =	rddreg [dreg:$0x7]  }
0x142: {  	[tilespmem:s7], [sflag:$0x1] =	stream.indirect.gather [hbm4b:s5+s6], $0x10, s1, s6, $0xb8;
	[tilespmem:$0x15400] =	vst v63  }
0x143: {  	s1 =	rddreg [dreg:$0xa]  }
0x144: {  	[smem:$0x7E2] =	sst s29  }
0x145: {  	[smem:$0x7E1] =	sst s30  }
0x146: {  	[smem:$0x7E0] =	sst s31  }
0x147: {  	s29 =	rddreg [dreg:$0xf]  }
0x148: {  	s30 =	rddreg [dreg:$0xd]  }
0x149: {  	s31 =	rddreg [dreg:$0xb]  }
0x14a: {  	[tilespmem:s2], [sflag:$0x1] =	stream.indirect.gather [hbm4b:s5+s6], $0x10, s6, s6, $0xb8;
	[tilespmem:$0x15400] =	vst v63  }
0x14b: {  	s2 =	rddreg [dreg:$0x8]  }
0x14c: {  	[tilespmem:s3], [sflag:$0x1] =	stream.indirect.gather [hbm4b:s5+s6], $0x10, s4, s6, $0xb8;
	[tilespmem:$0x15400] =	vst v63  }
0x14d: {  	s4 =	rddreg [dreg:$0xe]  }
0x14e: {  	s3 =	rddreg [dreg:$0x14]  }
0x14f: {  	[tilespmem:s0], [sflag:$0x1] =	stream.indirect.gather [hbm4b:s5+s6], $0x10, s2, s6, $0xb8;
	[tilespmem:$0x15400] =	vst v63  }
0x150: {  	s2 =	rddreg [dreg:$0xc]  }
0x151: {  	[tilespmem:s31], [sflag:$0x1] =	stream.indirect.gather [hbm4b:s5+s6], $0x10, s1, s6, $0xb8;
	[tilespmem:$0x15400] =	vst v63  }
0x152: {  	s31 =	rddreg [dreg:$0x10]  }
0x153: {  	s1 =	rddreg [dreg:$0x12]  }
0x154: {  	[tilespmem:s30], [sflag:$0x1] =	stream.indirect.gather [hbm4b:s5+s6], $0x10, s2, s6, $0xb8;
	[tilespmem:$0x15400] =	vst v63  }
0x155: {  	s30 =	rddreg [dreg:$0x1e]  }
0x156: {  	[tilespmem:s29], [sflag:$0x1] =	stream.indirect.gather [hbm4b:s5+s6], $0x10, s4, s6, $0xb8;
	[tilespmem:$0x15400] =	vst v63  }
0x157: {  	s4 =	rddreg [dreg:$0x16]  }
0x158: {  	[tilespmem:s28], [sflag:$0x1] =	stream.indirect.gather [hbm4b:s5+s6], $0x10, s31, s6, $0xb8;
	[tilespmem:$0x15400] =	vst v63  }
0x159: {  	s29 =	rddreg [dreg:$0x1c]  }
0x15a: {  	[tilespmem:s26], [sflag:$0x1] =	stream.indirect.gather [hbm4b:s5+s6], $0x10, s1, s6, $0xb8;
	[tilespmem:$0x15400] =	vst v63  }
0x15b: {  	s28 =	rddreg [dreg:$0x1a]  }
0x15c: {  	[tilespmem:s25], [sflag:$0x1] =	stream.indirect.gather [hbm4b:s5+s6], $0x10, s3, s6, $0xb8;
	[tilespmem:$0x15400] =	vst v63  }
0x15d: {  	s31 =	sld [smem:$0x7F0]  }
0x15e: {  	[tilespmem:s24], [sflag:$0x1] =	stream.indirect.gather [hbm4b:s5+s6], $0x10, s4, s6, $0xb8;
	[tilespmem:$0x15400] =	vst v63  }
0x15f: {  	s26 =	rddreg [dreg:$0x18]  }
0x160: {  	[tilespmem:s23], [sflag:$0x1] =	stream.indirect.gather [hbm4b:s5+s6], $0x10, s26, s6, $0xb8;
	[tilespmem:$0x15400] =	vst v63  }
0x161: {  	s1 =	sld [smem:$0x7F1]  }
0x162: {  	[tilespmem:s22], [sflag:$0x1] =	stream.indirect.gather [hbm4b:s5+s6], $0x10, s28, s6, $0xb8;
	[tilespmem:$0x15400] =	vst v63  }
0x163: {  	s3 =	sld [smem:$0x7F2]  }
0x164: {  	[tilespmem:s21], [sflag:$0x1] =	stream.indirect.gather [hbm4b:s5+s6], $0x10, s29, s6, $0xb8;
	[tilespmem:$0x15400] =	vst v63  }
0x165: {  	s25 =	sld [smem:$0x7FB]  }
0x166: {  	[tilespmem:s20], [sflag:$0x1] =	stream.indirect.gather [hbm4b:s5+s6], $0x10, s30, s6, $0xb8;
	[tilespmem:$0x15400] =	vst v63  }
0x167: {  	s4 =	sld [smem:$0x7F3]  }
0x168: {  	[tilespmem:s19], [sflag:$0x1] =	stream.indirect.gather [hbm4b:s5+s6], $0x10, s31, s6, $0xb8;
	[tilespmem:$0x15400] =	vst v63  }
0x169: {  	s24 =	sld [smem:$0x7FA]  }
0x16a: {  	[tilespmem:s18], [sflag:$0x1] =	stream.indirect.gather [hbm4b:s5+s6], $0x10, s1, s6, $0xb8;
	[tilespmem:$0x15400] =	vst v63  }
0x16b: {  	s23 =	sld [smem:$0x7F9]  }
0x16c: {  	[tilespmem:s17], [sflag:$0x1] =	stream.indirect.gather [hbm4b:s5+s6], $0x10, s3, s6, $0xb8;
	[tilespmem:$0x15400] =	vst v63  }
0x16d: {  	s18 =	sld [smem:$0x7F4]  }
0x16e: {  	[tilespmem:s16], [sflag:$0x1] =	stream.indirect.gather [hbm4b:s5+s6], $0x10, s4, s6, $0xb8;
	[tilespmem:$0x15400] =	vst v63  }
0x16f: {  	s19 =	sld [smem:$0x7F5]  }
0x170: {  	[tilespmem:s14], [sflag:$0x1] =	stream.indirect.gather [hbm4b:s5+s6], $0x10, s18, s6, $0xb8;
	[tilespmem:$0x15400] =	vst v63  }
0x171: {  	s20 =	sld [smem:$0x7F6]  }
0x172: {  	[tilespmem:s13], [sflag:$0x1] =	stream.indirect.gather [hbm4b:s5+s6], $0x10, s19, s6, $0xb8;
	[tilespmem:$0x15400] =	vst v63  }
0x173: {  	s21 =	sld [smem:$0x7F7]  }
0x174: {  	[tilespmem:s12], [sflag:$0x1] =	stream.indirect.gather [hbm4b:s5+s6], $0x10, s20, s6, $0xb8;
	[tilespmem:$0x15400] =	vst v63  }
0x175: {  	s22 =	sld [smem:$0x7F8]  }
0x176: {  	[tilespmem:s11], [sflag:$0x1] =	stream.indirect.gather [hbm4b:s5+s6], $0x10, s21, s6, $0xb8;
	[tilespmem:$0x15400] =	vst v63  }
0x177: {  	s26 =	sld [smem:$0x7E0]  }
0x178: {  	[tilespmem:s10], [sflag:$0x1] =	stream.indirect.gather [hbm4b:s5+s6], $0x10, s22, s6, $0xb8;
	[tilespmem:$0x15400] =	vst v63  }
0x179: {  	s28 =	sld [smem:$0x7FC]  }
0x17a: {  	[tilespmem:s9], [sflag:$0x1] =	stream.indirect.gather [hbm4b:s5+s6], $0x10, s23, s6, $0xb8;
	[tilespmem:$0x15400] =	vst v63  }
0x17b: {  	s29 =	sld [smem:$0x7E1]  }
0x17c: {  	[tilespmem:s26], [sflag:$0x1] =	stream.indirect.gather [hbm4b:s5+s6], $0x10, s24, s6, $0xb8;
	[tilespmem:$0x15400] =	vst v63  }
0x17d: {  	s31 =	sld [smem:$0x7E2]  }
0x17e: {  	[tilespmem:s29], [sflag:$0x1] =	stream.indirect.gather [hbm4b:s5+s6], $0x10, s25, s6, $0xb8;
	[tilespmem:$0x15400] =	vst v63  }
0x17f: {  	s30 =	sld [smem:$0x7FD]  }
0x180: {  	[tilespmem:s31], [sflag:$0x1] =	stream.indirect.gather [hbm4b:s5+s6], $0x10, s28, s6, $0xb8;
	[tilespmem:$0x15400] =	vst v63  }
0x181: {  	s3 =	simm.s32 $0xF400  }
0x182: {  	[tilespmem:s3], [sflag:$0x1] =	stream.indirect.gather [hbm4b:s5+s6], $0x10, s30, s6, $0xb8;
	[tilespmem:$0x15400] =	vst v63  }
0x183: {  	s4 =	simm.s32 $0xE80;
	s9 =	simm.s32 $0xFC00  }
0x184: {  	[tilespmem:s9], [sflag:$0x1] =	stream.indirect.gather [hbm4b:s5+s6], $0x10, s4, s6, $0xb8;
	[tilespmem:$0x15400] =	vst v63  }
0x185: {  	s11 =	simm.s32 $0x10400;
	s10 =	simm.s32 $0xF00  }
0x186: {  	[tilespmem:s11], [sflag:$0x1] =	stream.indirect.gather [hbm4b:s5+s6], $0x10, s10, s6, $0xb8;
	[tilespmem:$0x15400] =	vst v63  }
0x187: {  	s13 =	simm.s32 $0x10C00;
	s12 =	simm.s32 $0xF80  }
0x188: {  	[tilespmem:s13], [sflag:$0x1] =	stream.indirect.gather [hbm4b:s5+s6], $0x10, s12, s6, $0xb8;
	[tilespmem:$0x15400] =	vst v63  }
0x189: {  	s16 =	simm.s32 $0x11400;
	s14 =	simm.s32 $0x1000  }
0x18a: {  	[tilespmem:s16], [sflag:$0x1] =	stream.indirect.gather [hbm4b:s5+s6], $0x10, s14, s6, $0xb8;
	[tilespmem:$0x15400] =	vst v63  }
0x18b: {  	s17 =	simm.s32 $0x1080;
	s18 =	simm.s32 $0x11C00  }
0x18c: {  	[tilespmem:s18], [sflag:$0x1] =	stream.indirect.gather [hbm4b:s5+s6], $0x10, s17, s6, $0xb8;
	[tilespmem:$0x15400] =	vst v63  }
0x18d: {  	s19 =	simm.s32 $0x1100;
	s20 =	simm.s32 $0x12400  }
0x18e: {  	[tilespmem:s20], [sflag:$0x1] =	stream.indirect.gather [hbm4b:s5+s6], $0x10, s19, s6, $0xb8;
	[tilespmem:$0x15400] =	vst v63  }
0x18f: {  	s21 =	simm.s32 $0x1180;
	s22 =	simm.s32 $0x12C00  }
0x190: {  	[tilespmem:s22], [sflag:$0x1] =	stream.indirect.gather [hbm4b:s5+s6], $0x10, s21, s6, $0xb8;
	[tilespmem:$0x15400] =	vst v63  }
0x191: {  	s23 =	simm.s32 $0x1200;
	s24 =	simm.s32 $0x13400  }
0x192: {  	[tilespmem:s24], [sflag:$0x1] =	stream.indirect.gather [hbm4b:s5+s6], $0x10, s23, s6, $0xb8;
	[tilespmem:$0x15400] =	vst v63  }
0x193: {  	s26 =	simm.s32 $0x13C00;
	s25 =	simm.s32 $0x1280  }
0x194: {  	[tilespmem:s26], [sflag:$0x1] =	stream.indirect.gather [hbm4b:s5+s6], $0x10, s25, s6, $0xb8;
	[tilespmem:$0x15400] =	vst v63  }
0x195: {  	s29 =	simm.s32 $0x14400;
	s28 =	simm.s32 $0x1300  }
0x196: {  	[tilespmem:s29], [sflag:$0x1] =	stream.indirect.gather [hbm4b:s5+s6], $0x10, s28, s6, $0xb8;
	[tilespmem:$0x15400] =	vst v63  }
0x197: {  	s31 =	simm.s32 $0x14C00;
	s30 =	simm.s32 $0x1380  }
0x198: {  	[tilespmem:s31], [sflag:$0x1] =	stream.indirect.gather [hbm4b:s5+s6], $0x10, s30, s6, $0xb8;
	[tilespmem:$0x15400] =	vst v63  }
0x199: {  	_ =	swait.ge [sflag:s15], $0x800  }
0x19a: {  	[sflag:s15] =	ssyncset.done $0x0  }
0x19b: {  	[sflag:s15] =	ssyncadd.s32 $0xFFFFF800  }
0x19c: {  	_ =	swait.ge [sflag:s15], $0x800  }
0x19d: {  	[sflag:s15] =	ssyncset.done $0x0  }
0x19e: {  	[sflag:s15] =	ssyncadd.s32 $0xFFFFF800  }
0x19f: {  	_ =	swait.ge [sflag:s15], $0x800  }
0x1a0: {  	[sflag:s15] =	ssyncset.done $0x0  }
0x1a1: {  	[sflag:s15] =	ssyncadd.s32 $0xFFFFF800  }
0x1a2: {  	_ =	swait.ge [sflag:s15], $0x800  }
0x1a3: {  	[sflag:s15] =	ssyncset.done $0x0  }
0x1a4: {  	[sflag:s15] =	ssyncadd.s32 $0xFFFFF800  }
0x1a5: {  	_ =	swait.ge [sflag:s15], $0x800  }
0x1a6: {  	[sflag:s15] =	ssyncset.done $0x0  }
0x1a7: {  	[sflag:s15] =	ssyncadd.s32 $0xFFFFF800  }
0x1a8: {  	_ =	swait.ge [sflag:s15], $0x800  }
0x1a9: {  	[sflag:s15] =	ssyncset.done $0x0  }
0x1aa: {  	[sflag:s15] =	ssyncadd.s32 $0xFFFFF800  }
0x1ab: {  	_ =	swait.ge [sflag:s15], $0x800  }
0x1ac: {  	[sflag:s15] =	ssyncset.done $0x0  }
0x1ad: {  	[sflag:s15] =	ssyncadd.s32 $0xFFFFF800  }
0x1ae: {  	_ =	swait.ge [sflag:s15], $0x800  }
0x1af: {  	[sflag:s15] =	ssyncset.done $0x0  }
0x1b0: {  	[sflag:s15] =	ssyncadd.s32 $0xFFFFF800  }
0x1b1: {  	_ =	swait.ge [sflag:s15], $0x800  }
0x1b2: {  	[sflag:s15] =	ssyncset.done $0x0  }
0x1b3: {  	[sflag:s15] =	ssyncadd.s32 $0xFFFFF800  }
0x1b4: {  	_ =	swait.ge [sflag:s15], $0x800  }
0x1b5: {  	[sflag:s15] =	ssyncset.done $0x0  }
0x1b6: {  	[sflag:s15] =	ssyncadd.s32 $0xFFFFF800  }
0x1b7: {  	_ =	swait.ge [sflag:s15], $0x800  }
0x1b8: {  	[sflag:s15] =	ssyncset.done $0x0  }
0x1b9: {  	[sflag:s15] =	ssyncadd.s32 $0xFFFFF800  }
0x1ba: {  	_ =	swait.ge [sflag:s15], $0x800  }
0x1bb: {  	[sflag:s15] =	ssyncset.done $0x0  }
0x1bc: {  	[sflag:s15] =	ssyncadd.s32 $0xFFFFF800  }
0x1bd: {  	_ =	swait.ge [sflag:s15], $0x800  }
0x1be: {  	[sflag:s15] =	ssyncset.done $0x0  }
0x1bf: {  	[sflag:s15] =	ssyncadd.s32 $0xFFFFF800  }
0x1c0: {  	_ =	swait.ge [sflag:s15], $0x800  }
0x1c1: {  	[sflag:s15] =	ssyncset.done $0x0  }
0x1c2: {  	[sflag:s15] =	ssyncadd.s32 $0xFFFFF800  }
0x1c3: {  	_ =	swait.ge [sflag:s15], $0x800  }
0x1c4: {  	[sflag:s15] =	ssyncset.done $0x0  }
0x1c5: {  	[sflag:s15] =	ssyncadd.s32 $0xFFFFF800  }
0x1c6: {  	_ =	swait.ge [sflag:s15], $0x800  }
0x1c7: {  	[sflag:s15] =	ssyncset.done $0x0  }
0x1c8: {  	[sflag:s15] =	ssyncadd.s32 $0xFFFFF800  }
0x1c9: {  	_ =	swait.ge [sflag:s15], $0x800  }
0x1ca: {  	[sflag:s15] =	ssyncset.done $0x0  }
0x1cb: {  	[sflag:s15] =	ssyncadd.s32 $0xFFFFF800  }
0x1cc: {  	_ =	swait.ge [sflag:s15], $0x800  }
0x1cd: {  	[sflag:s15] =	ssyncset.done $0x0  }
0x1ce: {  	[sflag:s15] =	ssyncadd.s32 $0xFFFFF800  }
0x1cf: {  	_ =	swait.ge [sflag:s15], $0x800  }
0x1d0: {  	[sflag:s15] =	ssyncset.done $0x0  }
0x1d1: {  	[sflag:s15] =	ssyncadd.s32 $0xFFFFF800  }
0x1d2: {  	_ =	swait.ge [sflag:s15], $0x800  }
0x1d3: {  	[sflag:s15] =	ssyncset.done $0x0  }
0x1d4: {  	[sflag:s15] =	ssyncadd.s32 $0xFFFFF800  }
0x1d5: {  	_ =	swait.ge [sflag:s15], $0x800  }
0x1d6: {  	[sflag:s15] =	ssyncset.done $0x0  }
0x1d7: {  	[sflag:s15] =	ssyncadd.s32 $0xFFFFF800  }
0x1d8: {  	_ =	swait.ge [sflag:s15], $0x800  }
0x1d9: {  	[sflag:s15] =	ssyncset.done $0x0  }
0x1da: {  	[sflag:s15] =	ssyncadd.s32 $0xFFFFF800  }
0x1db: {  	_ =	swait.ge [sflag:s15], $0x800  }
0x1dc: {  	[sflag:s15] =	ssyncset.done $0x0  }
0x1dd: {  	[sflag:s15] =	ssyncadd.s32 $0xFFFFF800  }
0x1de: {  	_ =	swait.ge [sflag:s15], $0x800  }
0x1df: {  	[sflag:s15] =	ssyncset.done $0x0  }
0x1e0: {  	[sflag:s15] =	ssyncadd.s32 $0xFFFFF800  }
0x1e1: {  	_ =	swait.ge [sflag:s15], $0x800  }
0x1e2: {  	[sflag:s15] =	ssyncset.done $0x0  }
0x1e3: {  	[sflag:s15] =	ssyncadd.s32 $0xFFFFF800  }
0x1e4: {  	_ =	swait.ge [sflag:s15], $0x800  }
0x1e5: {  	[sflag:s15] =	ssyncset.done $0x0  }
0x1e6: {  	[sflag:s15] =	ssyncadd.s32 $0xFFFFF800  }
0x1e7: {  	_ =	swait.ge [sflag:s15], $0x800  }
0x1e8: {  	[sflag:s15] =	ssyncset.done $0x0  }
0x1e9: {  	[sflag:s15] =	ssyncadd.s32 $0xFFFFF800  }
0x1ea: {  	_ =	swait.ge [sflag:s15], $0x800  }
0x1eb: {  	[sflag:s15] =	ssyncset.done $0x0  }
0x1ec: {  	[sflag:s15] =	ssyncadd.s32 $0xFFFFF800  }
0x1ed: {  	_ =	swait.ge [sflag:s15], $0x800  }
0x1ee: {  	[sflag:s15] =	ssyncset.done $0x0  }
0x1ef: {  	[sflag:s15] =	ssyncadd.s32 $0xFFFFF800  }
0x1f0: {  	_ =	swait.ge [sflag:s15], $0x800  }
0x1f1: {  	[sflag:s15] =	ssyncset.done $0x0  }
0x1f2: {  	[sflag:s15] =	ssyncadd.s32 $0xFFFFF800  }
0x1f3: {  	_ =	swait.ge [sflag:s15], $0x800  }
0x1f4: {  	[sflag:s15] =	ssyncset.done $0x0  }
0x1f5: {  	p0 =	sne.s32 s8, $0x1;
	[sflag:s15] =	ssyncadd.s32 $0xFFFFF800  }
.Ltmp1:
0x1f6: {  	_ =	swait.ge [sflag:s15], $0x800;
	(pc) =	sbr.rel @p0 .LBB2_2-.Ltmp1, $4  }
0x1f7: {  	[sflag:s15] =	ssyncset.done $0x0  }
0x1f8: {  	[sflag:s15] =	ssyncadd.s32 $0xFFFFF800  }
0x1f9: {  	_ =	swait.ge [sflag:s15], $0x800  }
0x1fa: {  	s8 =	sadd.s32 $0xFFFFFFFF, s8;
	[sflag:s15] =	ssyncset.done $0x0  }
.LBB2_3:
0x1fb: {  	[sflag:s15] =	ssyncadd.s32 $0xFFFFF800  }
0x1fc: {  	_ =	swait.ge [sflag:s15], $0x800  }
0x1fd: {  	[sflag:s15] =	ssyncset.done $0x0  }
0x1fe: {  	[sflag:s15] =	ssyncadd.s32 $0xFFFFF800  }
0x1ff: {  	_ =	swait.ge [sflag:s15], $0x800  }
0x200: {  	[sflag:s15] =	ssyncset.done $0x0  }
0x201: {  	[sflag:s15] =	ssyncadd.s32 $0xFFFFF800  }
0x202: {  	_ =	swait.ge [sflag:s15], $0x800  }
0x203: {  	[sflag:s15] =	ssyncset.done $0x0  }
0x204: {  	[sflag:s15] =	ssyncadd.s32 $0xFFFFF800  }
0x205: {  	_ =	swait.ge [sflag:s15], $0x800  }
0x206: {  	[sflag:s15] =	ssyncset.done $0x0  }
0x207: {  	[sflag:s15] =	ssyncadd.s32 $0xFFFFF800  }
0x208: {  	_ =	swait.ge [sflag:s15], $0x800  }
0x209: {  	[sflag:s15] =	ssyncset.done $0x0  }
0x20a: {  	[sflag:s15] =	ssyncadd.s32 $0xFFFFF800  }
0x20b: {  	_ =	swait.ge [sflag:s15], $0x800  }
0x20c: {  	[sflag:s15] =	ssyncset.done $0x0  }
0x20d: {  	[sflag:s15] =	ssyncadd.s32 $0xFFFFF800  }
0x20e: {  	_ =	swait.ge [sflag:s15], $0x800  }
0x20f: {  	s1 =	simm.s32 $0x0;
	s2 =	simm.s32 $0x1400;
	[sflag:s15] =	ssyncset.done $0x0  }
0x210: {  	s30 =	simm.s32 $0x2;
	s0 =	rddreg [dreg:$0x4];
	[sflag:s15] =	ssyncadd.s32 $0xFFFFF800  }
0x211: {  	[hbm4b:s0+s1] =	stream.linear.scatter [tilespmem:s2], [sflag:$0x2], $0x14000, $0x38;
	[tilespmem:$0x15400] =	vst v63  }
0x212: {  	_ =	swait.ge [sflag:s30], $0x14000  }
0x213: {  	[sflag:s30] =	ssyncset.done $0x0  }
0x214: {  	[sflag:s30] =	ssyncadd.s32 $0xFFFEC000  }
0x215: {  	_ =	sfence.sel $0x180000  }
0x216: {  	[bflag:$0x0] =	sbarrier.arrive $0xFFFF  }
0x217: {  	_ =	strace $0x90000047  }
0x218: {  	s31 =	stileid.u32;
	[bflag:$0x2] =	sbarrier.arrive $0xFFFF  }
0x219: {  	p0 =	sne.s32 s31, $0x0;
	s0 =	rddreg [dreg:$0x2]  }
0x21a: {  	s0 =	sadd.s32 @!p0 $0x100000, s0  }
0x21b: {  	[sflag:s0] =	ssyncadd.tile.s32 @!p0 $0x1;
	_ =	shalt  }
.Lfunc_end2:
_tile_overlayer_lowered:
.L_overlay_start_2:
0x21c: {  	(tag) =	ssettag $0x2  }
0x21d: {  	s0 =	rddreg [dreg:$0x0];
	s2 =	stileid.u32  }
0x21e: {  	s1 =	rddreg [dreg:$0x1];
	p0 =	sne.s32 s2, $0x0  }
0x21f: {  	s3 =	rddreg [dreg:$0x2];
	[bflag:$0x3] =	sbarrier.arrive $0xFFFF;
	s2 =	simm.s32 @!p0 $0x1C02  }
0x220: {  	[timem:s3], [sflag:s2] =	dma.local @!p0 [hbm:s0], s1  }
0x221: {  	s0 =	simm.s32 @!p0 $0x2  }
0x222: {  	_ =	swait.ge @!p0 [sflag:s0], s1  }
0x223: {  	s1 =	ssub.s32 @!p0 $0x0, s1;
	[sflag:s0] =	ssyncset.done @!p0 $0x0  }
0x224: {  	[sflag:s0] =	ssyncadd.s32 @!p0 s1  }
0x225: {  	[bflag:$0x3] =	sbarrier.arrive $0xFFFF  }
0x226: {  	_ =	shalt  }

</sc_bundles>
